<compile_context>
chip_gen: v7x
topology: tpu7x:2x2x1
jax: 0.10.2.dev20260603
libtpu: 0.0.44.dev20260713+nightly
codegen_flags: <defaults>
</compile_context>

<pallas_src>
import functools

import jax
import jax.numpy as jnp
from jax import lax
from jax.experimental import pallas as pl
from jax.experimental.pallas import tpu as pltpu
from jax.experimental.pallas import tpu_sc as plsc

NUM_EMBEDDINGS = 1_000_000
N_INDICES = 819200
EMBED_DIM = 3
NUM_CORES = 2
NUM_SUBCORES = 16
L = 16
NW = NUM_CORES * NUM_SUBCORES
B = N_INDICES // NW
IC = 6400
NIC = B // IC
SCALES = (5.0, 10.0, 6.0)

CNT_WORDS = NUM_EMBEDDINGS

VC = 4000
NCH = NUM_EMBEDDINGS // VC
CPT = NCH // NUM_SUBCORES
EXTRA = NCH - CPT * NUM_SUBCORES

_mesh = plsc.VectorSubcoreMesh(
    core_axis_name="c", subcore_axis_name="s",
    num_cores=NUM_CORES, num_subcores=NUM_SUBCORES)


@functools.partial(
    pl.kernel,
    out_type=jax.ShapeDtypeStruct((NW, 9, L), jnp.float32),
    mesh=_mesh,
    scratch_types=[
        [pltpu.VMEM((IC,), jnp.int32) for _ in range(NIC)],
        pltpu.VMEM((IC,), jnp.float32),
        pltpu.VMEM((VC,), jnp.float32),
        pltpu.VMEM((VC,), jnp.float32),
        pltpu.VMEM((VC,), jnp.float32),
        pltpu.VMEM((VC,), jnp.float32),
        pltpu.VMEM((VC,), jnp.float32),
        pltpu.VMEM((VC,), jnp.float32),
        pltpu.VMEM((VC,), jnp.float32),
        pltpu.VMEM((9, L), jnp.float32),
        pltpu.VMEM_SHARED((CNT_WORDS,), jnp.float32),
        pltpu.SemaphoreType.DMA,
        pltpu.SemaphoreType.DMA,
    ],
)
def _eb_hist_kernel(idx_hbm, w00, w01, w02, w10, w11, w12, w20, w21, w22,
                    out_hbm,
                    idx_bufs, ones_v, cnt_v, wa0, wa1, wa2, wb0, wb1, wb2,
                    out_v, counts_sp, sem_a, sem_b):
    cid = lax.axis_index("c")
    sid = lax.axis_index("s")
    wid = sid * NUM_CORES + cid

    zero16 = jnp.zeros((L,), jnp.float32)
    one16 = zero16 + 1.0

    def fill_ones(i, _, ones_v=ones_v):
        ones_v[pl.ds(i * L, L)] = one16
        return 0

    lax.fori_loop(0, IC // L, fill_ones, 0)

    def fill_zero(i, _, cnt_v=cnt_v):
        cnt_v[pl.ds(i * L, L)] = zero16
        return 0

    lax.fori_loop(0, VC // L, fill_zero, 0)

    def local_start(it, sid=sid):
        return pl.multiple_of((sid + NUM_SUBCORES * it) * VC, 8)

    n_my_chunks = jnp.where(sid < EXTRA, CPT + 1, CPT)

    def zero_chunk(it, _, cnt_v=cnt_v, counts_sp=counts_sp):
        pltpu.sync_copy(cnt_v, counts_sp.at[pl.ds(local_start(it), VC)])
        return 0

    lax.fori_loop(0, n_my_chunks, zero_chunk, 0)
    plsc.subcore_barrier()

    for j, buf in enumerate(idx_bufs):
        pltpu.sync_copy(idx_hbm.at[wid, j], buf)
    plsc.subcore_barrier()

    for turn in range(NUM_SUBCORES):
        @pl.when(sid == turn)
        def _turn():
            for buf in idx_bufs:
                pltpu.sync_copy(ones_v, counts_sp.at[buf], add=True)
        plsc.subcore_barrier()

    tables = (((w00, w01, w02), SCALES[0]),
              ((w10, w11, w12), SCALES[1]),
              ((w20, w21, w22), SCALES[2]))
    slots = ((wa0, wa1, wa2), (wb0, wb1, wb2))
    sems = (sem_a, sem_b)

    def fire_table(g, it, slot):
        planes = tables[g][0]
        start = local_start(it)
        return [pltpu.async_copy(planes[c].at[pl.ds(start, VC)],
                                 slots[slot][c], sems[slot])
                for c in range(EMBED_DIM)]

    def reduce_table(accs, g, slot, cnt_v=cnt_v):
        w0_v, w1_v, w2_v = slots[slot]

        def body(i, carry, w0_v=w0_v, w1_v=w1_v, w2_v=w2_v):
            a0, a1, a2 = carry
            for u in range(2):
                s = pl.ds((2 * i + u) * L, L)
                cnt16 = cnt_v[s]
                a0 = a0 + cnt16 * w0_v[s]
                a1 = a1 + cnt16 * w1_v[s]
                a2 = a2 + cnt16 * w2_v[s]
            return a0, a1, a2

        new = lax.fori_loop(0, VC // (2 * L), body,
                            (accs[3 * g], accs[3 * g + 1], accs[3 * g + 2]))
        accs = list(accs)
        accs[3 * g], accs[3 * g + 1], accs[3 * g + 2] = new
        return tuple(accs)

    def chunk_body(it, accs):
        pltpu.sync_copy(counts_sp.at[pl.ds(local_start(it), VC)], cnt_v)
        descs = fire_table(0, it, 0)
        for g in range(3):
            nxt = fire_table(g + 1, it, (g + 1) % 2) if g < 2 else None
            for d in descs:
                d.wait()
            accs = reduce_table(accs, g, g % 2)
            descs = nxt
        return accs

    accs = lax.fori_loop(0, n_my_chunks, chunk_body,
                         tuple(zero16 for _ in range(9)))

    for p in range(9):
        out_v[p, :] = accs[p] * tables[p // 3][1]

    pltpu.sync_copy(out_v, out_hbm.at[wid])


def kernel(eb_input, eb_offset, W0, W1, W2):
    del eb_offset
    idx = eb_input.astype(jnp.int32).reshape(NW, NIC, IC)

    planes = [W[:, c] for W in (W0, W1, W2) for c in range(EMBED_DIM)]
    partials = _eb_hist_kernel(idx, *planes)
    return jnp.sum(partials, axis=(0, 2)).reshape(3, EMBED_DIM)

# --- scband reference (transcript-rebuilt; emitter-appended) ---
"""Pipeline reference for scband-custom-model-embedding-bag-group-3753801417102 (READ-ONLY COPY).

The authoritative reference and input builder live on the scoring server;
editing this copy changes nothing except your own understanding.
"""

import jax, jax.numpy as jnp
import numpy as np

NUM_EMBEDDINGS = 1000000
EMBED_DIM = 3
N_INDICES = 819200
N_BAGS = 16384


def embedding_bag_sum(W, inp, offsets):
    # torch.nn.EmbeddingBag(mode='sum') with 1-D input and offsets
    n = inp.shape[0]
    seg = jnp.searchsorted(offsets, jnp.arange(n), side='right') - 1
    vals = jnp.take(W, inp, axis=0)
    return jax.ops.segment_sum(vals, seg, num_segments=offsets.shape[0])


def setup_inputs(seed: int = 0) -> dict:
    key = jax.random.key(seed)
    k1, k2, k3, k4, k5 = jax.random.split(key, 5)
    eb_input = jax.random.randint(k1, (N_INDICES,), 0, NUM_EMBEDDINGS, dtype=jnp.int64)
    eb_offset = jnp.sort(jax.random.randint(k2, (N_BAGS,), 0, N_INDICES, dtype=jnp.int64))
    eb_offset = eb_offset.at[0].set(0)  # EmbeddingBag requires offsets[0] == 0
    # Note: [EmbeddingBag(...)] * k in the original creates k references to ONE
    # shared table per group, so there are exactly 3 distinct weight tables.
    W0 = jax.random.normal(k3, (NUM_EMBEDDINGS, EMBED_DIM), dtype=jnp.float32)
    W1 = jax.random.normal(k4, (NUM_EMBEDDINGS, EMBED_DIM), dtype=jnp.float32)
    W2 = jax.random.normal(k5, (NUM_EMBEDDINGS, EMBED_DIM), dtype=jnp.float32)
    return {"eb_input": eb_input, "eb_offset": eb_offset, "W0": W0, "W1": W1, "W2": W2}


def reference(eb_input, eb_offset, W0, W1, W2):
    eb_outputs_grp_0 = [embedding_bag_sum(W0, eb_input, eb_offset) for _ in range(5)]
    eb_sum_0 = jnp.expand_dims(jnp.sum(jnp.concatenate(eb_outputs_grp_0, axis=0), axis=0), axis=0)
    eb_outputs_grp_1 = [embedding_bag_sum(W1, eb_input, eb_offset) for _ in range(10)]
    eb_sum_1 = jnp.expand_dims(jnp.sum(jnp.concatenate(eb_outputs_grp_1, axis=0), axis=0), axis=0)
    eb_outputs_grp_2 = [embedding_bag_sum(W2, eb_input, eb_offset) for _ in range(6)]
    eb_sum_2 = jnp.expand_dims(jnp.sum(jnp.concatenate(eb_outputs_grp_2, axis=0), axis=0), axis=0)
    output = jnp.concatenate([eb_sum_0, eb_sum_1, eb_sum_2], axis=0)
    return output

if __name__ == "__main__":
    import jax
    _d = setup_inputs()
    print(jax.jit(kernel)(*tuple(_d.values())))

</pallas_src>

<mosaic_0001>
#map = affine_map<(d0, d1) -> (0, 0, 0)>
#map1 = affine_map<(d0, d1) -> (0)>
module attributes {stable_mosaic.version = 14 : i64} {
  func.func @_eb_hist_kernel(%arg0: i32, %arg1: i32, %arg2: memref<32x4x6400xi32, #tpu.memory_space<hbm>>, %arg3: memref<1000000xf32, #tpu.memory_space<hbm>>, %arg4: memref<1000000xf32, #tpu.memory_space<hbm>>, %arg5: memref<1000000xf32, #tpu.memory_space<hbm>>, %arg6: memref<1000000xf32, #tpu.memory_space<hbm>>, %arg7: memref<1000000xf32, #tpu.memory_space<hbm>>, %arg8: memref<1000000xf32, #tpu.memory_space<hbm>>, %arg9: memref<1000000xf32, #tpu.memory_space<hbm>>, %arg10: memref<1000000xf32, #tpu.memory_space<hbm>>, %arg11: memref<1000000xf32, #tpu.memory_space<hbm>>, %arg12: memref<32x9x16xf32, #tpu.memory_space<hbm>>, %arg13: memref<6400xi32, #tpu.memory_space<vmem>>, %arg14: memref<6400xi32, #tpu.memory_space<vmem>>, %arg15: memref<6400xi32, #tpu.memory_space<vmem>>, %arg16: memref<6400xi32, #tpu.memory_space<vmem>>, %arg17: memref<6400xf32, #tpu.memory_space<vmem>>, %arg18: memref<4000xf32, #tpu.memory_space<vmem>>, %arg19: memref<4000xf32, #tpu.memory_space<vmem>>, %arg20: memref<4000xf32, #tpu.memory_space<vmem>>, %arg21: memref<4000xf32, #tpu.memory_space<vmem>>, %arg22: memref<4000xf32, #tpu.memory_space<vmem>>, %arg23: memref<4000xf32, #tpu.memory_space<vmem>>, %arg24: memref<4000xf32, #tpu.memory_space<vmem>>, %arg25: memref<9x16xf32, #tpu.memory_space<vmem>>, %arg26: memref<1000000xf32, #tpu.memory_space<vmem_shared>>, %arg27: memref<!tpu.dma_semaphore, #tpu.memory_space<semaphore_mem>>, %arg28: memref<!tpu.dma_semaphore, #tpu.memory_space<semaphore_mem>>) attributes {dimension_semantics = [#tpu.dimension_semantics<core_parallel>, #tpu.dimension_semantics<subcore_parallel>], iteration_bounds = array<i64: 2, 16>, scalar_prefetch = 0 : i64, scratch_operands = 16 : i64, tpu.core_type = #tpu.core_type<sc_vector_subcore>, window_params = [{transform_indices = #map}, {transform_indices = #map1}, {transform_indices = #map1}, {transform_indices = #map1}, {transform_indices = #map1}, {transform_indices = #map1}, {transform_indices = #map1}, {transform_indices = #map1}, {transform_indices = #map1}, {transform_indices = #map1}, {transform_indices = #map}]} {
    %mul3A = arith.constant 2 : i32
    %mul3A_0 = arith.muli %arg1, %mul3A : i32
    %add3A = arith.addi %mul3A_0, %arg0 : i32
    %broadcast_in_dim3A = arith.constant 0.000000e+00 : f32
    %broadcast_in_dim3A_1 = vector.broadcast %broadcast_in_dim3A : f32 to vector<16xf32>
    %add3A_2 = arith.constant 1.000000e+00 : f32
    %add3A_3 = vector.broadcast %add3A_2 : f32 to vector<16xf32>
    %add3A_4 = arith.addf %broadcast_in_dim3A_1, %add3A_3 : vector<16xf32>
    %scan3A = arith.constant 0 : i32
    %scan3A_5 = arith.constant 0 : i32
    %scan3A_6 = arith.constant 400 : i32
    %scan3A_7 = arith.addi %scan3A_5, %scan3A_6 : i32
    %scan3A_8 = arith.constant 1 : i32
    %scan3A_9 = scf.for %scan3A_219 = %scan3A_5 to %scan3A_7 step %scan3A_8 iter_args(%scan3A_220 = %scan3A) -> (i32)  : i32 {
      %mul3A_221 = arith.constant 16 : i32
      %mul3A_222 = arith.muli %scan3A_219, %mul3A_221 : i32
      %swap3A_223 = arith.index_cast %mul3A_222 : i32 to index
      %swap3A_224 = tpu.vector_load %arg17[%swap3A_223] {strides = array<i32>} : memref<6400xf32, #tpu.memory_space<vmem>>, vector<16xf32>,
      %swap3A_225 = vector.shape_cast %swap3A_224 : vector<16xf32> to vector<16xf32>
      %swap3A_226 = vector.shape_cast %add3A_4 : vector<16xf32> to vector<16xf32>
      tpu.vector_store %arg17[%swap3A_223], %swap3A_226 {strides = array<i32>} : memref<6400xf32, #tpu.memory_space<vmem>>, vector<16xf32>,
      %scan3A_227 = arith.constant 0 : i32
      scf.yield %scan3A_227 : i32
    }
    %scan3A_10 = arith.constant 400 : i32
    %scan3A_11 = arith.constant 0 : i32
    %scan3A_12 = arith.constant 0 : i32
    %scan3A_13 = arith.constant 250 : i32
    %scan3A_14 = arith.addi %scan3A_12, %scan3A_13 : i32
    %scan3A_15 = arith.constant 1 : i32
    %scan3A_16 = scf.for %scan3A_219 = %scan3A_12 to %scan3A_14 step %scan3A_15 iter_args(%scan3A_220 = %scan3A_11) -> (i32)  : i32 {
      %mul3A_221 = arith.constant 16 : i32
      %mul3A_222 = arith.muli %scan3A_219, %mul3A_221 : i32
      %swap3A_223 = arith.index_cast %mul3A_222 : i32 to index
      %swap3A_224 = tpu.vector_load %arg18[%swap3A_223] {strides = array<i32>} : memref<4000xf32, #tpu.memory_space<vmem>>, vector<16xf32>,
      %swap3A_225 = vector.shape_cast %swap3A_224 : vector<16xf32> to vector<16xf32>
      %swap3A_226 = vector.shape_cast %broadcast_in_dim3A_1 : vector<16xf32> to vector<16xf32>
      tpu.vector_store %arg18[%swap3A_223], %swap3A_226 {strides = array<i32>} : memref<4000xf32, #tpu.memory_space<vmem>>, vector<16xf32>,
      %scan3A_227 = arith.constant 0 : i32
      scf.yield %scan3A_227 : i32
    }
    %scan3A_17 = arith.constant 250 : i32
    %lt3A = arith.constant 10 : i32
    %lt3A_18 = arith.cmpi slt, %arg1, %lt3A : i32
    %jit3A = arith.constant 16 : i32
    %jit3A_19 = arith.constant 15 : i32
    %select_n3A = arith.select %lt3A_18, %jit3A, %jit3A_19 : i32
    %while3A = arith.constant 0 : i32
    %while3A_20 = arith.constant 0 : i32
    %while3A_21 = arith.subi %select_n3A, %while3A : i32
    %while3A_22 = arith.addi %while3A, %while3A_21 : i32
    %while3A_23 = arith.constant 1 : i32
    %while3A_24 = arith.divsi %while3A_21, %while3A_23 : i32
    %while3A_25 = arith.muli %while3A_24, %while3A_23 : i32
    %while3A_26 = arith.addi %while3A, %while3A_25 : i32
    %while3A_27 = arith.constant 1 : i32
    %while3A_28 = scf.for %while3A_219 = %while3A to %while3A_26 step %while3A_27 iter_args(%while3A_220 = %while3A_20) -> (i32)  : i32 {
      %mul3A_221 = arith.constant 16 : i32
      %mul3A_222 = arith.muli %mul3A_221, %while3A_219 : i32
      %add3A_223 = arith.addi %arg1, %mul3A_222 : i32
      %mul3A_224 = arith.constant 4000 : i32
      %mul3A_225 = arith.muli %add3A_223, %mul3A_224 : i32
      %multiple_of3A = tpu.assume_multiple %mul3A_225, 8 : i32
      "tpu.region"() ({
        %run_scoped3A_227 = tpu.sem_alloc : memref<!tpu.dma_semaphore, #tpu.memory_space<semaphore_mem>>
        %dma_start3A = tpu.memref_slice %arg26[%multiple_of3A] : memref<1000000xf32, #tpu.memory_space<vmem_shared>> -> memref<4000xf32, #tpu.memory_space<vmem_shared>>
        %dma_start3A_228 = tpu.memref_slice %arg26[%multiple_of3A] : memref<1000000xf32, #tpu.memory_space<vmem_shared>> -> memref<4000xf32, #tpu.memory_space<vmem_shared>>
        tpu.enqueue_dma source(%arg18 : memref<4000xf32, #tpu.memory_space<vmem>>) target(%dma_start3A_228 : memref<4000xf32, #tpu.memory_space<vmem_shared>>) target_semaphore(%run_scoped3A_227 : memref<!tpu.dma_semaphore, #tpu.memory_space<semaphore_mem>>)
        %dma_wait3A = tpu.memref_slice %arg26[%multiple_of3A] : memref<1000000xf32, #tpu.memory_space<vmem_shared>> -> memref<4000xf32, #tpu.memory_space<vmem_shared>>
        %dma_wait3A_229 = tpu.memref_slice %arg26[%multiple_of3A] : memref<1000000xf32, #tpu.memory_space<vmem_shared>> -> memref<4000xf32, #tpu.memory_space<vmem_shared>>
        tpu.wait_dma2 semaphore(%run_scoped3A_227 : memref<!tpu.dma_semaphore, #tpu.memory_space<semaphore_mem>>) src(%arg18 : memref<4000xf32, #tpu.memory_space<vmem>>) dst(%dma_wait3A_229 : memref<4000xf32, #tpu.memory_space<vmem_shared>>)
        tpu.yield
      }) : () -> ()
      %while3A_226 = arith.constant 0 : i32
      scf.yield %while3A_226 : i32
    }
    %while3A_29 = arith.constant 1 : i32
    %while3A_30 = scf.for %while3A_219 = %while3A_26 to %while3A_22 step %while3A_29 iter_args(%while3A_220 = %while3A_28) -> (i32)  : i32 {
      %mul3A_221 = arith.constant 16 : i32
      %mul3A_222 = arith.muli %mul3A_221, %while3A_219 : i32
      %add3A_223 = arith.addi %arg1, %mul3A_222 : i32
      %mul3A_224 = arith.constant 4000 : i32
      %mul3A_225 = arith.muli %add3A_223, %mul3A_224 : i32
      %multiple_of3A = tpu.assume_multiple %mul3A_225, 8 : i32
      "tpu.region"() ({
        %run_scoped3A_227 = tpu.sem_alloc : memref<!tpu.dma_semaphore, #tpu.memory_space<semaphore_mem>>
        %dma_start3A = tpu.memref_slice %arg26[%multiple_of3A] : memref<1000000xf32, #tpu.memory_space<vmem_shared>> -> memref<4000xf32, #tpu.memory_space<vmem_shared>>
        %dma_start3A_228 = tpu.memref_slice %arg26[%multiple_of3A] : memref<1000000xf32, #tpu.memory_space<vmem_shared>> -> memref<4000xf32, #tpu.memory_space<vmem_shared>>
        tpu.enqueue_dma source(%arg18 : memref<4000xf32, #tpu.memory_space<vmem>>) target(%dma_start3A_228 : memref<4000xf32, #tpu.memory_space<vmem_shared>>) target_semaphore(%run_scoped3A_227 : memref<!tpu.dma_semaphore, #tpu.memory_space<semaphore_mem>>)
        %dma_wait3A = tpu.memref_slice %arg26[%multiple_of3A] : memref<1000000xf32, #tpu.memory_space<vmem_shared>> -> memref<4000xf32, #tpu.memory_space<vmem_shared>>
        %dma_wait3A_229 = tpu.memref_slice %arg26[%multiple_of3A] : memref<1000000xf32, #tpu.memory_space<vmem_shared>> -> memref<4000xf32, #tpu.memory_space<vmem_shared>>
        tpu.wait_dma2 semaphore(%run_scoped3A_227 : memref<!tpu.dma_semaphore, #tpu.memory_space<semaphore_mem>>) src(%arg18 : memref<4000xf32, #tpu.memory_space<vmem>>) dst(%dma_wait3A_229 : memref<4000xf32, #tpu.memory_space<vmem_shared>>)
        tpu.yield
      }) : () -> ()
      %while3A_226 = arith.constant 0 : i32
      scf.yield %while3A_226 : i32
    }
    %barrier3A = arith.constant 0 : index
    tpu.barrier barrier_id(%barrier3A)
    %run_scoped3A = arith.constant 0 : i32
    "tpu.region"() ({
      %run_scoped3A_219 = tpu.sem_alloc : memref<!tpu.dma_semaphore, #tpu.memory_space<semaphore_mem>>
      %dma_start3A = arith.constant 0 : i32
      %dma_start3A_220 = tpu.memref_slice %arg2[%add3A, %run_scoped3A, %dma_start3A] : memref<32x4x6400xi32, #tpu.memory_space<hbm>> -> memref<1x1x6400xi32, #tpu.memory_space<hbm>>
      %dma_start3A_221 = tpu.memref_squeeze %dma_start3A_220 : memref<1x1x6400xi32, #tpu.memory_space<hbm>> -> memref<6400xi32, #tpu.memory_space<hbm>>
      %dma_start3A_222 = arith.constant 0 : i32
      %dma_start3A_223 = tpu.memref_slice %arg2[%add3A, %run_scoped3A, %dma_start3A_222] : memref<32x4x6400xi32, #tpu.memory_space<hbm>> -> memref<1x1x6400xi32, #tpu.memory_space<hbm>>
      %dma_start3A_224 = tpu.memref_squeeze %dma_start3A_223 : memref<1x1x6400xi32, #tpu.memory_space<hbm>> -> memref<6400xi32, #tpu.memory_space<hbm>>
      tpu.enqueue_dma source(%dma_start3A_224 : memref<6400xi32, #tpu.memory_space<hbm>>) target(%arg13 : memref<6400xi32, #tpu.memory_space<vmem>>) target_semaphore(%run_scoped3A_219 : memref<!tpu.dma_semaphore, #tpu.memory_space<semaphore_mem>>)
      %dma_wait3A = arith.constant 0 : i32
      %dma_wait3A_225 = tpu.memref_slice %arg2[%add3A, %run_scoped3A, %dma_wait3A] : memref<32x4x6400xi32, #tpu.memory_space<hbm>> -> memref<1x1x6400xi32, #tpu.memory_space<hbm>>
      %dma_wait3A_226 = tpu.memref_squeeze %dma_wait3A_225 : memref<1x1x6400xi32, #tpu.memory_space<hbm>> -> memref<6400xi32, #tpu.memory_space<hbm>>
      %dma_wait3A_227 = arith.constant 0 : i32
      %dma_wait3A_228 = tpu.memref_slice %arg2[%add3A, %run_scoped3A, %dma_wait3A_227] : memref<32x4x6400xi32, #tpu.memory_space<hbm>> -> memref<1x1x6400xi32, #tpu.memory_space<hbm>>
      %dma_wait3A_229 = tpu.memref_squeeze %dma_wait3A_228 : memref<1x1x6400xi32, #tpu.memory_space<hbm>> -> memref<6400xi32, #tpu.memory_space<hbm>>
      tpu.wait_dma2 semaphore(%run_scoped3A_219 : memref<!tpu.dma_semaphore, #tpu.memory_space<semaphore_mem>>) src(%dma_wait3A_229 : memref<6400xi32, #tpu.memory_space<hbm>>) dst(%arg13 : memref<6400xi32, #tpu.memory_space<vmem>>)
      tpu.yield
    }) : () -> ()
    %run_scoped3A_31 = arith.constant 1 : i32
    "tpu.region"() ({
      %run_scoped3A_219 = tpu.sem_alloc : memref<!tpu.dma_semaphore, #tpu.memory_space<semaphore_mem>>
      %dma_start3A = arith.constant 0 : i32
      %dma_start3A_220 = tpu.memref_slice %arg2[%add3A, %run_scoped3A_31, %dma_start3A] : memref<32x4x6400xi32, #tpu.memory_space<hbm>> -> memref<1x1x6400xi32, #tpu.memory_space<hbm>>
      %dma_start3A_221 = tpu.memref_squeeze %dma_start3A_220 : memref<1x1x6400xi32, #tpu.memory_space<hbm>> -> memref<6400xi32, #tpu.memory_space<hbm>>
      %dma_start3A_222 = arith.constant 0 : i32
      %dma_start3A_223 = tpu.memref_slice %arg2[%add3A, %run_scoped3A_31, %dma_start3A_222] : memref<32x4x6400xi32, #tpu.memory_space<hbm>> -> memref<1x1x6400xi32, #tpu.memory_space<hbm>>
      %dma_start3A_224 = tpu.memref_squeeze %dma_start3A_223 : memref<1x1x6400xi32, #tpu.memory_space<hbm>> -> memref<6400xi32, #tpu.memory_space<hbm>>
      tpu.enqueue_dma source(%dma_start3A_224 : memref<6400xi32, #tpu.memory_space<hbm>>) target(%arg14 : memref<6400xi32, #tpu.memory_space<vmem>>) target_semaphore(%run_scoped3A_219 : memref<!tpu.dma_semaphore, #tpu.memory_space<semaphore_mem>>)
      %dma_wait3A = arith.constant 0 : i32
      %dma_wait3A_225 = tpu.memref_slice %arg2[%add3A, %run_scoped3A_31, %dma_wait3A] : memref<32x4x6400xi32, #tpu.memory_space<hbm>> -> memref<1x1x6400xi32, #tpu.memory_space<hbm>>
      %dma_wait3A_226 = tpu.memref_squeeze %dma_wait3A_225 : memref<1x1x6400xi32, #tpu.memory_space<hbm>> -> memref<6400xi32, #tpu.memory_space<hbm>>
      %dma_wait3A_227 = arith.constant 0 : i32
      %dma_wait3A_228 = tpu.memref_slice %arg2[%add3A, %run_scoped3A_31, %dma_wait3A_227] : memref<32x4x6400xi32, #tpu.memory_space<hbm>> -> memref<1x1x6400xi32, #tpu.memory_space<hbm>>
      %dma_wait3A_229 = tpu.memref_squeeze %dma_wait3A_228 : memref<1x1x6400xi32, #tpu.memory_space<hbm>> -> memref<6400xi32, #tpu.memory_space<hbm>>
      tpu.wait_dma2 semaphore(%run_scoped3A_219 : memref<!tpu.dma_semaphore, #tpu.memory_space<semaphore_mem>>) src(%dma_wait3A_229 : memref<6400xi32, #tpu.memory_space<hbm>>) dst(%arg14 : memref<6400xi32, #tpu.memory_space<vmem>>)
      tpu.yield
    }) : () -> ()
    %run_scoped3A_32 = arith.constant 2 : i32
    "tpu.region"() ({
      %run_scoped3A_219 = tpu.sem_alloc : memref<!tpu.dma_semaphore, #tpu.memory_space<semaphore_mem>>
      %dma_start3A = arith.constant 0 : i32
      %dma_start3A_220 = tpu.memref_slice %arg2[%add3A, %run_scoped3A_32, %dma_start3A] : memref<32x4x6400xi32, #tpu.memory_space<hbm>> -> memref<1x1x6400xi32, #tpu.memory_space<hbm>>
      %dma_start3A_221 = tpu.memref_squeeze %dma_start3A_220 : memref<1x1x6400xi32, #tpu.memory_space<hbm>> -> memref<6400xi32, #tpu.memory_space<hbm>>
      %dma_start3A_222 = arith.constant 0 : i32
      %dma_start3A_223 = tpu.memref_slice %arg2[%add3A, %run_scoped3A_32, %dma_start3A_222] : memref<32x4x6400xi32, #tpu.memory_space<hbm>> -> memref<1x1x6400xi32, #tpu.memory_space<hbm>>
      %dma_start3A_224 = tpu.memref_squeeze %dma_start3A_223 : memref<1x1x6400xi32, #tpu.memory_space<hbm>> -> memref<6400xi32, #tpu.memory_space<hbm>>
      tpu.enqueue_dma source(%dma_start3A_224 : memref<6400xi32, #tpu.memory_space<hbm>>) target(%arg15 : memref<6400xi32, #tpu.memory_space<vmem>>) target_semaphore(%run_scoped3A_219 : memref<!tpu.dma_semaphore, #tpu.memory_space<semaphore_mem>>)
      %dma_wait3A = arith.constant 0 : i32
      %dma_wait3A_225 = tpu.memref_slice %arg2[%add3A, %run_scoped3A_32, %dma_wait3A] : memref<32x4x6400xi32, #tpu.memory_space<hbm>> -> memref<1x1x6400xi32, #tpu.memory_space<hbm>>
      %dma_wait3A_226 = tpu.memref_squeeze %dma_wait3A_225 : memref<1x1x6400xi32, #tpu.memory_space<hbm>> -> memref<6400xi32, #tpu.memory_space<hbm>>
      %dma_wait3A_227 = arith.constant 0 : i32
      %dma_wait3A_228 = tpu.memref_slice %arg2[%add3A, %run_scoped3A_32, %dma_wait3A_227] : memref<32x4x6400xi32, #tpu.memory_space<hbm>> -> memref<1x1x6400xi32, #tpu.memory_space<hbm>>
      %dma_wait3A_229 = tpu.memref_squeeze %dma_wait3A_228 : memref<1x1x6400xi32, #tpu.memory_space<hbm>> -> memref<6400xi32, #tpu.memory_space<hbm>>
      tpu.wait_dma2 semaphore(%run_scoped3A_219 : memref<!tpu.dma_semaphore, #tpu.memory_space<semaphore_mem>>) src(%dma_wait3A_229 : memref<6400xi32, #tpu.memory_space<hbm>>) dst(%arg15 : memref<6400xi32, #tpu.memory_space<vmem>>)
      tpu.yield
    }) : () -> ()
    %run_scoped3A_33 = arith.constant 3 : i32
    "tpu.region"() ({
      %run_scoped3A_219 = tpu.sem_alloc : memref<!tpu.dma_semaphore, #tpu.memory_space<semaphore_mem>>
      %dma_start3A = arith.constant 0 : i32
      %dma_start3A_220 = tpu.memref_slice %arg2[%add3A, %run_scoped3A_33, %dma_start3A] : memref<32x4x6400xi32, #tpu.memory_space<hbm>> -> memref<1x1x6400xi32, #tpu.memory_space<hbm>>
      %dma_start3A_221 = tpu.memref_squeeze %dma_start3A_220 : memref<1x1x6400xi32, #tpu.memory_space<hbm>> -> memref<6400xi32, #tpu.memory_space<hbm>>
      %dma_start3A_222 = arith.constant 0 : i32
      %dma_start3A_223 = tpu.memref_slice %arg2[%add3A, %run_scoped3A_33, %dma_start3A_222] : memref<32x4x6400xi32, #tpu.memory_space<hbm>> -> memref<1x1x6400xi32, #tpu.memory_space<hbm>>
      %dma_start3A_224 = tpu.memref_squeeze %dma_start3A_223 : memref<1x1x6400xi32, #tpu.memory_space<hbm>> -> memref<6400xi32, #tpu.memory_space<hbm>>
      tpu.enqueue_dma source(%dma_start3A_224 : memref<6400xi32, #tpu.memory_space<hbm>>) target(%arg16 : memref<6400xi32, #tpu.memory_space<vmem>>) target_semaphore(%run_scoped3A_219 : memref<!tpu.dma_semaphore, #tpu.memory_space<semaphore_mem>>)
      %dma_wait3A = arith.constant 0 : i32
      %dma_wait3A_225 = tpu.memref_slice %arg2[%add3A, %run_scoped3A_33, %dma_wait3A] : memref<32x4x6400xi32, #tpu.memory_space<hbm>> -> memref<1x1x6400xi32, #tpu.memory_space<hbm>>
      %dma_wait3A_226 = tpu.memref_squeeze %dma_wait3A_225 : memref<1x1x6400xi32, #tpu.memory_space<hbm>> -> memref<6400xi32, #tpu.memory_space<hbm>>
      %dma_wait3A_227 = arith.constant 0 : i32
      %dma_wait3A_228 = tpu.memref_slice %arg2[%add3A, %run_scoped3A_33, %dma_wait3A_227] : memref<32x4x6400xi32, #tpu.memory_space<hbm>> -> memref<1x1x6400xi32, #tpu.memory_space<hbm>>
      %dma_wait3A_229 = tpu.memref_squeeze %dma_wait3A_228 : memref<1x1x6400xi32, #tpu.memory_space<hbm>> -> memref<6400xi32, #tpu.memory_space<hbm>>
      tpu.wait_dma2 semaphore(%run_scoped3A_219 : memref<!tpu.dma_semaphore, #tpu.memory_space<semaphore_mem>>) src(%dma_wait3A_229 : memref<6400xi32, #tpu.memory_space<hbm>>) dst(%arg16 : memref<6400xi32, #tpu.memory_space<vmem>>)
      tpu.yield
    }) : () -> ()
    %barrier3A_34 = arith.constant 0 : index
    tpu.barrier barrier_id(%barrier3A_34)
    %eq3A = arith.constant 0 : i32
    %eq3A_35 = arith.cmpi eq, %arg1, %eq3A : i32
    %convert_element_type3A = arith.extui %eq3A_35 : i1 to i32
    %cond3A = arith.constant 0 : i32
    %cond3A_36 = arith.cmpi ne, %convert_element_type3A, %cond3A : i32
    scf.if %cond3A_36 {
      "tpu.region"() ({
        %run_scoped3A_219 = tpu.sem_alloc : memref<!tpu.dma_semaphore, #tpu.memory_space<semaphore_mem>>
        %dma_start3A = arith.constant 0 : i32
        %dma_start3A_220 = tpu.memref_slice %arg26[%dma_start3A] : memref<1000000xf32, #tpu.memory_space<vmem_shared>> -> memref<1000000xf32, #tpu.memory_space<vmem_shared>>
        tpu.enqueue_indirect_dma source(%arg17 : memref<6400xf32, #tpu.memory_space<vmem>>) target(%dma_start3A_220 : memref<1000000xf32, #tpu.memory_space<vmem_shared>>) offsets(%arg13 : memref<6400xi32, #tpu.memory_space<vmem>>) semaphore(%run_scoped3A_219 : memref<!tpu.dma_semaphore, #tpu.memory_space<semaphore_mem>>) {add = true}
        %dma_wait3A = arith.constant 0 : i32
        %dma_wait3A_221 = tpu.memref_slice %arg26[%dma_wait3A] : memref<1000000xf32, #tpu.memory_space<vmem_shared>> -> memref<1000000xf32, #tpu.memory_space<vmem_shared>>
        tpu.wait_indirect_dma semaphore(%run_scoped3A_219 : memref<!tpu.dma_semaphore, #tpu.memory_space<semaphore_mem>>) src(%arg17 : memref<6400xf32, #tpu.memory_space<vmem>>) dst(%dma_wait3A_221 : memref<1000000xf32, #tpu.memory_space<vmem_shared>>)
        tpu.yield
      }) : () -> ()
      "tpu.region"() ({
        %run_scoped3A_219 = tpu.sem_alloc : memref<!tpu.dma_semaphore, #tpu.memory_space<semaphore_mem>>
        %dma_start3A = arith.constant 0 : i32
        %dma_start3A_220 = tpu.memref_slice %arg26[%dma_start3A] : memref<1000000xf32, #tpu.memory_space<vmem_shared>> -> memref<1000000xf32, #tpu.memory_space<vmem_shared>>
        tpu.enqueue_indirect_dma source(%arg17 : memref<6400xf32, #tpu.memory_space<vmem>>) target(%dma_start3A_220 : memref<1000000xf32, #tpu.memory_space<vmem_shared>>) offsets(%arg14 : memref<6400xi32, #tpu.memory_space<vmem>>) semaphore(%run_scoped3A_219 : memref<!tpu.dma_semaphore, #tpu.memory_space<semaphore_mem>>) {add = true}
        %dma_wait3A = arith.constant 0 : i32
        %dma_wait3A_221 = tpu.memref_slice %arg26[%dma_wait3A] : memref<1000000xf32, #tpu.memory_space<vmem_shared>> -> memref<1000000xf32, #tpu.memory_space<vmem_shared>>
        tpu.wait_indirect_dma semaphore(%run_scoped3A_219 : memref<!tpu.dma_semaphore, #tpu.memory_space<semaphore_mem>>) src(%arg17 : memref<6400xf32, #tpu.memory_space<vmem>>) dst(%dma_wait3A_221 : memref<1000000xf32, #tpu.memory_space<vmem_shared>>)
        tpu.yield
      }) : () -> ()
      "tpu.region"() ({
        %run_scoped3A_219 = tpu.sem_alloc : memref<!tpu.dma_semaphore, #tpu.memory_space<semaphore_mem>>
        %dma_start3A = arith.constant 0 : i32
        %dma_start3A_220 = tpu.memref_slice %arg26[%dma_start3A] : memref<1000000xf32, #tpu.memory_space<vmem_shared>> -> memref<1000000xf32, #tpu.memory_space<vmem_shared>>
        tpu.enqueue_indirect_dma source(%arg17 : memref<6400xf32, #tpu.memory_space<vmem>>) target(%dma_start3A_220 : memref<1000000xf32, #tpu.memory_space<vmem_shared>>) offsets(%arg15 : memref<6400xi32, #tpu.memory_space<vmem>>) semaphore(%run_scoped3A_219 : memref<!tpu.dma_semaphore, #tpu.memory_space<semaphore_mem>>) {add = true}
        %dma_wait3A = arith.constant 0 : i32
        %dma_wait3A_221 = tpu.memref_slice %arg26[%dma_wait3A] : memref<1000000xf32, #tpu.memory_space<vmem_shared>> -> memref<1000000xf32, #tpu.memory_space<vmem_shared>>
        tpu.wait_indirect_dma semaphore(%run_scoped3A_219 : memref<!tpu.dma_semaphore, #tpu.memory_space<semaphore_mem>>) src(%arg17 : memref<6400xf32, #tpu.memory_space<vmem>>) dst(%dma_wait3A_221 : memref<1000000xf32, #tpu.memory_space<vmem_shared>>)
        tpu.yield
      }) : () -> ()
      "tpu.region"() ({
        %run_scoped3A_219 = tpu.sem_alloc : memref<!tpu.dma_semaphore, #tpu.memory_space<semaphore_mem>>
        %dma_start3A = arith.constant 0 : i32
        %dma_start3A_220 = tpu.memref_slice %arg26[%dma_start3A] : memref<1000000xf32, #tpu.memory_space<vmem_shared>> -> memref<1000000xf32, #tpu.memory_space<vmem_shared>>
        tpu.enqueue_indirect_dma source(%arg17 : memref<6400xf32, #tpu.memory_space<vmem>>) target(%dma_start3A_220 : memref<1000000xf32, #tpu.memory_space<vmem_shared>>) offsets(%arg16 : memref<6400xi32, #tpu.memory_space<vmem>>) semaphore(%run_scoped3A_219 : memref<!tpu.dma_semaphore, #tpu.memory_space<semaphore_mem>>) {add = true}
        %dma_wait3A = arith.constant 0 : i32
        %dma_wait3A_221 = tpu.memref_slice %arg26[%dma_wait3A] : memref<1000000xf32, #tpu.memory_space<vmem_shared>> -> memref<1000000xf32, #tpu.memory_space<vmem_shared>>
        tpu.wait_indirect_dma semaphore(%run_scoped3A_219 : memref<!tpu.dma_semaphore, #tpu.memory_space<semaphore_mem>>) src(%arg17 : memref<6400xf32, #tpu.memory_space<vmem>>) dst(%dma_wait3A_221 : memref<1000000xf32, #tpu.memory_space<vmem_shared>>)
        tpu.yield
      }) : () -> ()
    } else {
    }
    %barrier3A_37 = arith.constant 0 : index
    tpu.barrier barrier_id(%barrier3A_37)
    %eq3A_38 = arith.constant 1 : i32
    %eq3A_39 = arith.cmpi eq, %arg1, %eq3A_38 : i32
    %convert_element_type3A_40 = arith.extui %eq3A_39 : i1 to i32
    %cond3A_41 = arith.constant 0 : i32
    %cond3A_42 = arith.cmpi ne, %convert_element_type3A_40, %cond3A_41 : i32
    scf.if %cond3A_42 {
      "tpu.region"() ({
        %run_scoped3A_219 = tpu.sem_alloc : memref<!tpu.dma_semaphore, #tpu.memory_space<semaphore_mem>>
        %dma_start3A = arith.constant 0 : i32
        %dma_start3A_220 = tpu.memref_slice %arg26[%dma_start3A] : memref<1000000xf32, #tpu.memory_space<vmem_shared>> -> memref<1000000xf32, #tpu.memory_space<vmem_shared>>
        tpu.enqueue_indirect_dma source(%arg17 : memref<6400xf32, #tpu.memory_space<vmem>>) target(%dma_start3A_220 : memref<1000000xf32, #tpu.memory_space<vmem_shared>>) offsets(%arg13 : memref<6400xi32, #tpu.memory_space<vmem>>) semaphore(%run_scoped3A_219 : memref<!tpu.dma_semaphore, #tpu.memory_space<semaphore_mem>>) {add = true}
        %dma_wait3A = arith.constant 0 : i32
        %dma_wait3A_221 = tpu.memref_slice %arg26[%dma_wait3A] : memref<1000000xf32, #tpu.memory_space<vmem_shared>> -> memref<1000000xf32, #tpu.memory_space<vmem_shared>>
        tpu.wait_indirect_dma semaphore(%run_scoped3A_219 : memref<!tpu.dma_semaphore, #tpu.memory_space<semaphore_mem>>) src(%arg17 : memref<6400xf32, #tpu.memory_space<vmem>>) dst(%dma_wait3A_221 : memref<1000000xf32, #tpu.memory_space<vmem_shared>>)
        tpu.yield
      }) : () -> ()
      "tpu.region"() ({
        %run_scoped3A_219 = tpu.sem_alloc : memref<!tpu.dma_semaphore, #tpu.memory_space<semaphore_mem>>
        %dma_start3A = arith.constant 0 : i32
        %dma_start3A_220 = tpu.memref_slice %arg26[%dma_start3A] : memref<1000000xf32, #tpu.memory_space<vmem_shared>> -> memref<1000000xf32, #tpu.memory_space<vmem_shared>>
        tpu.enqueue_indirect_dma source(%arg17 : memref<6400xf32, #tpu.memory_space<vmem>>) target(%dma_start3A_220 : memref<1000000xf32, #tpu.memory_space<vmem_shared>>) offsets(%arg14 : memref<6400xi32, #tpu.memory_space<vmem>>) semaphore(%run_scoped3A_219 : memref<!tpu.dma_semaphore, #tpu.memory_space<semaphore_mem>>) {add = true}
        %dma_wait3A = arith.constant 0 : i32
        %dma_wait3A_221 = tpu.memref_slice %arg26[%dma_wait3A] : memref<1000000xf32, #tpu.memory_space<vmem_shared>> -> memref<1000000xf32, #tpu.memory_space<vmem_shared>>
        tpu.wait_indirect_dma semaphore(%run_scoped3A_219 : memref<!tpu.dma_semaphore, #tpu.memory_space<semaphore_mem>>) src(%arg17 : memref<6400xf32, #tpu.memory_space<vmem>>) dst(%dma_wait3A_221 : memref<1000000xf32, #tpu.memory_space<vmem_shared>>)
        tpu.yield
      }) : () -> ()
      "tpu.region"() ({
        %run_scoped3A_219 = tpu.sem_alloc : memref<!tpu.dma_semaphore, #tpu.memory_space<semaphore_mem>>
        %dma_start3A = arith.constant 0 : i32
        %dma_start3A_220 = tpu.memref_slice %arg26[%dma_start3A] : memref<1000000xf32, #tpu.memory_space<vmem_shared>> -> memref<1000000xf32, #tpu.memory_space<vmem_shared>>
        tpu.enqueue_indirect_dma source(%arg17 : memref<6400xf32, #tpu.memory_space<vmem>>) target(%dma_start3A_220 : memref<1000000xf32, #tpu.memory_space<vmem_shared>>) offsets(%arg15 : memref<6400xi32, #tpu.memory_space<vmem>>) semaphore(%run_scoped3A_219 : memref<!tpu.dma_semaphore, #tpu.memory_space<semaphore_mem>>) {add = true}
        %dma_wait3A = arith.constant 0 : i32
        %dma_wait3A_221 = tpu.memref_slice %arg26[%dma_wait3A] : memref<1000000xf32, #tpu.memory_space<vmem_shared>> -> memref<1000000xf32, #tpu.memory_space<vmem_shared>>
        tpu.wait_indirect_dma semaphore(%run_scoped3A_219 : memref<!tpu.dma_semaphore, #tpu.memory_space<semaphore_mem>>) src(%arg17 : memref<6400xf32, #tpu.memory_space<vmem>>) dst(%dma_wait3A_221 : memref<1000000xf32, #tpu.memory_space<vmem_shared>>)
        tpu.yield
      }) : () -> ()
      "tpu.region"() ({
        %run_scoped3A_219 = tpu.sem_alloc : memref<!tpu.dma_semaphore, #tpu.memory_space<semaphore_mem>>
        %dma_start3A = arith.constant 0 : i32
        %dma_start3A_220 = tpu.memref_slice %arg26[%dma_start3A] : memref<1000000xf32, #tpu.memory_space<vmem_shared>> -> memref<1000000xf32, #tpu.memory_space<vmem_shared>>
        tpu.enqueue_indirect_dma source(%arg17 : memref<6400xf32, #tpu.memory_space<vmem>>) target(%dma_start3A_220 : memref<1000000xf32, #tpu.memory_space<vmem_shared>>) offsets(%arg16 : memref<6400xi32, #tpu.memory_space<vmem>>) semaphore(%run_scoped3A_219 : memref<!tpu.dma_semaphore, #tpu.memory_space<semaphore_mem>>) {add = true}
        %dma_wait3A = arith.constant 0 : i32
        %dma_wait3A_221 = tpu.memref_slice %arg26[%dma_wait3A] : memref<1000000xf32, #tpu.memory_space<vmem_shared>> -> memref<1000000xf32, #tpu.memory_space<vmem_shared>>
        tpu.wait_indirect_dma semaphore(%run_scoped3A_219 : memref<!tpu.dma_semaphore, #tpu.memory_space<semaphore_mem>>) src(%arg17 : memref<6400xf32, #tpu.memory_space<vmem>>) dst(%dma_wait3A_221 : memref<1000000xf32, #tpu.memory_space<vmem_shared>>)
        tpu.yield
      }) : () -> ()
    } else {
    }
    %barrier3A_43 = arith.constant 0 : index
    tpu.barrier barrier_id(%barrier3A_43)
    %eq3A_44 = arith.constant 2 : i32
    %eq3A_45 = arith.cmpi eq, %arg1, %eq3A_44 : i32
    %convert_element_type3A_46 = arith.extui %eq3A_45 : i1 to i32
    %cond3A_47 = arith.constant 0 : i32
    %cond3A_48 = arith.cmpi ne, %convert_element_type3A_46, %cond3A_47 : i32
    scf.if %cond3A_48 {
      "tpu.region"() ({
        %run_scoped3A_219 = tpu.sem_alloc : memref<!tpu.dma_semaphore, #tpu.memory_space<semaphore_mem>>
        %dma_start3A = arith.constant 0 : i32
        %dma_start3A_220 = tpu.memref_slice %arg26[%dma_start3A] : memref<1000000xf32, #tpu.memory_space<vmem_shared>> -> memref<1000000xf32, #tpu.memory_space<vmem_shared>>
        tpu.enqueue_indirect_dma source(%arg17 : memref<6400xf32, #tpu.memory_space<vmem>>) target(%dma_start3A_220 : memref<1000000xf32, #tpu.memory_space<vmem_shared>>) offsets(%arg13 : memref<6400xi32, #tpu.memory_space<vmem>>) semaphore(%run_scoped3A_219 : memref<!tpu.dma_semaphore, #tpu.memory_space<semaphore_mem>>) {add = true}
        %dma_wait3A = arith.constant 0 : i32
        %dma_wait3A_221 = tpu.memref_slice %arg26[%dma_wait3A] : memref<1000000xf32, #tpu.memory_space<vmem_shared>> -> memref<1000000xf32, #tpu.memory_space<vmem_shared>>
        tpu.wait_indirect_dma semaphore(%run_scoped3A_219 : memref<!tpu.dma_semaphore, #tpu.memory_space<semaphore_mem>>) src(%arg17 : memref<6400xf32, #tpu.memory_space<vmem>>) dst(%dma_wait3A_221 : memref<1000000xf32, #tpu.memory_space<vmem_shared>>)
        tpu.yield
      }) : () -> ()
      "tpu.region"() ({
        %run_scoped3A_219 = tpu.sem_alloc : memref<!tpu.dma_semaphore, #tpu.memory_space<semaphore_mem>>
        %dma_start3A = arith.constant 0 : i32
        %dma_start3A_220 = tpu.memref_slice %arg26[%dma_start3A] : memref<1000000xf32, #tpu.memory_space<vmem_shared>> -> memref<1000000xf32, #tpu.memory_space<vmem_shared>>
        tpu.enqueue_indirect_dma source(%arg17 : memref<6400xf32, #tpu.memory_space<vmem>>) target(%dma_start3A_220 : memref<1000000xf32, #tpu.memory_space<vmem_shared>>) offsets(%arg14 : memref<6400xi32, #tpu.memory_space<vmem>>) semaphore(%run_scoped3A_219 : memref<!tpu.dma_semaphore, #tpu.memory_space<semaphore_mem>>) {add = true}
        %dma_wait3A = arith.constant 0 : i32
        %dma_wait3A_221 = tpu.memref_slice %arg26[%dma_wait3A] : memref<1000000xf32, #tpu.memory_space<vmem_shared>> -> memref<1000000xf32, #tpu.memory_space<vmem_shared>>
        tpu.wait_indirect_dma semaphore(%run_scoped3A_219 : memref<!tpu.dma_semaphore, #tpu.memory_space<semaphore_mem>>) src(%arg17 : memref<6400xf32, #tpu.memory_space<vmem>>) dst(%dma_wait3A_221 : memref<1000000xf32, #tpu.memory_space<vmem_shared>>)
        tpu.yield
      }) : () -> ()
      "tpu.region"() ({
        %run_scoped3A_219 = tpu.sem_alloc : memref<!tpu.dma_semaphore, #tpu.memory_space<semaphore_mem>>
        %dma_start3A = arith.constant 0 : i32
        %dma_start3A_220 = tpu.memref_slice %arg26[%dma_start3A] : memref<1000000xf32, #tpu.memory_space<vmem_shared>> -> memref<1000000xf32, #tpu.memory_space<vmem_shared>>
        tpu.enqueue_indirect_dma source(%arg17 : memref<6400xf32, #tpu.memory_space<vmem>>) target(%dma_start3A_220 : memref<1000000xf32, #tpu.memory_space<vmem_shared>>) offsets(%arg15 : memref<6400xi32, #tpu.memory_space<vmem>>) semaphore(%run_scoped3A_219 : memref<!tpu.dma_semaphore, #tpu.memory_space<semaphore_mem>>) {add = true}
        %dma_wait3A = arith.constant 0 : i32
        %dma_wait3A_221 = tpu.memref_slice %arg26[%dma_wait3A] : memref<1000000xf32, #tpu.memory_space<vmem_shared>> -> memref<1000000xf32, #tpu.memory_space<vmem_shared>>
        tpu.wait_indirect_dma semaphore(%run_scoped3A_219 : memref<!tpu.dma_semaphore, #tpu.memory_space<semaphore_mem>>) src(%arg17 : memref<6400xf32, #tpu.memory_space<vmem>>) dst(%dma_wait3A_221 : memref<1000000xf32, #tpu.memory_space<vmem_shared>>)
        tpu.yield
      }) : () -> ()
      "tpu.region"() ({
        %run_scoped3A_219 = tpu.sem_alloc : memref<!tpu.dma_semaphore, #tpu.memory_space<semaphore_mem>>
        %dma_start3A = arith.constant 0 : i32
        %dma_start3A_220 = tpu.memref_slice %arg26[%dma_start3A] : memref<1000000xf32, #tpu.memory_space<vmem_shared>> -> memref<1000000xf32, #tpu.memory_space<vmem_shared>>
        tpu.enqueue_indirect_dma source(%arg17 : memref<6400xf32, #tpu.memory_space<vmem>>) target(%dma_start3A_220 : memref<1000000xf32, #tpu.memory_space<vmem_shared>>) offsets(%arg16 : memref<6400xi32, #tpu.memory_space<vmem>>) semaphore(%run_scoped3A_219 : memref<!tpu.dma_semaphore, #tpu.memory_space<semaphore_mem>>) {add = true}
        %dma_wait3A = arith.constant 0 : i32
        %dma_wait3A_221 = tpu.memref_slice %arg26[%dma_wait3A] : memref<1000000xf32, #tpu.memory_space<vmem_shared>> -> memref<1000000xf32, #tpu.memory_space<vmem_shared>>
        tpu.wait_indirect_dma semaphore(%run_scoped3A_219 : memref<!tpu.dma_semaphore, #tpu.memory_space<semaphore_mem>>) src(%arg17 : memref<6400xf32, #tpu.memory_space<vmem>>) dst(%dma_wait3A_221 : memref<1000000xf32, #tpu.memory_space<vmem_shared>>)
        tpu.yield
      }) : () -> ()
    } else {
    }
    %barrier3A_49 = arith.constant 0 : index
    tpu.barrier barrier_id(%barrier3A_49)
    %eq3A_50 = arith.constant 3 : i32
    %eq3A_51 = arith.cmpi eq, %arg1, %eq3A_50 : i32
    %convert_element_type3A_52 = arith.extui %eq3A_51 : i1 to i32
    %cond3A_53 = arith.constant 0 : i32
    %cond3A_54 = arith.cmpi ne, %convert_element_type3A_52, %cond3A_53 : i32
    scf.if %cond3A_54 {
      "tpu.region"() ({
        %run_scoped3A_219 = tpu.sem_alloc : memref<!tpu.dma_semaphore, #tpu.memory_space<semaphore_mem>>
        %dma_start3A = arith.constant 0 : i32
        %dma_start3A_220 = tpu.memref_slice %arg26[%dma_start3A] : memref<1000000xf32, #tpu.memory_space<vmem_shared>> -> memref<1000000xf32, #tpu.memory_space<vmem_shared>>
        tpu.enqueue_indirect_dma source(%arg17 : memref<6400xf32, #tpu.memory_space<vmem>>) target(%dma_start3A_220 : memref<1000000xf32, #tpu.memory_space<vmem_shared>>) offsets(%arg13 : memref<6400xi32, #tpu.memory_space<vmem>>) semaphore(%run_scoped3A_219 : memref<!tpu.dma_semaphore, #tpu.memory_space<semaphore_mem>>) {add = true}
        %dma_wait3A = arith.constant 0 : i32
        %dma_wait3A_221 = tpu.memref_slice %arg26[%dma_wait3A] : memref<1000000xf32, #tpu.memory_space<vmem_shared>> -> memref<1000000xf32, #tpu.memory_space<vmem_shared>>
        tpu.wait_indirect_dma semaphore(%run_scoped3A_219 : memref<!tpu.dma_semaphore, #tpu.memory_space<semaphore_mem>>) src(%arg17 : memref<6400xf32, #tpu.memory_space<vmem>>) dst(%dma_wait3A_221 : memref<1000000xf32, #tpu.memory_space<vmem_shared>>)
        tpu.yield
      }) : () -> ()
      "tpu.region"() ({
        %run_scoped3A_219 = tpu.sem_alloc : memref<!tpu.dma_semaphore, #tpu.memory_space<semaphore_mem>>
        %dma_start3A = arith.constant 0 : i32
        %dma_start3A_220 = tpu.memref_slice %arg26[%dma_start3A] : memref<1000000xf32, #tpu.memory_space<vmem_shared>> -> memref<1000000xf32, #tpu.memory_space<vmem_shared>>
        tpu.enqueue_indirect_dma source(%arg17 : memref<6400xf32, #tpu.memory_space<vmem>>) target(%dma_start3A_220 : memref<1000000xf32, #tpu.memory_space<vmem_shared>>) offsets(%arg14 : memref<6400xi32, #tpu.memory_space<vmem>>) semaphore(%run_scoped3A_219 : memref<!tpu.dma_semaphore, #tpu.memory_space<semaphore_mem>>) {add = true}
        %dma_wait3A = arith.constant 0 : i32
        %dma_wait3A_221 = tpu.memref_slice %arg26[%dma_wait3A] : memref<1000000xf32, #tpu.memory_space<vmem_shared>> -> memref<1000000xf32, #tpu.memory_space<vmem_shared>>
        tpu.wait_indirect_dma semaphore(%run_scoped3A_219 : memref<!tpu.dma_semaphore, #tpu.memory_space<semaphore_mem>>) src(%arg17 : memref<6400xf32, #tpu.memory_space<vmem>>) dst(%dma_wait3A_221 : memref<1000000xf32, #tpu.memory_space<vmem_shared>>)
        tpu.yield
      }) : () -> ()
      "tpu.region"() ({
        %run_scoped3A_219 = tpu.sem_alloc : memref<!tpu.dma_semaphore, #tpu.memory_space<semaphore_mem>>
        %dma_start3A = arith.constant 0 : i32
        %dma_start3A_220 = tpu.memref_slice %arg26[%dma_start3A] : memref<1000000xf32, #tpu.memory_space<vmem_shared>> -> memref<1000000xf32, #tpu.memory_space<vmem_shared>>
        tpu.enqueue_indirect_dma source(%arg17 : memref<6400xf32, #tpu.memory_space<vmem>>) target(%dma_start3A_220 : memref<1000000xf32, #tpu.memory_space<vmem_shared>>) offsets(%arg15 : memref<6400xi32, #tpu.memory_space<vmem>>) semaphore(%run_scoped3A_219 : memref<!tpu.dma_semaphore, #tpu.memory_space<semaphore_mem>>) {add = true}
        %dma_wait3A = arith.constant 0 : i32
        %dma_wait3A_221 = tpu.memref_slice %arg26[%dma_wait3A] : memref<1000000xf32, #tpu.memory_space<vmem_shared>> -> memref<1000000xf32, #tpu.memory_space<vmem_shared>>
        tpu.wait_indirect_dma semaphore(%run_scoped3A_219 : memref<!tpu.dma_semaphore, #tpu.memory_space<semaphore_mem>>) src(%arg17 : memref<6400xf32, #tpu.memory_space<vmem>>) dst(%dma_wait3A_221 : memref<1000000xf32, #tpu.memory_space<vmem_shared>>)
        tpu.yield
      }) : () -> ()
      "tpu.region"() ({
        %run_scoped3A_219 = tpu.sem_alloc : memref<!tpu.dma_semaphore, #tpu.memory_space<semaphore_mem>>
        %dma_start3A = arith.constant 0 : i32
        %dma_start3A_220 = tpu.memref_slice %arg26[%dma_start3A] : memref<1000000xf32, #tpu.memory_space<vmem_shared>> -> memref<1000000xf32, #tpu.memory_space<vmem_shared>>
        tpu.enqueue_indirect_dma source(%arg17 : memref<6400xf32, #tpu.memory_space<vmem>>) target(%dma_start3A_220 : memref<1000000xf32, #tpu.memory_space<vmem_shared>>) offsets(%arg16 : memref<6400xi32, #tpu.memory_space<vmem>>) semaphore(%run_scoped3A_219 : memref<!tpu.dma_semaphore, #tpu.memory_space<semaphore_mem>>) {add = true}
        %dma_wait3A = arith.constant 0 : i32
        %dma_wait3A_221 = tpu.memref_slice %arg26[%dma_wait3A] : memref<1000000xf32, #tpu.memory_space<vmem_shared>> -> memref<1000000xf32, #tpu.memory_space<vmem_shared>>
        tpu.wait_indirect_dma semaphore(%run_scoped3A_219 : memref<!tpu.dma_semaphore, #tpu.memory_space<semaphore_mem>>) src(%arg17 : memref<6400xf32, #tpu.memory_space<vmem>>) dst(%dma_wait3A_221 : memref<1000000xf32, #tpu.memory_space<vmem_shared>>)
        tpu.yield
      }) : () -> ()
    } else {
    }
    %barrier3A_55 = arith.constant 0 : index
    tpu.barrier barrier_id(%barrier3A_55)
    %eq3A_56 = arith.constant 4 : i32
    %eq3A_57 = arith.cmpi eq, %arg1, %eq3A_56 : i32
    %convert_element_type3A_58 = arith.extui %eq3A_57 : i1 to i32
    %cond3A_59 = arith.constant 0 : i32
    %cond3A_60 = arith.cmpi ne, %convert_element_type3A_58, %cond3A_59 : i32
    scf.if %cond3A_60 {
      "tpu.region"() ({
        %run_scoped3A_219 = tpu.sem_alloc : memref<!tpu.dma_semaphore, #tpu.memory_space<semaphore_mem>>
        %dma_start3A = arith.constant 0 : i32
        %dma_start3A_220 = tpu.memref_slice %arg26[%dma_start3A] : memref<1000000xf32, #tpu.memory_space<vmem_shared>> -> memref<1000000xf32, #tpu.memory_space<vmem_shared>>
        tpu.enqueue_indirect_dma source(%arg17 : memref<6400xf32, #tpu.memory_space<vmem>>) target(%dma_start3A_220 : memref<1000000xf32, #tpu.memory_space<vmem_shared>>) offsets(%arg13 : memref<6400xi32, #tpu.memory_space<vmem>>) semaphore(%run_scoped3A_219 : memref<!tpu.dma_semaphore, #tpu.memory_space<semaphore_mem>>) {add = true}
        %dma_wait3A = arith.constant 0 : i32
        %dma_wait3A_221 = tpu.memref_slice %arg26[%dma_wait3A] : memref<1000000xf32, #tpu.memory_space<vmem_shared>> -> memref<1000000xf32, #tpu.memory_space<vmem_shared>>
        tpu.wait_indirect_dma semaphore(%run_scoped3A_219 : memref<!tpu.dma_semaphore, #tpu.memory_space<semaphore_mem>>) src(%arg17 : memref<6400xf32, #tpu.memory_space<vmem>>) dst(%dma_wait3A_221 : memref<1000000xf32, #tpu.memory_space<vmem_shared>>)
        tpu.yield
      }) : () -> ()
      "tpu.region"() ({
        %run_scoped3A_219 = tpu.sem_alloc : memref<!tpu.dma_semaphore, #tpu.memory_space<semaphore_mem>>
        %dma_start3A = arith.constant 0 : i32
        %dma_start3A_220 = tpu.memref_slice %arg26[%dma_start3A] : memref<1000000xf32, #tpu.memory_space<vmem_shared>> -> memref<1000000xf32, #tpu.memory_space<vmem_shared>>
        tpu.enqueue_indirect_dma source(%arg17 : memref<6400xf32, #tpu.memory_space<vmem>>) target(%dma_start3A_220 : memref<1000000xf32, #tpu.memory_space<vmem_shared>>) offsets(%arg14 : memref<6400xi32, #tpu.memory_space<vmem>>) semaphore(%run_scoped3A_219 : memref<!tpu.dma_semaphore, #tpu.memory_space<semaphore_mem>>) {add = true}
        %dma_wait3A = arith.constant 0 : i32
        %dma_wait3A_221 = tpu.memref_slice %arg26[%dma_wait3A] : memref<1000000xf32, #tpu.memory_space<vmem_shared>> -> memref<1000000xf32, #tpu.memory_space<vmem_shared>>
        tpu.wait_indirect_dma semaphore(%run_scoped3A_219 : memref<!tpu.dma_semaphore, #tpu.memory_space<semaphore_mem>>) src(%arg17 : memref<6400xf32, #tpu.memory_space<vmem>>) dst(%dma_wait3A_221 : memref<1000000xf32, #tpu.memory_space<vmem_shared>>)
        tpu.yield
      }) : () -> ()
      "tpu.region"() ({
        %run_scoped3A_219 = tpu.sem_alloc : memref<!tpu.dma_semaphore, #tpu.memory_space<semaphore_mem>>
        %dma_start3A = arith.constant 0 : i32
        %dma_start3A_220 = tpu.memref_slice %arg26[%dma_start3A] : memref<1000000xf32, #tpu.memory_space<vmem_shared>> -> memref<1000000xf32, #tpu.memory_space<vmem_shared>>
        tpu.enqueue_indirect_dma source(%arg17 : memref<6400xf32, #tpu.memory_space<vmem>>) target(%dma_start3A_220 : memref<1000000xf32, #tpu.memory_space<vmem_shared>>) offsets(%arg15 : memref<6400xi32, #tpu.memory_space<vmem>>) semaphore(%run_scoped3A_219 : memref<!tpu.dma_semaphore, #tpu.memory_space<semaphore_mem>>) {add = true}
        %dma_wait3A = arith.constant 0 : i32
        %dma_wait3A_221 = tpu.memref_slice %arg26[%dma_wait3A] : memref<1000000xf32, #tpu.memory_space<vmem_shared>> -> memref<1000000xf32, #tpu.memory_space<vmem_shared>>
        tpu.wait_indirect_dma semaphore(%run_scoped3A_219 : memref<!tpu.dma_semaphore, #tpu.memory_space<semaphore_mem>>) src(%arg17 : memref<6400xf32, #tpu.memory_space<vmem>>) dst(%dma_wait3A_221 : memref<1000000xf32, #tpu.memory_space<vmem_shared>>)
        tpu.yield
      }) : () -> ()
      "tpu.region"() ({
        %run_scoped3A_219 = tpu.sem_alloc : memref<!tpu.dma_semaphore, #tpu.memory_space<semaphore_mem>>
        %dma_start3A = arith.constant 0 : i32
        %dma_start3A_220 = tpu.memref_slice %arg26[%dma_start3A] : memref<1000000xf32, #tpu.memory_space<vmem_shared>> -> memref<1000000xf32, #tpu.memory_space<vmem_shared>>
        tpu.enqueue_indirect_dma source(%arg17 : memref<6400xf32, #tpu.memory_space<vmem>>) target(%dma_start3A_220 : memref<1000000xf32, #tpu.memory_space<vmem_shared>>) offsets(%arg16 : memref<6400xi32, #tpu.memory_space<vmem>>) semaphore(%run_scoped3A_219 : memref<!tpu.dma_semaphore, #tpu.memory_space<semaphore_mem>>) {add = true}
        %dma_wait3A = arith.constant 0 : i32
        %dma_wait3A_221 = tpu.memref_slice %arg26[%dma_wait3A] : memref<1000000xf32, #tpu.memory_space<vmem_shared>> -> memref<1000000xf32, #tpu.memory_space<vmem_shared>>
        tpu.wait_indirect_dma semaphore(%run_scoped3A_219 : memref<!tpu.dma_semaphore, #tpu.memory_space<semaphore_mem>>) src(%arg17 : memref<6400xf32, #tpu.memory_space<vmem>>) dst(%dma_wait3A_221 : memref<1000000xf32, #tpu.memory_space<vmem_shared>>)
        tpu.yield
      }) : () -> ()
    } else {
    }
    %barrier3A_61 = arith.constant 0 : index
    tpu.barrier barrier_id(%barrier3A_61)
    %eq3A_62 = arith.constant 5 : i32
    %eq3A_63 = arith.cmpi eq, %arg1, %eq3A_62 : i32
    %convert_element_type3A_64 = arith.extui %eq3A_63 : i1 to i32
    %cond3A_65 = arith.constant 0 : i32
    %cond3A_66 = arith.cmpi ne, %convert_element_type3A_64, %cond3A_65 : i32
    scf.if %cond3A_66 {
      "tpu.region"() ({
        %run_scoped3A_219 = tpu.sem_alloc : memref<!tpu.dma_semaphore, #tpu.memory_space<semaphore_mem>>
        %dma_start3A = arith.constant 0 : i32
        %dma_start3A_220 = tpu.memref_slice %arg26[%dma_start3A] : memref<1000000xf32, #tpu.memory_space<vmem_shared>> -> memref<1000000xf32, #tpu.memory_space<vmem_shared>>
        tpu.enqueue_indirect_dma source(%arg17 : memref<6400xf32, #tpu.memory_space<vmem>>) target(%dma_start3A_220 : memref<1000000xf32, #tpu.memory_space<vmem_shared>>) offsets(%arg13 : memref<6400xi32, #tpu.memory_space<vmem>>) semaphore(%run_scoped3A_219 : memref<!tpu.dma_semaphore, #tpu.memory_space<semaphore_mem>>) {add = true}
        %dma_wait3A = arith.constant 0 : i32
        %dma_wait3A_221 = tpu.memref_slice %arg26[%dma_wait3A] : memref<1000000xf32, #tpu.memory_space<vmem_shared>> -> memref<1000000xf32, #tpu.memory_space<vmem_shared>>
        tpu.wait_indirect_dma semaphore(%run_scoped3A_219 : memref<!tpu.dma_semaphore, #tpu.memory_space<semaphore_mem>>) src(%arg17 : memref<6400xf32, #tpu.memory_space<vmem>>) dst(%dma_wait3A_221 : memref<1000000xf32, #tpu.memory_space<vmem_shared>>)
        tpu.yield
      }) : () -> ()
      "tpu.region"() ({
        %run_scoped3A_219 = tpu.sem_alloc : memref<!tpu.dma_semaphore, #tpu.memory_space<semaphore_mem>>
        %dma_start3A = arith.constant 0 : i32
        %dma_start3A_220 = tpu.memref_slice %arg26[%dma_start3A] : memref<1000000xf32, #tpu.memory_space<vmem_shared>> -> memref<1000000xf32, #tpu.memory_space<vmem_shared>>
        tpu.enqueue_indirect_dma source(%arg17 : memref<6400xf32, #tpu.memory_space<vmem>>) target(%dma_start3A_220 : memref<1000000xf32, #tpu.memory_space<vmem_shared>>) offsets(%arg14 : memref<6400xi32, #tpu.memory_space<vmem>>) semaphore(%run_scoped3A_219 : memref<!tpu.dma_semaphore, #tpu.memory_space<semaphore_mem>>) {add = true}
        %dma_wait3A = arith.constant 0 : i32
        %dma_wait3A_221 = tpu.memref_slice %arg26[%dma_wait3A] : memref<1000000xf32, #tpu.memory_space<vmem_shared>> -> memref<1000000xf32, #tpu.memory_space<vmem_shared>>
        tpu.wait_indirect_dma semaphore(%run_scoped3A_219 : memref<!tpu.dma_semaphore, #tpu.memory_space<semaphore_mem>>) src(%arg17 : memref<6400xf32, #tpu.memory_space<vmem>>) dst(%dma_wait3A_221 : memref<1000000xf32, #tpu.memory_space<vmem_shared>>)
        tpu.yield
      }) : () -> ()
      "tpu.region"() ({
        %run_scoped3A_219 = tpu.sem_alloc : memref<!tpu.dma_semaphore, #tpu.memory_space<semaphore_mem>>
        %dma_start3A = arith.constant 0 : i32
        %dma_start3A_220 = tpu.memref_slice %arg26[%dma_start3A] : memref<1000000xf32, #tpu.memory_space<vmem_shared>> -> memref<1000000xf32, #tpu.memory_space<vmem_shared>>
        tpu.enqueue_indirect_dma source(%arg17 : memref<6400xf32, #tpu.memory_space<vmem>>) target(%dma_start3A_220 : memref<1000000xf32, #tpu.memory_space<vmem_shared>>) offsets(%arg15 : memref<6400xi32, #tpu.memory_space<vmem>>) semaphore(%run_scoped3A_219 : memref<!tpu.dma_semaphore, #tpu.memory_space<semaphore_mem>>) {add = true}
        %dma_wait3A = arith.constant 0 : i32
        %dma_wait3A_221 = tpu.memref_slice %arg26[%dma_wait3A] : memref<1000000xf32, #tpu.memory_space<vmem_shared>> -> memref<1000000xf32, #tpu.memory_space<vmem_shared>>
        tpu.wait_indirect_dma semaphore(%run_scoped3A_219 : memref<!tpu.dma_semaphore, #tpu.memory_space<semaphore_mem>>) src(%arg17 : memref<6400xf32, #tpu.memory_space<vmem>>) dst(%dma_wait3A_221 : memref<1000000xf32, #tpu.memory_space<vmem_shared>>)
        tpu.yield
      }) : () -> ()
      "tpu.region"() ({
        %run_scoped3A_219 = tpu.sem_alloc : memref<!tpu.dma_semaphore, #tpu.memory_space<semaphore_mem>>
        %dma_start3A = arith.constant 0 : i32
        %dma_start3A_220 = tpu.memref_slice %arg26[%dma_start3A] : memref<1000000xf32, #tpu.memory_space<vmem_shared>> -> memref<1000000xf32, #tpu.memory_space<vmem_shared>>
        tpu.enqueue_indirect_dma source(%arg17 : memref<6400xf32, #tpu.memory_space<vmem>>) target(%dma_start3A_220 : memref<1000000xf32, #tpu.memory_space<vmem_shared>>) offsets(%arg16 : memref<6400xi32, #tpu.memory_space<vmem>>) semaphore(%run_scoped3A_219 : memref<!tpu.dma_semaphore, #tpu.memory_space<semaphore_mem>>) {add = true}
        %dma_wait3A = arith.constant 0 : i32
        %dma_wait3A_221 = tpu.memref_slice %arg26[%dma_wait3A] : memref<1000000xf32, #tpu.memory_space<vmem_shared>> -> memref<1000000xf32, #tpu.memory_space<vmem_shared>>
        tpu.wait_indirect_dma semaphore(%run_scoped3A_219 : memref<!tpu.dma_semaphore, #tpu.memory_space<semaphore_mem>>) src(%arg17 : memref<6400xf32, #tpu.memory_space<vmem>>) dst(%dma_wait3A_221 : memref<1000000xf32, #tpu.memory_space<vmem_shared>>)
        tpu.yield
      }) : () -> ()
    } else {
    }
    %barrier3A_67 = arith.constant 0 : index
    tpu.barrier barrier_id(%barrier3A_67)
    %eq3A_68 = arith.constant 6 : i32
    %eq3A_69 = arith.cmpi eq, %arg1, %eq3A_68 : i32
    %convert_element_type3A_70 = arith.extui %eq3A_69 : i1 to i32
    %cond3A_71 = arith.constant 0 : i32
    %cond3A_72 = arith.cmpi ne, %convert_element_type3A_70, %cond3A_71 : i32
    scf.if %cond3A_72 {
      "tpu.region"() ({
        %run_scoped3A_219 = tpu.sem_alloc : memref<!tpu.dma_semaphore, #tpu.memory_space<semaphore_mem>>
        %dma_start3A = arith.constant 0 : i32
        %dma_start3A_220 = tpu.memref_slice %arg26[%dma_start3A] : memref<1000000xf32, #tpu.memory_space<vmem_shared>> -> memref<1000000xf32, #tpu.memory_space<vmem_shared>>
        tpu.enqueue_indirect_dma source(%arg17 : memref<6400xf32, #tpu.memory_space<vmem>>) target(%dma_start3A_220 : memref<1000000xf32, #tpu.memory_space<vmem_shared>>) offsets(%arg13 : memref<6400xi32, #tpu.memory_space<vmem>>) semaphore(%run_scoped3A_219 : memref<!tpu.dma_semaphore, #tpu.memory_space<semaphore_mem>>) {add = true}
        %dma_wait3A = arith.constant 0 : i32
        %dma_wait3A_221 = tpu.memref_slice %arg26[%dma_wait3A] : memref<1000000xf32, #tpu.memory_space<vmem_shared>> -> memref<1000000xf32, #tpu.memory_space<vmem_shared>>
        tpu.wait_indirect_dma semaphore(%run_scoped3A_219 : memref<!tpu.dma_semaphore, #tpu.memory_space<semaphore_mem>>) src(%arg17 : memref<6400xf32, #tpu.memory_space<vmem>>) dst(%dma_wait3A_221 : memref<1000000xf32, #tpu.memory_space<vmem_shared>>)
        tpu.yield
      }) : () -> ()
      "tpu.region"() ({
        %run_scoped3A_219 = tpu.sem_alloc : memref<!tpu.dma_semaphore, #tpu.memory_space<semaphore_mem>>
        %dma_start3A = arith.constant 0 : i32
        %dma_start3A_220 = tpu.memref_slice %arg26[%dma_start3A] : memref<1000000xf32, #tpu.memory_space<vmem_shared>> -> memref<1000000xf32, #tpu.memory_space<vmem_shared>>
        tpu.enqueue_indirect_dma source(%arg17 : memref<6400xf32, #tpu.memory_space<vmem>>) target(%dma_start3A_220 : memref<1000000xf32, #tpu.memory_space<vmem_shared>>) offsets(%arg14 : memref<6400xi32, #tpu.memory_space<vmem>>) semaphore(%run_scoped3A_219 : memref<!tpu.dma_semaphore, #tpu.memory_space<semaphore_mem>>) {add = true}
        %dma_wait3A = arith.constant 0 : i32
        %dma_wait3A_221 = tpu.memref_slice %arg26[%dma_wait3A] : memref<1000000xf32, #tpu.memory_space<vmem_shared>> -> memref<1000000xf32, #tpu.memory_space<vmem_shared>>
        tpu.wait_indirect_dma semaphore(%run_scoped3A_219 : memref<!tpu.dma_semaphore, #tpu.memory_space<semaphore_mem>>) src(%arg17 : memref<6400xf32, #tpu.memory_space<vmem>>) dst(%dma_wait3A_221 : memref<1000000xf32, #tpu.memory_space<vmem_shared>>)
        tpu.yield
      }) : () -> ()
      "tpu.region"() ({
        %run_scoped3A_219 = tpu.sem_alloc : memref<!tpu.dma_semaphore, #tpu.memory_space<semaphore_mem>>
        %dma_start3A = arith.constant 0 : i32
        %dma_start3A_220 = tpu.memref_slice %arg26[%dma_start3A] : memref<1000000xf32, #tpu.memory_space<vmem_shared>> -> memref<1000000xf32, #tpu.memory_space<vmem_shared>>
        tpu.enqueue_indirect_dma source(%arg17 : memref<6400xf32, #tpu.memory_space<vmem>>) target(%dma_start3A_220 : memref<1000000xf32, #tpu.memory_space<vmem_shared>>) offsets(%arg15 : memref<6400xi32, #tpu.memory_space<vmem>>) semaphore(%run_scoped3A_219 : memref<!tpu.dma_semaphore, #tpu.memory_space<semaphore_mem>>) {add = true}
        %dma_wait3A = arith.constant 0 : i32
        %dma_wait3A_221 = tpu.memref_slice %arg26[%dma_wait3A] : memref<1000000xf32, #tpu.memory_space<vmem_shared>> -> memref<1000000xf32, #tpu.memory_space<vmem_shared>>
        tpu.wait_indirect_dma semaphore(%run_scoped3A_219 : memref<!tpu.dma_semaphore, #tpu.memory_space<semaphore_mem>>) src(%arg17 : memref<6400xf32, #tpu.memory_space<vmem>>) dst(%dma_wait3A_221 : memref<1000000xf32, #tpu.memory_space<vmem_shared>>)
        tpu.yield
      }) : () -> ()
      "tpu.region"() ({
        %run_scoped3A_219 = tpu.sem_alloc : memref<!tpu.dma_semaphore, #tpu.memory_space<semaphore_mem>>
        %dma_start3A = arith.constant 0 : i32
        %dma_start3A_220 = tpu.memref_slice %arg26[%dma_start3A] : memref<1000000xf32, #tpu.memory_space<vmem_shared>> -> memref<1000000xf32, #tpu.memory_space<vmem_shared>>
        tpu.enqueue_indirect_dma source(%arg17 : memref<6400xf32, #tpu.memory_space<vmem>>) target(%dma_start3A_220 : memref<1000000xf32, #tpu.memory_space<vmem_shared>>) offsets(%arg16 : memref<6400xi32, #tpu.memory_space<vmem>>) semaphore(%run_scoped3A_219 : memref<!tpu.dma_semaphore, #tpu.memory_space<semaphore_mem>>) {add = true}
        %dma_wait3A = arith.constant 0 : i32
        %dma_wait3A_221 = tpu.memref_slice %arg26[%dma_wait3A] : memref<1000000xf32, #tpu.memory_space<vmem_shared>> -> memref<1000000xf32, #tpu.memory_space<vmem_shared>>
        tpu.wait_indirect_dma semaphore(%run_scoped3A_219 : memref<!tpu.dma_semaphore, #tpu.memory_space<semaphore_mem>>) src(%arg17 : memref<6400xf32, #tpu.memory_space<vmem>>) dst(%dma_wait3A_221 : memref<1000000xf32, #tpu.memory_space<vmem_shared>>)
        tpu.yield
      }) : () -> ()
    } else {
    }
    %barrier3A_73 = arith.constant 0 : index
    tpu.barrier barrier_id(%barrier3A_73)
    %eq3A_74 = arith.constant 7 : i32
    %eq3A_75 = arith.cmpi eq, %arg1, %eq3A_74 : i32
    %convert_element_type3A_76 = arith.extui %eq3A_75 : i1 to i32
    %cond3A_77 = arith.constant 0 : i32
    %cond3A_78 = arith.cmpi ne, %convert_element_type3A_76, %cond3A_77 : i32
    scf.if %cond3A_78 {
      "tpu.region"() ({
        %run_scoped3A_219 = tpu.sem_alloc : memref<!tpu.dma_semaphore, #tpu.memory_space<semaphore_mem>>
        %dma_start3A = arith.constant 0 : i32
        %dma_start3A_220 = tpu.memref_slice %arg26[%dma_start3A] : memref<1000000xf32, #tpu.memory_space<vmem_shared>> -> memref<1000000xf32, #tpu.memory_space<vmem_shared>>
        tpu.enqueue_indirect_dma source(%arg17 : memref<6400xf32, #tpu.memory_space<vmem>>) target(%dma_start3A_220 : memref<1000000xf32, #tpu.memory_space<vmem_shared>>) offsets(%arg13 : memref<6400xi32, #tpu.memory_space<vmem>>) semaphore(%run_scoped3A_219 : memref<!tpu.dma_semaphore, #tpu.memory_space<semaphore_mem>>) {add = true}
        %dma_wait3A = arith.constant 0 : i32
        %dma_wait3A_221 = tpu.memref_slice %arg26[%dma_wait3A] : memref<1000000xf32, #tpu.memory_space<vmem_shared>> -> memref<1000000xf32, #tpu.memory_space<vmem_shared>>
        tpu.wait_indirect_dma semaphore(%run_scoped3A_219 : memref<!tpu.dma_semaphore, #tpu.memory_space<semaphore_mem>>) src(%arg17 : memref<6400xf32, #tpu.memory_space<vmem>>) dst(%dma_wait3A_221 : memref<1000000xf32, #tpu.memory_space<vmem_shared>>)
        tpu.yield
      }) : () -> ()
      "tpu.region"() ({
        %run_scoped3A_219 = tpu.sem_alloc : memref<!tpu.dma_semaphore, #tpu.memory_space<semaphore_mem>>
        %dma_start3A = arith.constant 0 : i32
        %dma_start3A_220 = tpu.memref_slice %arg26[%dma_start3A] : memref<1000000xf32, #tpu.memory_space<vmem_shared>> -> memref<1000000xf32, #tpu.memory_space<vmem_shared>>
        tpu.enqueue_indirect_dma source(%arg17 : memref<6400xf32, #tpu.memory_space<vmem>>) target(%dma_start3A_220 : memref<1000000xf32, #tpu.memory_space<vmem_shared>>) offsets(%arg14 : memref<6400xi32, #tpu.memory_space<vmem>>) semaphore(%run_scoped3A_219 : memref<!tpu.dma_semaphore, #tpu.memory_space<semaphore_mem>>) {add = true}
        %dma_wait3A = arith.constant 0 : i32
        %dma_wait3A_221 = tpu.memref_slice %arg26[%dma_wait3A] : memref<1000000xf32, #tpu.memory_space<vmem_shared>> -> memref<1000000xf32, #tpu.memory_space<vmem_shared>>
        tpu.wait_indirect_dma semaphore(%run_scoped3A_219 : memref<!tpu.dma_semaphore, #tpu.memory_space<semaphore_mem>>) src(%arg17 : memref<6400xf32, #tpu.memory_space<vmem>>) dst(%dma_wait3A_221 : memref<1000000xf32, #tpu.memory_space<vmem_shared>>)
        tpu.yield
      }) : () -> ()
      "tpu.region"() ({
        %run_scoped3A_219 = tpu.sem_alloc : memref<!tpu.dma_semaphore, #tpu.memory_space<semaphore_mem>>
        %dma_start3A = arith.constant 0 : i32
        %dma_start3A_220 = tpu.memref_slice %arg26[%dma_start3A] : memref<1000000xf32, #tpu.memory_space<vmem_shared>> -> memref<1000000xf32, #tpu.memory_space<vmem_shared>>
        tpu.enqueue_indirect_dma source(%arg17 : memref<6400xf32, #tpu.memory_space<vmem>>) target(%dma_start3A_220 : memref<1000000xf32, #tpu.memory_space<vmem_shared>>) offsets(%arg15 : memref<6400xi32, #tpu.memory_space<vmem>>) semaphore(%run_scoped3A_219 : memref<!tpu.dma_semaphore, #tpu.memory_space<semaphore_mem>>) {add = true}
        %dma_wait3A = arith.constant 0 : i32
        %dma_wait3A_221 = tpu.memref_slice %arg26[%dma_wait3A] : memref<1000000xf32, #tpu.memory_space<vmem_shared>> -> memref<1000000xf32, #tpu.memory_space<vmem_shared>>
        tpu.wait_indirect_dma semaphore(%run_scoped3A_219 : memref<!tpu.dma_semaphore, #tpu.memory_space<semaphore_mem>>) src(%arg17 : memref<6400xf32, #tpu.memory_space<vmem>>) dst(%dma_wait3A_221 : memref<1000000xf32, #tpu.memory_space<vmem_shared>>)
        tpu.yield
      }) : () -> ()
      "tpu.region"() ({
        %run_scoped3A_219 = tpu.sem_alloc : memref<!tpu.dma_semaphore, #tpu.memory_space<semaphore_mem>>
        %dma_start3A = arith.constant 0 : i32
        %dma_start3A_220 = tpu.memref_slice %arg26[%dma_start3A] : memref<1000000xf32, #tpu.memory_space<vmem_shared>> -> memref<1000000xf32, #tpu.memory_space<vmem_shared>>
        tpu.enqueue_indirect_dma source(%arg17 : memref<6400xf32, #tpu.memory_space<vmem>>) target(%dma_start3A_220 : memref<1000000xf32, #tpu.memory_space<vmem_shared>>) offsets(%arg16 : memref<6400xi32, #tpu.memory_space<vmem>>) semaphore(%run_scoped3A_219 : memref<!tpu.dma_semaphore, #tpu.memory_space<semaphore_mem>>) {add = true}
        %dma_wait3A = arith.constant 0 : i32
        %dma_wait3A_221 = tpu.memref_slice %arg26[%dma_wait3A] : memref<1000000xf32, #tpu.memory_space<vmem_shared>> -> memref<1000000xf32, #tpu.memory_space<vmem_shared>>
        tpu.wait_indirect_dma semaphore(%run_scoped3A_219 : memref<!tpu.dma_semaphore, #tpu.memory_space<semaphore_mem>>) src(%arg17 : memref<6400xf32, #tpu.memory_space<vmem>>) dst(%dma_wait3A_221 : memref<1000000xf32, #tpu.memory_space<vmem_shared>>)
        tpu.yield
      }) : () -> ()
    } else {
    }
    %barrier3A_79 = arith.constant 0 : index
    tpu.barrier barrier_id(%barrier3A_79)
    %eq3A_80 = arith.constant 8 : i32
    %eq3A_81 = arith.cmpi eq, %arg1, %eq3A_80 : i32
    %convert_element_type3A_82 = arith.extui %eq3A_81 : i1 to i32
    %cond3A_83 = arith.constant 0 : i32
    %cond3A_84 = arith.cmpi ne, %convert_element_type3A_82, %cond3A_83 : i32
    scf.if %cond3A_84 {
      "tpu.region"() ({
        %run_scoped3A_219 = tpu.sem_alloc : memref<!tpu.dma_semaphore, #tpu.memory_space<semaphore_mem>>
        %dma_start3A = arith.constant 0 : i32
        %dma_start3A_220 = tpu.memref_slice %arg26[%dma_start3A] : memref<1000000xf32, #tpu.memory_space<vmem_shared>> -> memref<1000000xf32, #tpu.memory_space<vmem_shared>>
        tpu.enqueue_indirect_dma source(%arg17 : memref<6400xf32, #tpu.memory_space<vmem>>) target(%dma_start3A_220 : memref<1000000xf32, #tpu.memory_space<vmem_shared>>) offsets(%arg13 : memref<6400xi32, #tpu.memory_space<vmem>>) semaphore(%run_scoped3A_219 : memref<!tpu.dma_semaphore, #tpu.memory_space<semaphore_mem>>) {add = true}
        %dma_wait3A = arith.constant 0 : i32
        %dma_wait3A_221 = tpu.memref_slice %arg26[%dma_wait3A] : memref<1000000xf32, #tpu.memory_space<vmem_shared>> -> memref<1000000xf32, #tpu.memory_space<vmem_shared>>
        tpu.wait_indirect_dma semaphore(%run_scoped3A_219 : memref<!tpu.dma_semaphore, #tpu.memory_space<semaphore_mem>>) src(%arg17 : memref<6400xf32, #tpu.memory_space<vmem>>) dst(%dma_wait3A_221 : memref<1000000xf32, #tpu.memory_space<vmem_shared>>)
        tpu.yield
      }) : () -> ()
      "tpu.region"() ({
        %run_scoped3A_219 = tpu.sem_alloc : memref<!tpu.dma_semaphore, #tpu.memory_space<semaphore_mem>>
        %dma_start3A = arith.constant 0 : i32
        %dma_start3A_220 = tpu.memref_slice %arg26[%dma_start3A] : memref<1000000xf32, #tpu.memory_space<vmem_shared>> -> memref<1000000xf32, #tpu.memory_space<vmem_shared>>
        tpu.enqueue_indirect_dma source(%arg17 : memref<6400xf32, #tpu.memory_space<vmem>>) target(%dma_start3A_220 : memref<1000000xf32, #tpu.memory_space<vmem_shared>>) offsets(%arg14 : memref<6400xi32, #tpu.memory_space<vmem>>) semaphore(%run_scoped3A_219 : memref<!tpu.dma_semaphore, #tpu.memory_space<semaphore_mem>>) {add = true}
        %dma_wait3A = arith.constant 0 : i32
        %dma_wait3A_221 = tpu.memref_slice %arg26[%dma_wait3A] : memref<1000000xf32, #tpu.memory_space<vmem_shared>> -> memref<1000000xf32, #tpu.memory_space<vmem_shared>>
        tpu.wait_indirect_dma semaphore(%run_scoped3A_219 : memref<!tpu.dma_semaphore, #tpu.memory_space<semaphore_mem>>) src(%arg17 : memref<6400xf32, #tpu.memory_space<vmem>>) dst(%dma_wait3A_221 : memref<1000000xf32, #tpu.memory_space<vmem_shared>>)
        tpu.yield
      }) : () -> ()
      "tpu.region"() ({
        %run_scoped3A_219 = tpu.sem_alloc : memref<!tpu.dma_semaphore, #tpu.memory_space<semaphore_mem>>
        %dma_start3A = arith.constant 0 : i32
        %dma_start3A_220 = tpu.memref_slice %arg26[%dma_start3A] : memref<1000000xf32, #tpu.memory_space<vmem_shared>> -> memref<1000000xf32, #tpu.memory_space<vmem_shared>>
        tpu.enqueue_indirect_dma source(%arg17 : memref<6400xf32, #tpu.memory_space<vmem>>) target(%dma_start3A_220 : memref<1000000xf32, #tpu.memory_space<vmem_shared>>) offsets(%arg15 : memref<6400xi32, #tpu.memory_space<vmem>>) semaphore(%run_scoped3A_219 : memref<!tpu.dma_semaphore, #tpu.memory_space<semaphore_mem>>) {add = true}
        %dma_wait3A = arith.constant 0 : i32
        %dma_wait3A_221 = tpu.memref_slice %arg26[%dma_wait3A] : memref<1000000xf32, #tpu.memory_space<vmem_shared>> -> memref<1000000xf32, #tpu.memory_space<vmem_shared>>
        tpu.wait_indirect_dma semaphore(%run_scoped3A_219 : memref<!tpu.dma_semaphore, #tpu.memory_space<semaphore_mem>>) src(%arg17 : memref<6400xf32, #tpu.memory_space<vmem>>) dst(%dma_wait3A_221 : memref<1000000xf32, #tpu.memory_space<vmem_shared>>)
        tpu.yield
      }) : () -> ()
      "tpu.region"() ({
        %run_scoped3A_219 = tpu.sem_alloc : memref<!tpu.dma_semaphore, #tpu.memory_space<semaphore_mem>>
        %dma_start3A = arith.constant 0 : i32
        %dma_start3A_220 = tpu.memref_slice %arg26[%dma_start3A] : memref<1000000xf32, #tpu.memory_space<vmem_shared>> -> memref<1000000xf32, #tpu.memory_space<vmem_shared>>
        tpu.enqueue_indirect_dma source(%arg17 : memref<6400xf32, #tpu.memory_space<vmem>>) target(%dma_start3A_220 : memref<1000000xf32, #tpu.memory_space<vmem_shared>>) offsets(%arg16 : memref<6400xi32, #tpu.memory_space<vmem>>) semaphore(%run_scoped3A_219 : memref<!tpu.dma_semaphore, #tpu.memory_space<semaphore_mem>>) {add = true}
        %dma_wait3A = arith.constant 0 : i32
        %dma_wait3A_221 = tpu.memref_slice %arg26[%dma_wait3A] : memref<1000000xf32, #tpu.memory_space<vmem_shared>> -> memref<1000000xf32, #tpu.memory_space<vmem_shared>>
        tpu.wait_indirect_dma semaphore(%run_scoped3A_219 : memref<!tpu.dma_semaphore, #tpu.memory_space<semaphore_mem>>) src(%arg17 : memref<6400xf32, #tpu.memory_space<vmem>>) dst(%dma_wait3A_221 : memref<1000000xf32, #tpu.memory_space<vmem_shared>>)
        tpu.yield
      }) : () -> ()
    } else {
    }
    %barrier3A_85 = arith.constant 0 : index
    tpu.barrier barrier_id(%barrier3A_85)
    %eq3A_86 = arith.constant 9 : i32
    %eq3A_87 = arith.cmpi eq, %arg1, %eq3A_86 : i32
    %convert_element_type3A_88 = arith.extui %eq3A_87 : i1 to i32
    %cond3A_89 = arith.constant 0 : i32
    %cond3A_90 = arith.cmpi ne, %convert_element_type3A_88, %cond3A_89 : i32
    scf.if %cond3A_90 {
      "tpu.region"() ({
        %run_scoped3A_219 = tpu.sem_alloc : memref<!tpu.dma_semaphore, #tpu.memory_space<semaphore_mem>>
        %dma_start3A = arith.constant 0 : i32
        %dma_start3A_220 = tpu.memref_slice %arg26[%dma_start3A] : memref<1000000xf32, #tpu.memory_space<vmem_shared>> -> memref<1000000xf32, #tpu.memory_space<vmem_shared>>
        tpu.enqueue_indirect_dma source(%arg17 : memref<6400xf32, #tpu.memory_space<vmem>>) target(%dma_start3A_220 : memref<1000000xf32, #tpu.memory_space<vmem_shared>>) offsets(%arg13 : memref<6400xi32, #tpu.memory_space<vmem>>) semaphore(%run_scoped3A_219 : memref<!tpu.dma_semaphore, #tpu.memory_space<semaphore_mem>>) {add = true}
        %dma_wait3A = arith.constant 0 : i32
        %dma_wait3A_221 = tpu.memref_slice %arg26[%dma_wait3A] : memref<1000000xf32, #tpu.memory_space<vmem_shared>> -> memref<1000000xf32, #tpu.memory_space<vmem_shared>>
        tpu.wait_indirect_dma semaphore(%run_scoped3A_219 : memref<!tpu.dma_semaphore, #tpu.memory_space<semaphore_mem>>) src(%arg17 : memref<6400xf32, #tpu.memory_space<vmem>>) dst(%dma_wait3A_221 : memref<1000000xf32, #tpu.memory_space<vmem_shared>>)
        tpu.yield
      }) : () -> ()
      "tpu.region"() ({
        %run_scoped3A_219 = tpu.sem_alloc : memref<!tpu.dma_semaphore, #tpu.memory_space<semaphore_mem>>
        %dma_start3A = arith.constant 0 : i32
        %dma_start3A_220 = tpu.memref_slice %arg26[%dma_start3A] : memref<1000000xf32, #tpu.memory_space<vmem_shared>> -> memref<1000000xf32, #tpu.memory_space<vmem_shared>>
        tpu.enqueue_indirect_dma source(%arg17 : memref<6400xf32, #tpu.memory_space<vmem>>) target(%dma_start3A_220 : memref<1000000xf32, #tpu.memory_space<vmem_shared>>) offsets(%arg14 : memref<6400xi32, #tpu.memory_space<vmem>>) semaphore(%run_scoped3A_219 : memref<!tpu.dma_semaphore, #tpu.memory_space<semaphore_mem>>) {add = true}
        %dma_wait3A = arith.constant 0 : i32
        %dma_wait3A_221 = tpu.memref_slice %arg26[%dma_wait3A] : memref<1000000xf32, #tpu.memory_space<vmem_shared>> -> memref<1000000xf32, #tpu.memory_space<vmem_shared>>
        tpu.wait_indirect_dma semaphore(%run_scoped3A_219 : memref<!tpu.dma_semaphore, #tpu.memory_space<semaphore_mem>>) src(%arg17 : memref<6400xf32, #tpu.memory_space<vmem>>) dst(%dma_wait3A_221 : memref<1000000xf32, #tpu.memory_space<vmem_shared>>)
        tpu.yield
      }) : () -> ()
      "tpu.region"() ({
        %run_scoped3A_219 = tpu.sem_alloc : memref<!tpu.dma_semaphore, #tpu.memory_space<semaphore_mem>>
        %dma_start3A = arith.constant 0 : i32
        %dma_start3A_220 = tpu.memref_slice %arg26[%dma_start3A] : memref<1000000xf32, #tpu.memory_space<vmem_shared>> -> memref<1000000xf32, #tpu.memory_space<vmem_shared>>
        tpu.enqueue_indirect_dma source(%arg17 : memref<6400xf32, #tpu.memory_space<vmem>>) target(%dma_start3A_220 : memref<1000000xf32, #tpu.memory_space<vmem_shared>>) offsets(%arg15 : memref<6400xi32, #tpu.memory_space<vmem>>) semaphore(%run_scoped3A_219 : memref<!tpu.dma_semaphore, #tpu.memory_space<semaphore_mem>>) {add = true}
        %dma_wait3A = arith.constant 0 : i32
        %dma_wait3A_221 = tpu.memref_slice %arg26[%dma_wait3A] : memref<1000000xf32, #tpu.memory_space<vmem_shared>> -> memref<1000000xf32, #tpu.memory_space<vmem_shared>>
        tpu.wait_indirect_dma semaphore(%run_scoped3A_219 : memref<!tpu.dma_semaphore, #tpu.memory_space<semaphore_mem>>) src(%arg17 : memref<6400xf32, #tpu.memory_space<vmem>>) dst(%dma_wait3A_221 : memref<1000000xf32, #tpu.memory_space<vmem_shared>>)
        tpu.yield
      }) : () -> ()
      "tpu.region"() ({
        %run_scoped3A_219 = tpu.sem_alloc : memref<!tpu.dma_semaphore, #tpu.memory_space<semaphore_mem>>
        %dma_start3A = arith.constant 0 : i32
        %dma_start3A_220 = tpu.memref_slice %arg26[%dma_start3A] : memref<1000000xf32, #tpu.memory_space<vmem_shared>> -> memref<1000000xf32, #tpu.memory_space<vmem_shared>>
        tpu.enqueue_indirect_dma source(%arg17 : memref<6400xf32, #tpu.memory_space<vmem>>) target(%dma_start3A_220 : memref<1000000xf32, #tpu.memory_space<vmem_shared>>) offsets(%arg16 : memref<6400xi32, #tpu.memory_space<vmem>>) semaphore(%run_scoped3A_219 : memref<!tpu.dma_semaphore, #tpu.memory_space<semaphore_mem>>) {add = true}
        %dma_wait3A = arith.constant 0 : i32
        %dma_wait3A_221 = tpu.memref_slice %arg26[%dma_wait3A] : memref<1000000xf32, #tpu.memory_space<vmem_shared>> -> memref<1000000xf32, #tpu.memory_space<vmem_shared>>
        tpu.wait_indirect_dma semaphore(%run_scoped3A_219 : memref<!tpu.dma_semaphore, #tpu.memory_space<semaphore_mem>>) src(%arg17 : memref<6400xf32, #tpu.memory_space<vmem>>) dst(%dma_wait3A_221 : memref<1000000xf32, #tpu.memory_space<vmem_shared>>)
        tpu.yield
      }) : () -> ()
    } else {
    }
    %barrier3A_91 = arith.constant 0 : index
    tpu.barrier barrier_id(%barrier3A_91)
    %eq3A_92 = arith.constant 10 : i32
    %eq3A_93 = arith.cmpi eq, %arg1, %eq3A_92 : i32
    %convert_element_type3A_94 = arith.extui %eq3A_93 : i1 to i32
    %cond3A_95 = arith.constant 0 : i32
    %cond3A_96 = arith.cmpi ne, %convert_element_type3A_94, %cond3A_95 : i32
    scf.if %cond3A_96 {
      "tpu.region"() ({
        %run_scoped3A_219 = tpu.sem_alloc : memref<!tpu.dma_semaphore, #tpu.memory_space<semaphore_mem>>
        %dma_start3A = arith.constant 0 : i32
        %dma_start3A_220 = tpu.memref_slice %arg26[%dma_start3A] : memref<1000000xf32, #tpu.memory_space<vmem_shared>> -> memref<1000000xf32, #tpu.memory_space<vmem_shared>>
        tpu.enqueue_indirect_dma source(%arg17 : memref<6400xf32, #tpu.memory_space<vmem>>) target(%dma_start3A_220 : memref<1000000xf32, #tpu.memory_space<vmem_shared>>) offsets(%arg13 : memref<6400xi32, #tpu.memory_space<vmem>>) semaphore(%run_scoped3A_219 : memref<!tpu.dma_semaphore, #tpu.memory_space<semaphore_mem>>) {add = true}
        %dma_wait3A = arith.constant 0 : i32
        %dma_wait3A_221 = tpu.memref_slice %arg26[%dma_wait3A] : memref<1000000xf32, #tpu.memory_space<vmem_shared>> -> memref<1000000xf32, #tpu.memory_space<vmem_shared>>
        tpu.wait_indirect_dma semaphore(%run_scoped3A_219 : memref<!tpu.dma_semaphore, #tpu.memory_space<semaphore_mem>>) src(%arg17 : memref<6400xf32, #tpu.memory_space<vmem>>) dst(%dma_wait3A_221 : memref<1000000xf32, #tpu.memory_space<vmem_shared>>)
        tpu.yield
      }) : () -> ()
      "tpu.region"() ({
        %run_scoped3A_219 = tpu.sem_alloc : memref<!tpu.dma_semaphore, #tpu.memory_space<semaphore_mem>>
        %dma_start3A = arith.constant 0 : i32
        %dma_start3A_220 = tpu.memref_slice %arg26[%dma_start3A] : memref<1000000xf32, #tpu.memory_space<vmem_shared>> -> memref<1000000xf32, #tpu.memory_space<vmem_shared>>
        tpu.enqueue_indirect_dma source(%arg17 : memref<6400xf32, #tpu.memory_space<vmem>>) target(%dma_start3A_220 : memref<1000000xf32, #tpu.memory_space<vmem_shared>>) offsets(%arg14 : memref<6400xi32, #tpu.memory_space<vmem>>) semaphore(%run_scoped3A_219 : memref<!tpu.dma_semaphore, #tpu.memory_space<semaphore_mem>>) {add = true}
        %dma_wait3A = arith.constant 0 : i32
        %dma_wait3A_221 = tpu.memref_slice %arg26[%dma_wait3A] : memref<1000000xf32, #tpu.memory_space<vmem_shared>> -> memref<1000000xf32, #tpu.memory_space<vmem_shared>>
        tpu.wait_indirect_dma semaphore(%run_scoped3A_219 : memref<!tpu.dma_semaphore, #tpu.memory_space<semaphore_mem>>) src(%arg17 : memref<6400xf32, #tpu.memory_space<vmem>>) dst(%dma_wait3A_221 : memref<1000000xf32, #tpu.memory_space<vmem_shared>>)
        tpu.yield
      }) : () -> ()
      "tpu.region"() ({
        %run_scoped3A_219 = tpu.sem_alloc : memref<!tpu.dma_semaphore, #tpu.memory_space<semaphore_mem>>
        %dma_start3A = arith.constant 0 : i32
        %dma_start3A_220 = tpu.memref_slice %arg26[%dma_start3A] : memref<1000000xf32, #tpu.memory_space<vmem_shared>> -> memref<1000000xf32, #tpu.memory_space<vmem_shared>>
        tpu.enqueue_indirect_dma source(%arg17 : memref<6400xf32, #tpu.memory_space<vmem>>) target(%dma_start3A_220 : memref<1000000xf32, #tpu.memory_space<vmem_shared>>) offsets(%arg15 : memref<6400xi32, #tpu.memory_space<vmem>>) semaphore(%run_scoped3A_219 : memref<!tpu.dma_semaphore, #tpu.memory_space<semaphore_mem>>) {add = true}
        %dma_wait3A = arith.constant 0 : i32
        %dma_wait3A_221 = tpu.memref_slice %arg26[%dma_wait3A] : memref<1000000xf32, #tpu.memory_space<vmem_shared>> -> memref<1000000xf32, #tpu.memory_space<vmem_shared>>
        tpu.wait_indirect_dma semaphore(%run_scoped3A_219 : memref<!tpu.dma_semaphore, #tpu.memory_space<semaphore_mem>>) src(%arg17 : memref<6400xf32, #tpu.memory_space<vmem>>) dst(%dma_wait3A_221 : memref<1000000xf32, #tpu.memory_space<vmem_shared>>)
        tpu.yield
      }) : () -> ()
      "tpu.region"() ({
        %run_scoped3A_219 = tpu.sem_alloc : memref<!tpu.dma_semaphore, #tpu.memory_space<semaphore_mem>>
        %dma_start3A = arith.constant 0 : i32
        %dma_start3A_220 = tpu.memref_slice %arg26[%dma_start3A] : memref<1000000xf32, #tpu.memory_space<vmem_shared>> -> memref<1000000xf32, #tpu.memory_space<vmem_shared>>
        tpu.enqueue_indirect_dma source(%arg17 : memref<6400xf32, #tpu.memory_space<vmem>>) target(%dma_start3A_220 : memref<1000000xf32, #tpu.memory_space<vmem_shared>>) offsets(%arg16 : memref<6400xi32, #tpu.memory_space<vmem>>) semaphore(%run_scoped3A_219 : memref<!tpu.dma_semaphore, #tpu.memory_space<semaphore_mem>>) {add = true}
        %dma_wait3A = arith.constant 0 : i32
        %dma_wait3A_221 = tpu.memref_slice %arg26[%dma_wait3A] : memref<1000000xf32, #tpu.memory_space<vmem_shared>> -> memref<1000000xf32, #tpu.memory_space<vmem_shared>>
        tpu.wait_indirect_dma semaphore(%run_scoped3A_219 : memref<!tpu.dma_semaphore, #tpu.memory_space<semaphore_mem>>) src(%arg17 : memref<6400xf32, #tpu.memory_space<vmem>>) dst(%dma_wait3A_221 : memref<1000000xf32, #tpu.memory_space<vmem_shared>>)
        tpu.yield
      }) : () -> ()
    } else {
    }
    %barrier3A_97 = arith.constant 0 : index
    tpu.barrier barrier_id(%barrier3A_97)
    %eq3A_98 = arith.constant 11 : i32
    %eq3A_99 = arith.cmpi eq, %arg1, %eq3A_98 : i32
    %convert_element_type3A_100 = arith.extui %eq3A_99 : i1 to i32
    %cond3A_101 = arith.constant 0 : i32
    %cond3A_102 = arith.cmpi ne, %convert_element_type3A_100, %cond3A_101 : i32
    scf.if %cond3A_102 {
      "tpu.region"() ({
        %run_scoped3A_219 = tpu.sem_alloc : memref<!tpu.dma_semaphore, #tpu.memory_space<semaphore_mem>>
        %dma_start3A = arith.constant 0 : i32
        %dma_start3A_220 = tpu.memref_slice %arg26[%dma_start3A] : memref<1000000xf32, #tpu.memory_space<vmem_shared>> -> memref<1000000xf32, #tpu.memory_space<vmem_shared>>
        tpu.enqueue_indirect_dma source(%arg17 : memref<6400xf32, #tpu.memory_space<vmem>>) target(%dma_start3A_220 : memref<1000000xf32, #tpu.memory_space<vmem_shared>>) offsets(%arg13 : memref<6400xi32, #tpu.memory_space<vmem>>) semaphore(%run_scoped3A_219 : memref<!tpu.dma_semaphore, #tpu.memory_space<semaphore_mem>>) {add = true}
        %dma_wait3A = arith.constant 0 : i32
        %dma_wait3A_221 = tpu.memref_slice %arg26[%dma_wait3A] : memref<1000000xf32, #tpu.memory_space<vmem_shared>> -> memref<1000000xf32, #tpu.memory_space<vmem_shared>>
        tpu.wait_indirect_dma semaphore(%run_scoped3A_219 : memref<!tpu.dma_semaphore, #tpu.memory_space<semaphore_mem>>) src(%arg17 : memref<6400xf32, #tpu.memory_space<vmem>>) dst(%dma_wait3A_221 : memref<1000000xf32, #tpu.memory_space<vmem_shared>>)
        tpu.yield
      }) : () -> ()
      "tpu.region"() ({
        %run_scoped3A_219 = tpu.sem_alloc : memref<!tpu.dma_semaphore, #tpu.memory_space<semaphore_mem>>
        %dma_start3A = arith.constant 0 : i32
        %dma_start3A_220 = tpu.memref_slice %arg26[%dma_start3A] : memref<1000000xf32, #tpu.memory_space<vmem_shared>> -> memref<1000000xf32, #tpu.memory_space<vmem_shared>>
        tpu.enqueue_indirect_dma source(%arg17 : memref<6400xf32, #tpu.memory_space<vmem>>) target(%dma_start3A_220 : memref<1000000xf32, #tpu.memory_space<vmem_shared>>) offsets(%arg14 : memref<6400xi32, #tpu.memory_space<vmem>>) semaphore(%run_scoped3A_219 : memref<!tpu.dma_semaphore, #tpu.memory_space<semaphore_mem>>) {add = true}
        %dma_wait3A = arith.constant 0 : i32
        %dma_wait3A_221 = tpu.memref_slice %arg26[%dma_wait3A] : memref<1000000xf32, #tpu.memory_space<vmem_shared>> -> memref<1000000xf32, #tpu.memory_space<vmem_shared>>
        tpu.wait_indirect_dma semaphore(%run_scoped3A_219 : memref<!tpu.dma_semaphore, #tpu.memory_space<semaphore_mem>>) src(%arg17 : memref<6400xf32, #tpu.memory_space<vmem>>) dst(%dma_wait3A_221 : memref<1000000xf32, #tpu.memory_space<vmem_shared>>)
        tpu.yield
      }) : () -> ()
      "tpu.region"() ({
        %run_scoped3A_219 = tpu.sem_alloc : memref<!tpu.dma_semaphore, #tpu.memory_space<semaphore_mem>>
        %dma_start3A = arith.constant 0 : i32
        %dma_start3A_220 = tpu.memref_slice %arg26[%dma_start3A] : memref<1000000xf32, #tpu.memory_space<vmem_shared>> -> memref<1000000xf32, #tpu.memory_space<vmem_shared>>
        tpu.enqueue_indirect_dma source(%arg17 : memref<6400xf32, #tpu.memory_space<vmem>>) target(%dma_start3A_220 : memref<1000000xf32, #tpu.memory_space<vmem_shared>>) offsets(%arg15 : memref<6400xi32, #tpu.memory_space<vmem>>) semaphore(%run_scoped3A_219 : memref<!tpu.dma_semaphore, #tpu.memory_space<semaphore_mem>>) {add = true}
        %dma_wait3A = arith.constant 0 : i32
        %dma_wait3A_221 = tpu.memref_slice %arg26[%dma_wait3A] : memref<1000000xf32, #tpu.memory_space<vmem_shared>> -> memref<1000000xf32, #tpu.memory_space<vmem_shared>>
        tpu.wait_indirect_dma semaphore(%run_scoped3A_219 : memref<!tpu.dma_semaphore, #tpu.memory_space<semaphore_mem>>) src(%arg17 : memref<6400xf32, #tpu.memory_space<vmem>>) dst(%dma_wait3A_221 : memref<1000000xf32, #tpu.memory_space<vmem_shared>>)
        tpu.yield
      }) : () -> ()
      "tpu.region"() ({
        %run_scoped3A_219 = tpu.sem_alloc : memref<!tpu.dma_semaphore, #tpu.memory_space<semaphore_mem>>
        %dma_start3A = arith.constant 0 : i32
        %dma_start3A_220 = tpu.memref_slice %arg26[%dma_start3A] : memref<1000000xf32, #tpu.memory_space<vmem_shared>> -> memref<1000000xf32, #tpu.memory_space<vmem_shared>>
        tpu.enqueue_indirect_dma source(%arg17 : memref<6400xf32, #tpu.memory_space<vmem>>) target(%dma_start3A_220 : memref<1000000xf32, #tpu.memory_space<vmem_shared>>) offsets(%arg16 : memref<6400xi32, #tpu.memory_space<vmem>>) semaphore(%run_scoped3A_219 : memref<!tpu.dma_semaphore, #tpu.memory_space<semaphore_mem>>) {add = true}
        %dma_wait3A = arith.constant 0 : i32
        %dma_wait3A_221 = tpu.memref_slice %arg26[%dma_wait3A] : memref<1000000xf32, #tpu.memory_space<vmem_shared>> -> memref<1000000xf32, #tpu.memory_space<vmem_shared>>
        tpu.wait_indirect_dma semaphore(%run_scoped3A_219 : memref<!tpu.dma_semaphore, #tpu.memory_space<semaphore_mem>>) src(%arg17 : memref<6400xf32, #tpu.memory_space<vmem>>) dst(%dma_wait3A_221 : memref<1000000xf32, #tpu.memory_space<vmem_shared>>)
        tpu.yield
      }) : () -> ()
    } else {
    }
    %barrier3A_103 = arith.constant 0 : index
    tpu.barrier barrier_id(%barrier3A_103)
    %eq3A_104 = arith.constant 12 : i32
    %eq3A_105 = arith.cmpi eq, %arg1, %eq3A_104 : i32
    %convert_element_type3A_106 = arith.extui %eq3A_105 : i1 to i32
    %cond3A_107 = arith.constant 0 : i32
    %cond3A_108 = arith.cmpi ne, %convert_element_type3A_106, %cond3A_107 : i32
    scf.if %cond3A_108 {
      "tpu.region"() ({
        %run_scoped3A_219 = tpu.sem_alloc : memref<!tpu.dma_semaphore, #tpu.memory_space<semaphore_mem>>
        %dma_start3A = arith.constant 0 : i32
        %dma_start3A_220 = tpu.memref_slice %arg26[%dma_start3A] : memref<1000000xf32, #tpu.memory_space<vmem_shared>> -> memref<1000000xf32, #tpu.memory_space<vmem_shared>>
        tpu.enqueue_indirect_dma source(%arg17 : memref<6400xf32, #tpu.memory_space<vmem>>) target(%dma_start3A_220 : memref<1000000xf32, #tpu.memory_space<vmem_shared>>) offsets(%arg13 : memref<6400xi32, #tpu.memory_space<vmem>>) semaphore(%run_scoped3A_219 : memref<!tpu.dma_semaphore, #tpu.memory_space<semaphore_mem>>) {add = true}
        %dma_wait3A = arith.constant 0 : i32
        %dma_wait3A_221 = tpu.memref_slice %arg26[%dma_wait3A] : memref<1000000xf32, #tpu.memory_space<vmem_shared>> -> memref<1000000xf32, #tpu.memory_space<vmem_shared>>
        tpu.wait_indirect_dma semaphore(%run_scoped3A_219 : memref<!tpu.dma_semaphore, #tpu.memory_space<semaphore_mem>>) src(%arg17 : memref<6400xf32, #tpu.memory_space<vmem>>) dst(%dma_wait3A_221 : memref<1000000xf32, #tpu.memory_space<vmem_shared>>)
        tpu.yield
      }) : () -> ()
      "tpu.region"() ({
        %run_scoped3A_219 = tpu.sem_alloc : memref<!tpu.dma_semaphore, #tpu.memory_space<semaphore_mem>>
        %dma_start3A = arith.constant 0 : i32
        %dma_start3A_220 = tpu.memref_slice %arg26[%dma_start3A] : memref<1000000xf32, #tpu.memory_space<vmem_shared>> -> memref<1000000xf32, #tpu.memory_space<vmem_shared>>
        tpu.enqueue_indirect_dma source(%arg17 : memref<6400xf32, #tpu.memory_space<vmem>>) target(%dma_start3A_220 : memref<1000000xf32, #tpu.memory_space<vmem_shared>>) offsets(%arg14 : memref<6400xi32, #tpu.memory_space<vmem>>) semaphore(%run_scoped3A_219 : memref<!tpu.dma_semaphore, #tpu.memory_space<semaphore_mem>>) {add = true}
        %dma_wait3A = arith.constant 0 : i32
        %dma_wait3A_221 = tpu.memref_slice %arg26[%dma_wait3A] : memref<1000000xf32, #tpu.memory_space<vmem_shared>> -> memref<1000000xf32, #tpu.memory_space<vmem_shared>>
        tpu.wait_indirect_dma semaphore(%run_scoped3A_219 : memref<!tpu.dma_semaphore, #tpu.memory_space<semaphore_mem>>) src(%arg17 : memref<6400xf32, #tpu.memory_space<vmem>>) dst(%dma_wait3A_221 : memref<1000000xf32, #tpu.memory_space<vmem_shared>>)
        tpu.yield
      }) : () -> ()
      "tpu.region"() ({
        %run_scoped3A_219 = tpu.sem_alloc : memref<!tpu.dma_semaphore, #tpu.memory_space<semaphore_mem>>
        %dma_start3A = arith.constant 0 : i32
        %dma_start3A_220 = tpu.memref_slice %arg26[%dma_start3A] : memref<1000000xf32, #tpu.memory_space<vmem_shared>> -> memref<1000000xf32, #tpu.memory_space<vmem_shared>>
        tpu.enqueue_indirect_dma source(%arg17 : memref<6400xf32, #tpu.memory_space<vmem>>) target(%dma_start3A_220 : memref<1000000xf32, #tpu.memory_space<vmem_shared>>) offsets(%arg15 : memref<6400xi32, #tpu.memory_space<vmem>>) semaphore(%run_scoped3A_219 : memref<!tpu.dma_semaphore, #tpu.memory_space<semaphore_mem>>) {add = true}
        %dma_wait3A = arith.constant 0 : i32
        %dma_wait3A_221 = tpu.memref_slice %arg26[%dma_wait3A] : memref<1000000xf32, #tpu.memory_space<vmem_shared>> -> memref<1000000xf32, #tpu.memory_space<vmem_shared>>
        tpu.wait_indirect_dma semaphore(%run_scoped3A_219 : memref<!tpu.dma_semaphore, #tpu.memory_space<semaphore_mem>>) src(%arg17 : memref<6400xf32, #tpu.memory_space<vmem>>) dst(%dma_wait3A_221 : memref<1000000xf32, #tpu.memory_space<vmem_shared>>)
        tpu.yield
      }) : () -> ()
      "tpu.region"() ({
        %run_scoped3A_219 = tpu.sem_alloc : memref<!tpu.dma_semaphore, #tpu.memory_space<semaphore_mem>>
        %dma_start3A = arith.constant 0 : i32
        %dma_start3A_220 = tpu.memref_slice %arg26[%dma_start3A] : memref<1000000xf32, #tpu.memory_space<vmem_shared>> -> memref<1000000xf32, #tpu.memory_space<vmem_shared>>
        tpu.enqueue_indirect_dma source(%arg17 : memref<6400xf32, #tpu.memory_space<vmem>>) target(%dma_start3A_220 : memref<1000000xf32, #tpu.memory_space<vmem_shared>>) offsets(%arg16 : memref<6400xi32, #tpu.memory_space<vmem>>) semaphore(%run_scoped3A_219 : memref<!tpu.dma_semaphore, #tpu.memory_space<semaphore_mem>>) {add = true}
        %dma_wait3A = arith.constant 0 : i32
        %dma_wait3A_221 = tpu.memref_slice %arg26[%dma_wait3A] : memref<1000000xf32, #tpu.memory_space<vmem_shared>> -> memref<1000000xf32, #tpu.memory_space<vmem_shared>>
        tpu.wait_indirect_dma semaphore(%run_scoped3A_219 : memref<!tpu.dma_semaphore, #tpu.memory_space<semaphore_mem>>) src(%arg17 : memref<6400xf32, #tpu.memory_space<vmem>>) dst(%dma_wait3A_221 : memref<1000000xf32, #tpu.memory_space<vmem_shared>>)
        tpu.yield
      }) : () -> ()
    } else {
    }
    %barrier3A_109 = arith.constant 0 : index
    tpu.barrier barrier_id(%barrier3A_109)
    %eq3A_110 = arith.constant 13 : i32
    %eq3A_111 = arith.cmpi eq, %arg1, %eq3A_110 : i32
    %convert_element_type3A_112 = arith.extui %eq3A_111 : i1 to i32
    %cond3A_113 = arith.constant 0 : i32
    %cond3A_114 = arith.cmpi ne, %convert_element_type3A_112, %cond3A_113 : i32
    scf.if %cond3A_114 {
      "tpu.region"() ({
        %run_scoped3A_219 = tpu.sem_alloc : memref<!tpu.dma_semaphore, #tpu.memory_space<semaphore_mem>>
        %dma_start3A = arith.constant 0 : i32
        %dma_start3A_220 = tpu.memref_slice %arg26[%dma_start3A] : memref<1000000xf32, #tpu.memory_space<vmem_shared>> -> memref<1000000xf32, #tpu.memory_space<vmem_shared>>
        tpu.enqueue_indirect_dma source(%arg17 : memref<6400xf32, #tpu.memory_space<vmem>>) target(%dma_start3A_220 : memref<1000000xf32, #tpu.memory_space<vmem_shared>>) offsets(%arg13 : memref<6400xi32, #tpu.memory_space<vmem>>) semaphore(%run_scoped3A_219 : memref<!tpu.dma_semaphore, #tpu.memory_space<semaphore_mem>>) {add = true}
        %dma_wait3A = arith.constant 0 : i32
        %dma_wait3A_221 = tpu.memref_slice %arg26[%dma_wait3A] : memref<1000000xf32, #tpu.memory_space<vmem_shared>> -> memref<1000000xf32, #tpu.memory_space<vmem_shared>>
        tpu.wait_indirect_dma semaphore(%run_scoped3A_219 : memref<!tpu.dma_semaphore, #tpu.memory_space<semaphore_mem>>) src(%arg17 : memref<6400xf32, #tpu.memory_space<vmem>>) dst(%dma_wait3A_221 : memref<1000000xf32, #tpu.memory_space<vmem_shared>>)
        tpu.yield
      }) : () -> ()
      "tpu.region"() ({
        %run_scoped3A_219 = tpu.sem_alloc : memref<!tpu.dma_semaphore, #tpu.memory_space<semaphore_mem>>
        %dma_start3A = arith.constant 0 : i32
        %dma_start3A_220 = tpu.memref_slice %arg26[%dma_start3A] : memref<1000000xf32, #tpu.memory_space<vmem_shared>> -> memref<1000000xf32, #tpu.memory_space<vmem_shared>>
        tpu.enqueue_indirect_dma source(%arg17 : memref<6400xf32, #tpu.memory_space<vmem>>) target(%dma_start3A_220 : memref<1000000xf32, #tpu.memory_space<vmem_shared>>) offsets(%arg14 : memref<6400xi32, #tpu.memory_space<vmem>>) semaphore(%run_scoped3A_219 : memref<!tpu.dma_semaphore, #tpu.memory_space<semaphore_mem>>) {add = true}
        %dma_wait3A = arith.constant 0 : i32
        %dma_wait3A_221 = tpu.memref_slice %arg26[%dma_wait3A] : memref<1000000xf32, #tpu.memory_space<vmem_shared>> -> memref<1000000xf32, #tpu.memory_space<vmem_shared>>
        tpu.wait_indirect_dma semaphore(%run_scoped3A_219 : memref<!tpu.dma_semaphore, #tpu.memory_space<semaphore_mem>>) src(%arg17 : memref<6400xf32, #tpu.memory_space<vmem>>) dst(%dma_wait3A_221 : memref<1000000xf32, #tpu.memory_space<vmem_shared>>)
        tpu.yield
      }) : () -> ()
      "tpu.region"() ({
        %run_scoped3A_219 = tpu.sem_alloc : memref<!tpu.dma_semaphore, #tpu.memory_space<semaphore_mem>>
        %dma_start3A = arith.constant 0 : i32
        %dma_start3A_220 = tpu.memref_slice %arg26[%dma_start3A] : memref<1000000xf32, #tpu.memory_space<vmem_shared>> -> memref<1000000xf32, #tpu.memory_space<vmem_shared>>
        tpu.enqueue_indirect_dma source(%arg17 : memref<6400xf32, #tpu.memory_space<vmem>>) target(%dma_start3A_220 : memref<1000000xf32, #tpu.memory_space<vmem_shared>>) offsets(%arg15 : memref<6400xi32, #tpu.memory_space<vmem>>) semaphore(%run_scoped3A_219 : memref<!tpu.dma_semaphore, #tpu.memory_space<semaphore_mem>>) {add = true}
        %dma_wait3A = arith.constant 0 : i32
        %dma_wait3A_221 = tpu.memref_slice %arg26[%dma_wait3A] : memref<1000000xf32, #tpu.memory_space<vmem_shared>> -> memref<1000000xf32, #tpu.memory_space<vmem_shared>>
        tpu.wait_indirect_dma semaphore(%run_scoped3A_219 : memref<!tpu.dma_semaphore, #tpu.memory_space<semaphore_mem>>) src(%arg17 : memref<6400xf32, #tpu.memory_space<vmem>>) dst(%dma_wait3A_221 : memref<1000000xf32, #tpu.memory_space<vmem_shared>>)
        tpu.yield
      }) : () -> ()
      "tpu.region"() ({
        %run_scoped3A_219 = tpu.sem_alloc : memref<!tpu.dma_semaphore, #tpu.memory_space<semaphore_mem>>
        %dma_start3A = arith.constant 0 : i32
        %dma_start3A_220 = tpu.memref_slice %arg26[%dma_start3A] : memref<1000000xf32, #tpu.memory_space<vmem_shared>> -> memref<1000000xf32, #tpu.memory_space<vmem_shared>>
        tpu.enqueue_indirect_dma source(%arg17 : memref<6400xf32, #tpu.memory_space<vmem>>) target(%dma_start3A_220 : memref<1000000xf32, #tpu.memory_space<vmem_shared>>) offsets(%arg16 : memref<6400xi32, #tpu.memory_space<vmem>>) semaphore(%run_scoped3A_219 : memref<!tpu.dma_semaphore, #tpu.memory_space<semaphore_mem>>) {add = true}
        %dma_wait3A = arith.constant 0 : i32
        %dma_wait3A_221 = tpu.memref_slice %arg26[%dma_wait3A] : memref<1000000xf32, #tpu.memory_space<vmem_shared>> -> memref<1000000xf32, #tpu.memory_space<vmem_shared>>
        tpu.wait_indirect_dma semaphore(%run_scoped3A_219 : memref<!tpu.dma_semaphore, #tpu.memory_space<semaphore_mem>>) src(%arg17 : memref<6400xf32, #tpu.memory_space<vmem>>) dst(%dma_wait3A_221 : memref<1000000xf32, #tpu.memory_space<vmem_shared>>)
        tpu.yield
      }) : () -> ()
    } else {
    }
    %barrier3A_115 = arith.constant 0 : index
    tpu.barrier barrier_id(%barrier3A_115)
    %eq3A_116 = arith.constant 14 : i32
    %eq3A_117 = arith.cmpi eq, %arg1, %eq3A_116 : i32
    %convert_element_type3A_118 = arith.extui %eq3A_117 : i1 to i32
    %cond3A_119 = arith.constant 0 : i32
    %cond3A_120 = arith.cmpi ne, %convert_element_type3A_118, %cond3A_119 : i32
    scf.if %cond3A_120 {
      "tpu.region"() ({
        %run_scoped3A_219 = tpu.sem_alloc : memref<!tpu.dma_semaphore, #tpu.memory_space<semaphore_mem>>
        %dma_start3A = arith.constant 0 : i32
        %dma_start3A_220 = tpu.memref_slice %arg26[%dma_start3A] : memref<1000000xf32, #tpu.memory_space<vmem_shared>> -> memref<1000000xf32, #tpu.memory_space<vmem_shared>>
        tpu.enqueue_indirect_dma source(%arg17 : memref<6400xf32, #tpu.memory_space<vmem>>) target(%dma_start3A_220 : memref<1000000xf32, #tpu.memory_space<vmem_shared>>) offsets(%arg13 : memref<6400xi32, #tpu.memory_space<vmem>>) semaphore(%run_scoped3A_219 : memref<!tpu.dma_semaphore, #tpu.memory_space<semaphore_mem>>) {add = true}
        %dma_wait3A = arith.constant 0 : i32
        %dma_wait3A_221 = tpu.memref_slice %arg26[%dma_wait3A] : memref<1000000xf32, #tpu.memory_space<vmem_shared>> -> memref<1000000xf32, #tpu.memory_space<vmem_shared>>
        tpu.wait_indirect_dma semaphore(%run_scoped3A_219 : memref<!tpu.dma_semaphore, #tpu.memory_space<semaphore_mem>>) src(%arg17 : memref<6400xf32, #tpu.memory_space<vmem>>) dst(%dma_wait3A_221 : memref<1000000xf32, #tpu.memory_space<vmem_shared>>)
        tpu.yield
      }) : () -> ()
      "tpu.region"() ({
        %run_scoped3A_219 = tpu.sem_alloc : memref<!tpu.dma_semaphore, #tpu.memory_space<semaphore_mem>>
        %dma_start3A = arith.constant 0 : i32
        %dma_start3A_220 = tpu.memref_slice %arg26[%dma_start3A] : memref<1000000xf32, #tpu.memory_space<vmem_shared>> -> memref<1000000xf32, #tpu.memory_space<vmem_shared>>
        tpu.enqueue_indirect_dma source(%arg17 : memref<6400xf32, #tpu.memory_space<vmem>>) target(%dma_start3A_220 : memref<1000000xf32, #tpu.memory_space<vmem_shared>>) offsets(%arg14 : memref<6400xi32, #tpu.memory_space<vmem>>) semaphore(%run_scoped3A_219 : memref<!tpu.dma_semaphore, #tpu.memory_space<semaphore_mem>>) {add = true}
        %dma_wait3A = arith.constant 0 : i32
        %dma_wait3A_221 = tpu.memref_slice %arg26[%dma_wait3A] : memref<1000000xf32, #tpu.memory_space<vmem_shared>> -> memref<1000000xf32, #tpu.memory_space<vmem_shared>>
        tpu.wait_indirect_dma semaphore(%run_scoped3A_219 : memref<!tpu.dma_semaphore, #tpu.memory_space<semaphore_mem>>) src(%arg17 : memref<6400xf32, #tpu.memory_space<vmem>>) dst(%dma_wait3A_221 : memref<1000000xf32, #tpu.memory_space<vmem_shared>>)
        tpu.yield
      }) : () -> ()
      "tpu.region"() ({
        %run_scoped3A_219 = tpu.sem_alloc : memref<!tpu.dma_semaphore, #tpu.memory_space<semaphore_mem>>
        %dma_start3A = arith.constant 0 : i32
        %dma_start3A_220 = tpu.memref_slice %arg26[%dma_start3A] : memref<1000000xf32, #tpu.memory_space<vmem_shared>> -> memref<1000000xf32, #tpu.memory_space<vmem_shared>>
        tpu.enqueue_indirect_dma source(%arg17 : memref<6400xf32, #tpu.memory_space<vmem>>) target(%dma_start3A_220 : memref<1000000xf32, #tpu.memory_space<vmem_shared>>) offsets(%arg15 : memref<6400xi32, #tpu.memory_space<vmem>>) semaphore(%run_scoped3A_219 : memref<!tpu.dma_semaphore, #tpu.memory_space<semaphore_mem>>) {add = true}
        %dma_wait3A = arith.constant 0 : i32
        %dma_wait3A_221 = tpu.memref_slice %arg26[%dma_wait3A] : memref<1000000xf32, #tpu.memory_space<vmem_shared>> -> memref<1000000xf32, #tpu.memory_space<vmem_shared>>
        tpu.wait_indirect_dma semaphore(%run_scoped3A_219 : memref<!tpu.dma_semaphore, #tpu.memory_space<semaphore_mem>>) src(%arg17 : memref<6400xf32, #tpu.memory_space<vmem>>) dst(%dma_wait3A_221 : memref<1000000xf32, #tpu.memory_space<vmem_shared>>)
        tpu.yield
      }) : () -> ()
      "tpu.region"() ({
        %run_scoped3A_219 = tpu.sem_alloc : memref<!tpu.dma_semaphore, #tpu.memory_space<semaphore_mem>>
        %dma_start3A = arith.constant 0 : i32
        %dma_start3A_220 = tpu.memref_slice %arg26[%dma_start3A] : memref<1000000xf32, #tpu.memory_space<vmem_shared>> -> memref<1000000xf32, #tpu.memory_space<vmem_shared>>
        tpu.enqueue_indirect_dma source(%arg17 : memref<6400xf32, #tpu.memory_space<vmem>>) target(%dma_start3A_220 : memref<1000000xf32, #tpu.memory_space<vmem_shared>>) offsets(%arg16 : memref<6400xi32, #tpu.memory_space<vmem>>) semaphore(%run_scoped3A_219 : memref<!tpu.dma_semaphore, #tpu.memory_space<semaphore_mem>>) {add = true}
        %dma_wait3A = arith.constant 0 : i32
        %dma_wait3A_221 = tpu.memref_slice %arg26[%dma_wait3A] : memref<1000000xf32, #tpu.memory_space<vmem_shared>> -> memref<1000000xf32, #tpu.memory_space<vmem_shared>>
        tpu.wait_indirect_dma semaphore(%run_scoped3A_219 : memref<!tpu.dma_semaphore, #tpu.memory_space<semaphore_mem>>) src(%arg17 : memref<6400xf32, #tpu.memory_space<vmem>>) dst(%dma_wait3A_221 : memref<1000000xf32, #tpu.memory_space<vmem_shared>>)
        tpu.yield
      }) : () -> ()
    } else {
    }
    %barrier3A_121 = arith.constant 0 : index
    tpu.barrier barrier_id(%barrier3A_121)
    %eq3A_122 = arith.constant 15 : i32
    %eq3A_123 = arith.cmpi eq, %arg1, %eq3A_122 : i32
    %convert_element_type3A_124 = arith.extui %eq3A_123 : i1 to i32
    %cond3A_125 = arith.constant 0 : i32
    %cond3A_126 = arith.cmpi ne, %convert_element_type3A_124, %cond3A_125 : i32
    scf.if %cond3A_126 {
      "tpu.region"() ({
        %run_scoped3A_219 = tpu.sem_alloc : memref<!tpu.dma_semaphore, #tpu.memory_space<semaphore_mem>>
        %dma_start3A = arith.constant 0 : i32
        %dma_start3A_220 = tpu.memref_slice %arg26[%dma_start3A] : memref<1000000xf32, #tpu.memory_space<vmem_shared>> -> memref<1000000xf32, #tpu.memory_space<vmem_shared>>
        tpu.enqueue_indirect_dma source(%arg17 : memref<6400xf32, #tpu.memory_space<vmem>>) target(%dma_start3A_220 : memref<1000000xf32, #tpu.memory_space<vmem_shared>>) offsets(%arg13 : memref<6400xi32, #tpu.memory_space<vmem>>) semaphore(%run_scoped3A_219 : memref<!tpu.dma_semaphore, #tpu.memory_space<semaphore_mem>>) {add = true}
        %dma_wait3A = arith.constant 0 : i32
        %dma_wait3A_221 = tpu.memref_slice %arg26[%dma_wait3A] : memref<1000000xf32, #tpu.memory_space<vmem_shared>> -> memref<1000000xf32, #tpu.memory_space<vmem_shared>>
        tpu.wait_indirect_dma semaphore(%run_scoped3A_219 : memref<!tpu.dma_semaphore, #tpu.memory_space<semaphore_mem>>) src(%arg17 : memref<6400xf32, #tpu.memory_space<vmem>>) dst(%dma_wait3A_221 : memref<1000000xf32, #tpu.memory_space<vmem_shared>>)
        tpu.yield
      }) : () -> ()
      "tpu.region"() ({
        %run_scoped3A_219 = tpu.sem_alloc : memref<!tpu.dma_semaphore, #tpu.memory_space<semaphore_mem>>
        %dma_start3A = arith.constant 0 : i32
        %dma_start3A_220 = tpu.memref_slice %arg26[%dma_start3A] : memref<1000000xf32, #tpu.memory_space<vmem_shared>> -> memref<1000000xf32, #tpu.memory_space<vmem_shared>>
        tpu.enqueue_indirect_dma source(%arg17 : memref<6400xf32, #tpu.memory_space<vmem>>) target(%dma_start3A_220 : memref<1000000xf32, #tpu.memory_space<vmem_shared>>) offsets(%arg14 : memref<6400xi32, #tpu.memory_space<vmem>>) semaphore(%run_scoped3A_219 : memref<!tpu.dma_semaphore, #tpu.memory_space<semaphore_mem>>) {add = true}
        %dma_wait3A = arith.constant 0 : i32
        %dma_wait3A_221 = tpu.memref_slice %arg26[%dma_wait3A] : memref<1000000xf32, #tpu.memory_space<vmem_shared>> -> memref<1000000xf32, #tpu.memory_space<vmem_shared>>
        tpu.wait_indirect_dma semaphore(%run_scoped3A_219 : memref<!tpu.dma_semaphore, #tpu.memory_space<semaphore_mem>>) src(%arg17 : memref<6400xf32, #tpu.memory_space<vmem>>) dst(%dma_wait3A_221 : memref<1000000xf32, #tpu.memory_space<vmem_shared>>)
        tpu.yield
      }) : () -> ()
      "tpu.region"() ({
        %run_scoped3A_219 = tpu.sem_alloc : memref<!tpu.dma_semaphore, #tpu.memory_space<semaphore_mem>>
        %dma_start3A = arith.constant 0 : i32
        %dma_start3A_220 = tpu.memref_slice %arg26[%dma_start3A] : memref<1000000xf32, #tpu.memory_space<vmem_shared>> -> memref<1000000xf32, #tpu.memory_space<vmem_shared>>
        tpu.enqueue_indirect_dma source(%arg17 : memref<6400xf32, #tpu.memory_space<vmem>>) target(%dma_start3A_220 : memref<1000000xf32, #tpu.memory_space<vmem_shared>>) offsets(%arg15 : memref<6400xi32, #tpu.memory_space<vmem>>) semaphore(%run_scoped3A_219 : memref<!tpu.dma_semaphore, #tpu.memory_space<semaphore_mem>>) {add = true}
        %dma_wait3A = arith.constant 0 : i32
        %dma_wait3A_221 = tpu.memref_slice %arg26[%dma_wait3A] : memref<1000000xf32, #tpu.memory_space<vmem_shared>> -> memref<1000000xf32, #tpu.memory_space<vmem_shared>>
        tpu.wait_indirect_dma semaphore(%run_scoped3A_219 : memref<!tpu.dma_semaphore, #tpu.memory_space<semaphore_mem>>) src(%arg17 : memref<6400xf32, #tpu.memory_space<vmem>>) dst(%dma_wait3A_221 : memref<1000000xf32, #tpu.memory_space<vmem_shared>>)
        tpu.yield
      }) : () -> ()
      "tpu.region"() ({
        %run_scoped3A_219 = tpu.sem_alloc : memref<!tpu.dma_semaphore, #tpu.memory_space<semaphore_mem>>
        %dma_start3A = arith.constant 0 : i32
        %dma_start3A_220 = tpu.memref_slice %arg26[%dma_start3A] : memref<1000000xf32, #tpu.memory_space<vmem_shared>> -> memref<1000000xf32, #tpu.memory_space<vmem_shared>>
        tpu.enqueue_indirect_dma source(%arg17 : memref<6400xf32, #tpu.memory_space<vmem>>) target(%dma_start3A_220 : memref<1000000xf32, #tpu.memory_space<vmem_shared>>) offsets(%arg16 : memref<6400xi32, #tpu.memory_space<vmem>>) semaphore(%run_scoped3A_219 : memref<!tpu.dma_semaphore, #tpu.memory_space<semaphore_mem>>) {add = true}
        %dma_wait3A = arith.constant 0 : i32
        %dma_wait3A_221 = tpu.memref_slice %arg26[%dma_wait3A] : memref<1000000xf32, #tpu.memory_space<vmem_shared>> -> memref<1000000xf32, #tpu.memory_space<vmem_shared>>
        tpu.wait_indirect_dma semaphore(%run_scoped3A_219 : memref<!tpu.dma_semaphore, #tpu.memory_space<semaphore_mem>>) src(%arg17 : memref<6400xf32, #tpu.memory_space<vmem>>) dst(%dma_wait3A_221 : memref<1000000xf32, #tpu.memory_space<vmem_shared>>)
        tpu.yield
      }) : () -> ()
    } else {
    }
    %barrier3A_127 = arith.constant 0 : index
    tpu.barrier barrier_id(%barrier3A_127)
    %while3A_128 = arith.constant 0 : i32
    %while3A_129 = arith.subi %select_n3A, %while3A_128 : i32
    %while3A_130 = arith.addi %while3A_128, %while3A_129 : i32
    %while3A_131 = arith.constant 1 : i32
    %while3A_132 = arith.divsi %while3A_129, %while3A_131 : i32
    %while3A_133 = arith.muli %while3A_132, %while3A_131 : i32
    %while3A_134 = arith.addi %while3A_128, %while3A_133 : i32
    %while3A_135 = arith.constant 1 : i32
    %while3A_136:9 = scf.for %while3A_219 = %while3A_128 to %while3A_134 step %while3A_135 iter_args(%while3A_220 = %broadcast_in_dim3A_1, %while3A_221 = %broadcast_in_dim3A_1, %while3A_222 = %broadcast_in_dim3A_1, %while3A_223 = %broadcast_in_dim3A_1, %while3A_224 = %broadcast_in_dim3A_1, %while3A_225 = %broadcast_in_dim3A_1, %while3A_226 = %broadcast_in_dim3A_1, %while3A_227 = %broadcast_in_dim3A_1, %while3A_228 = %broadcast_in_dim3A_1) -> (vector<16xf32>, vector<16xf32>, vector<16xf32>, vector<16xf32>, vector<16xf32>, vector<16xf32>, vector<16xf32>, vector<16xf32>, vector<16xf32>)  : i32 {
      %mul3A_229 = arith.constant 16 : i32
      %mul3A_230 = arith.muli %mul3A_229, %while3A_219 : i32
      %add3A_231 = arith.addi %arg1, %mul3A_230 : i32
      %mul3A_232 = arith.constant 4000 : i32
      %mul3A_233 = arith.muli %add3A_231, %mul3A_232 : i32
      %multiple_of3A = tpu.assume_multiple %mul3A_233, 8 : i32
      "tpu.region"() ({
        %run_scoped3A_304 = tpu.sem_alloc : memref<!tpu.dma_semaphore, #tpu.memory_space<semaphore_mem>>
        %dma_start3A_305 = tpu.memref_slice %arg26[%multiple_of3A] : memref<1000000xf32, #tpu.memory_space<vmem_shared>> -> memref<4000xf32, #tpu.memory_space<vmem_shared>>
        %dma_start3A_306 = tpu.memref_slice %arg26[%multiple_of3A] : memref<1000000xf32, #tpu.memory_space<vmem_shared>> -> memref<4000xf32, #tpu.memory_space<vmem_shared>>
        tpu.enqueue_dma source(%dma_start3A_306 : memref<4000xf32, #tpu.memory_space<vmem_shared>>) target(%arg18 : memref<4000xf32, #tpu.memory_space<vmem>>) target_semaphore(%run_scoped3A_304 : memref<!tpu.dma_semaphore, #tpu.memory_space<semaphore_mem>>)
        %dma_wait3A_307 = tpu.memref_slice %arg26[%multiple_of3A] : memref<1000000xf32, #tpu.memory_space<vmem_shared>> -> memref<4000xf32, #tpu.memory_space<vmem_shared>>
        %dma_wait3A_308 = tpu.memref_slice %arg26[%multiple_of3A] : memref<1000000xf32, #tpu.memory_space<vmem_shared>> -> memref<4000xf32, #tpu.memory_space<vmem_shared>>
        tpu.wait_dma2 semaphore(%run_scoped3A_304 : memref<!tpu.dma_semaphore, #tpu.memory_space<semaphore_mem>>) src(%dma_wait3A_308 : memref<4000xf32, #tpu.memory_space<vmem_shared>>) dst(%arg18 : memref<4000xf32, #tpu.memory_space<vmem>>)
        tpu.yield
      }) : () -> ()
      %mul3A_234 = arith.constant 16 : i32
      %mul3A_235 = arith.muli %mul3A_234, %while3A_219 : i32
      %add3A_236 = arith.addi %arg1, %mul3A_235 : i32
      %mul3A_237 = arith.constant 4000 : i32
      %mul3A_238 = arith.muli %add3A_236, %mul3A_237 : i32
      %multiple_of3A_239 = tpu.assume_multiple %mul3A_238, 8 : i32
      %dma_start3A = tpu.memref_slice %arg3[%multiple_of3A_239] : memref<1000000xf32, #tpu.memory_space<hbm>> -> memref<4000xf32, #tpu.memory_space<hbm>>
      %dma_start3A_240 = tpu.memref_slice %arg3[%multiple_of3A_239] : memref<1000000xf32, #tpu.memory_space<hbm>> -> memref<4000xf32, #tpu.memory_space<hbm>>
      tpu.enqueue_dma source(%dma_start3A_240 : memref<4000xf32, #tpu.memory_space<hbm>>) target(%arg19 : memref<4000xf32, #tpu.memory_space<vmem>>) target_semaphore(%arg27 : memref<!tpu.dma_semaphore, #tpu.memory_space<semaphore_mem>>)
      %dma_start3A_241 = tpu.memref_slice %arg4[%multiple_of3A_239] : memref<1000000xf32, #tpu.memory_space<hbm>> -> memref<4000xf32, #tpu.memory_space<hbm>>
      %dma_start3A_242 = tpu.memref_slice %arg4[%multiple_of3A_239] : memref<1000000xf32, #tpu.memory_space<hbm>> -> memref<4000xf32, #tpu.memory_space<hbm>>
      tpu.enqueue_dma source(%dma_start3A_242 : memref<4000xf32, #tpu.memory_space<hbm>>) target(%arg20 : memref<4000xf32, #tpu.memory_space<vmem>>) target_semaphore(%arg27 : memref<!tpu.dma_semaphore, #tpu.memory_space<semaphore_mem>>)
      %dma_start3A_243 = tpu.memref_slice %arg5[%multiple_of3A_239] : memref<1000000xf32, #tpu.memory_space<hbm>> -> memref<4000xf32, #tpu.memory_space<hbm>>
      %dma_start3A_244 = tpu.memref_slice %arg5[%multiple_of3A_239] : memref<1000000xf32, #tpu.memory_space<hbm>> -> memref<4000xf32, #tpu.memory_space<hbm>>
      tpu.enqueue_dma source(%dma_start3A_244 : memref<4000xf32, #tpu.memory_space<hbm>>) target(%arg21 : memref<4000xf32, #tpu.memory_space<vmem>>) target_semaphore(%arg27 : memref<!tpu.dma_semaphore, #tpu.memory_space<semaphore_mem>>)
      %mul3A_245 = arith.constant 16 : i32
      %mul3A_246 = arith.muli %mul3A_245, %while3A_219 : i32
      %add3A_247 = arith.addi %arg1, %mul3A_246 : i32
      %mul3A_248 = arith.constant 4000 : i32
      %mul3A_249 = arith.muli %add3A_247, %mul3A_248 : i32
      %multiple_of3A_250 = tpu.assume_multiple %mul3A_249, 8 : i32
      %dma_start3A_251 = tpu.memref_slice %arg6[%multiple_of3A_250] : memref<1000000xf32, #tpu.memory_space<hbm>> -> memref<4000xf32, #tpu.memory_space<hbm>>
      %dma_start3A_252 = tpu.memref_slice %arg6[%multiple_of3A_250] : memref<1000000xf32, #tpu.memory_space<hbm>> -> memref<4000xf32, #tpu.memory_space<hbm>>
      tpu.enqueue_dma source(%dma_start3A_252 : memref<4000xf32, #tpu.memory_space<hbm>>) target(%arg22 : memref<4000xf32, #tpu.memory_space<vmem>>) target_semaphore(%arg28 : memref<!tpu.dma_semaphore, #tpu.memory_space<semaphore_mem>>)
      %dma_start3A_253 = tpu.memref_slice %arg7[%multiple_of3A_250] : memref<1000000xf32, #tpu.memory_space<hbm>> -> memref<4000xf32, #tpu.memory_space<hbm>>
      %dma_start3A_254 = tpu.memref_slice %arg7[%multiple_of3A_250] : memref<1000000xf32, #tpu.memory_space<hbm>> -> memref<4000xf32, #tpu.memory_space<hbm>>
      tpu.enqueue_dma source(%dma_start3A_254 : memref<4000xf32, #tpu.memory_space<hbm>>) target(%arg23 : memref<4000xf32, #tpu.memory_space<vmem>>) target_semaphore(%arg28 : memref<!tpu.dma_semaphore, #tpu.memory_space<semaphore_mem>>)
      %dma_start3A_255 = tpu.memref_slice %arg8[%multiple_of3A_250] : memref<1000000xf32, #tpu.memory_space<hbm>> -> memref<4000xf32, #tpu.memory_space<hbm>>
      %dma_start3A_256 = tpu.memref_slice %arg8[%multiple_of3A_250] : memref<1000000xf32, #tpu.memory_space<hbm>> -> memref<4000xf32, #tpu.memory_space<hbm>>
      tpu.enqueue_dma source(%dma_start3A_256 : memref<4000xf32, #tpu.memory_space<hbm>>) target(%arg24 : memref<4000xf32, #tpu.memory_space<vmem>>) target_semaphore(%arg28 : memref<!tpu.dma_semaphore, #tpu.memory_space<semaphore_mem>>)
      %dma_wait3A = tpu.memref_slice %arg3[%multiple_of3A_239] : memref<1000000xf32, #tpu.memory_space<hbm>> -> memref<4000xf32, #tpu.memory_space<hbm>>
      %dma_wait3A_257 = tpu.memref_slice %arg3[%multiple_of3A_239] : memref<1000000xf32, #tpu.memory_space<hbm>> -> memref<4000xf32, #tpu.memory_space<hbm>>
      tpu.wait_dma2 semaphore(%arg27 : memref<!tpu.dma_semaphore, #tpu.memory_space<semaphore_mem>>) src(%dma_wait3A_257 : memref<4000xf32, #tpu.memory_space<hbm>>) dst(%arg19 : memref<4000xf32, #tpu.memory_space<vmem>>)
      %dma_wait3A_258 = tpu.memref_slice %arg4[%multiple_of3A_239] : memref<1000000xf32, #tpu.memory_space<hbm>> -> memref<4000xf32, #tpu.memory_space<hbm>>
      %dma_wait3A_259 = tpu.memref_slice %arg4[%multiple_of3A_239] : memref<1000000xf32, #tpu.memory_space<hbm>> -> memref<4000xf32, #tpu.memory_space<hbm>>
      tpu.wait_dma2 semaphore(%arg27 : memref<!tpu.dma_semaphore, #tpu.memory_space<semaphore_mem>>) src(%dma_wait3A_259 : memref<4000xf32, #tpu.memory_space<hbm>>) dst(%arg20 : memref<4000xf32, #tpu.memory_space<vmem>>)
      %dma_wait3A_260 = tpu.memref_slice %arg5[%multiple_of3A_239] : memref<1000000xf32, #tpu.memory_space<hbm>> -> memref<4000xf32, #tpu.memory_space<hbm>>
      %dma_wait3A_261 = tpu.memref_slice %arg5[%multiple_of3A_239] : memref<1000000xf32, #tpu.memory_space<hbm>> -> memref<4000xf32, #tpu.memory_space<hbm>>
      tpu.wait_dma2 semaphore(%arg27 : memref<!tpu.dma_semaphore, #tpu.memory_space<semaphore_mem>>) src(%dma_wait3A_261 : memref<4000xf32, #tpu.memory_space<hbm>>) dst(%arg21 : memref<4000xf32, #tpu.memory_space<vmem>>)
      %scan3A_262 = arith.constant 0 : i32
      %scan3A_263 = arith.constant 125 : i32
      %scan3A_264 = arith.addi %scan3A_262, %scan3A_263 : i32
      %scan3A_265 = arith.constant 1 : i32
      %scan3A_266:3 = scf.for %scan3A_304 = %scan3A_262 to %scan3A_264 step %scan3A_265 iter_args(%scan3A_305 = %while3A_220, %scan3A_306 = %while3A_221, %scan3A_307 = %while3A_222) -> (vector<16xf32>, vector<16xf32>, vector<16xf32>)  : i32 {
        %mul3A_308 = arith.constant 2 : i32
        %mul3A_309 = arith.muli %mul3A_308, %scan3A_304 : i32
        %add3A_310 = arith.constant 0 : i32
        %add3A_311 = arith.addi %mul3A_309, %add3A_310 : i32
        %mul3A_312 = arith.constant 16 : i32
        %mul3A_313 = arith.muli %add3A_311, %mul3A_312 : i32
        %get3A = arith.index_cast %mul3A_313 : i32 to index
        %get3A_314 = tpu.vector_load %arg18[%get3A] {strides = array<i32>} : memref<4000xf32, #tpu.memory_space<vmem>>, vector<16xf32>,
        %get3A_315 = vector.shape_cast %get3A_314 : vector<16xf32> to vector<16xf32>
        %get3A_316 = arith.index_cast %mul3A_313 : i32 to index
        %get3A_317 = tpu.vector_load %arg19[%get3A_316] {strides = array<i32>} : memref<4000xf32, #tpu.memory_space<vmem>>, vector<16xf32>,
        %get3A_318 = vector.shape_cast %get3A_317 : vector<16xf32> to vector<16xf32>
        %mul3A_319 = arith.mulf %get3A_315, %get3A_318 : vector<16xf32>
        %add3A_320 = arith.addf %scan3A_305, %mul3A_319 : vector<16xf32>
        %get3A_321 = arith.index_cast %mul3A_313 : i32 to index
        %get3A_322 = tpu.vector_load %arg20[%get3A_321] {strides = array<i32>} : memref<4000xf32, #tpu.memory_space<vmem>>, vector<16xf32>,
        %get3A_323 = vector.shape_cast %get3A_322 : vector<16xf32> to vector<16xf32>
        %mul3A_324 = arith.mulf %get3A_315, %get3A_323 : vector<16xf32>
        %add3A_325 = arith.addf %scan3A_306, %mul3A_324 : vector<16xf32>
        %get3A_326 = arith.index_cast %mul3A_313 : i32 to index
        %get3A_327 = tpu.vector_load %arg21[%get3A_326] {strides = array<i32>} : memref<4000xf32, #tpu.memory_space<vmem>>, vector<16xf32>,
        %get3A_328 = vector.shape_cast %get3A_327 : vector<16xf32> to vector<16xf32>
        %mul3A_329 = arith.mulf %get3A_315, %get3A_328 : vector<16xf32>
        %add3A_330 = arith.addf %scan3A_307, %mul3A_329 : vector<16xf32>
        %mul3A_331 = arith.constant 2 : i32
        %mul3A_332 = arith.muli %mul3A_331, %scan3A_304 : i32
        %add3A_333 = arith.constant 1 : i32
        %add3A_334 = arith.addi %mul3A_332, %add3A_333 : i32
        %mul3A_335 = arith.constant 16 : i32
        %mul3A_336 = arith.muli %add3A_334, %mul3A_335 : i32
        %get3A_337 = arith.index_cast %mul3A_336 : i32 to index
        %get3A_338 = tpu.vector_load %arg18[%get3A_337] {strides = array<i32>} : memref<4000xf32, #tpu.memory_space<vmem>>, vector<16xf32>,
        %get3A_339 = vector.shape_cast %get3A_338 : vector<16xf32> to vector<16xf32>
        %get3A_340 = arith.index_cast %mul3A_336 : i32 to index
        %get3A_341 = tpu.vector_load %arg19[%get3A_340] {strides = array<i32>} : memref<4000xf32, #tpu.memory_space<vmem>>, vector<16xf32>,
        %get3A_342 = vector.shape_cast %get3A_341 : vector<16xf32> to vector<16xf32>
        %mul3A_343 = arith.mulf %get3A_339, %get3A_342 : vector<16xf32>
        %add3A_344 = arith.addf %add3A_320, %mul3A_343 : vector<16xf32>
        %get3A_345 = arith.index_cast %mul3A_336 : i32 to index
        %get3A_346 = tpu.vector_load %arg20[%get3A_345] {strides = array<i32>} : memref<4000xf32, #tpu.memory_space<vmem>>, vector<16xf32>,
        %get3A_347 = vector.shape_cast %get3A_346 : vector<16xf32> to vector<16xf32>
        %mul3A_348 = arith.mulf %get3A_339, %get3A_347 : vector<16xf32>
        %add3A_349 = arith.addf %add3A_325, %mul3A_348 : vector<16xf32>
        %get3A_350 = arith.index_cast %mul3A_336 : i32 to index
        %get3A_351 = tpu.vector_load %arg21[%get3A_350] {strides = array<i32>} : memref<4000xf32, #tpu.memory_space<vmem>>, vector<16xf32>,
        %get3A_352 = vector.shape_cast %get3A_351 : vector<16xf32> to vector<16xf32>
        %mul3A_353 = arith.mulf %get3A_339, %get3A_352 : vector<16xf32>
        %add3A_354 = arith.addf %add3A_330, %mul3A_353 : vector<16xf32>
        scf.yield %add3A_344, %add3A_349, %add3A_354 : vector<16xf32>, vector<16xf32>, vector<16xf32>
      }
      %scan3A_267 = arith.constant 125 : i32
      %mul3A_268 = arith.constant 16 : i32
      %mul3A_269 = arith.muli %mul3A_268, %while3A_219 : i32
      %add3A_270 = arith.addi %arg1, %mul3A_269 : i32
      %mul3A_271 = arith.constant 4000 : i32
      %mul3A_272 = arith.muli %add3A_270, %mul3A_271 : i32
      %multiple_of3A_273 = tpu.assume_multiple %mul3A_272, 8 : i32
      %dma_start3A_274 = tpu.memref_slice %arg9[%multiple_of3A_273] : memref<1000000xf32, #tpu.memory_space<hbm>> -> memref<4000xf32, #tpu.memory_space<hbm>>
      %dma_start3A_275 = tpu.memref_slice %arg9[%multiple_of3A_273] : memref<1000000xf32, #tpu.memory_space<hbm>> -> memref<4000xf32, #tpu.memory_space<hbm>>
      tpu.enqueue_dma source(%dma_start3A_275 : memref<4000xf32, #tpu.memory_space<hbm>>) target(%arg19 : memref<4000xf32, #tpu.memory_space<vmem>>) target_semaphore(%arg27 : memref<!tpu.dma_semaphore, #tpu.memory_space<semaphore_mem>>)
      %dma_start3A_276 = tpu.memref_slice %arg10[%multiple_of3A_273] : memref<1000000xf32, #tpu.memory_space<hbm>> -> memref<4000xf32, #tpu.memory_space<hbm>>
      %dma_start3A_277 = tpu.memref_slice %arg10[%multiple_of3A_273] : memref<1000000xf32, #tpu.memory_space<hbm>> -> memref<4000xf32, #tpu.memory_space<hbm>>
      tpu.enqueue_dma source(%dma_start3A_277 : memref<4000xf32, #tpu.memory_space<hbm>>) target(%arg20 : memref<4000xf32, #tpu.memory_space<vmem>>) target_semaphore(%arg27 : memref<!tpu.dma_semaphore, #tpu.memory_space<semaphore_mem>>)
      %dma_start3A_278 = tpu.memref_slice %arg11[%multiple_of3A_273] : memref<1000000xf32, #tpu.memory_space<hbm>> -> memref<4000xf32, #tpu.memory_space<hbm>>
      %dma_start3A_279 = tpu.memref_slice %arg11[%multiple_of3A_273] : memref<1000000xf32, #tpu.memory_space<hbm>> -> memref<4000xf32, #tpu.memory_space<hbm>>
      tpu.enqueue_dma source(%dma_start3A_279 : memref<4000xf32, #tpu.memory_space<hbm>>) target(%arg21 : memref<4000xf32, #tpu.memory_space<vmem>>) target_semaphore(%arg27 : memref<!tpu.dma_semaphore, #tpu.memory_space<semaphore_mem>>)
      %dma_wait3A_280 = tpu.memref_slice %arg6[%multiple_of3A_250] : memref<1000000xf32, #tpu.memory_space<hbm>> -> memref<4000xf32, #tpu.memory_space<hbm>>
      %dma_wait3A_281 = tpu.memref_slice %arg6[%multiple_of3A_250] : memref<1000000xf32, #tpu.memory_space<hbm>> -> memref<4000xf32, #tpu.memory_space<hbm>>
      tpu.wait_dma2 semaphore(%arg28 : memref<!tpu.dma_semaphore, #tpu.memory_space<semaphore_mem>>) src(%dma_wait3A_281 : memref<4000xf32, #tpu.memory_space<hbm>>) dst(%arg22 : memref<4000xf32, #tpu.memory_space<vmem>>)
      %dma_wait3A_282 = tpu.memref_slice %arg7[%multiple_of3A_250] : memref<1000000xf32, #tpu.memory_space<hbm>> -> memref<4000xf32, #tpu.memory_space<hbm>>
      %dma_wait3A_283 = tpu.memref_slice %arg7[%multiple_of3A_250] : memref<1000000xf32, #tpu.memory_space<hbm>> -> memref<4000xf32, #tpu.memory_space<hbm>>
      tpu.wait_dma2 semaphore(%arg28 : memref<!tpu.dma_semaphore, #tpu.memory_space<semaphore_mem>>) src(%dma_wait3A_283 : memref<4000xf32, #tpu.memory_space<hbm>>) dst(%arg23 : memref<4000xf32, #tpu.memory_space<vmem>>)
      %dma_wait3A_284 = tpu.memref_slice %arg8[%multiple_of3A_250] : memref<1000000xf32, #tpu.memory_space<hbm>> -> memref<4000xf32, #tpu.memory_space<hbm>>
      %dma_wait3A_285 = tpu.memref_slice %arg8[%multiple_of3A_250] : memref<1000000xf32, #tpu.memory_space<hbm>> -> memref<4000xf32, #tpu.memory_space<hbm>>
      tpu.wait_dma2 semaphore(%arg28 : memref<!tpu.dma_semaphore, #tpu.memory_space<semaphore_mem>>) src(%dma_wait3A_285 : memref<4000xf32, #tpu.memory_space<hbm>>) dst(%arg24 : memref<4000xf32, #tpu.memory_space<vmem>>)
      %scan3A_286 = arith.constant 0 : i32
      %scan3A_287 = arith.constant 125 : i32
      %scan3A_288 = arith.addi %scan3A_286, %scan3A_287 : i32
      %scan3A_289 = arith.constant 1 : i32
      %scan3A_290:3 = scf.for %scan3A_304 = %scan3A_286 to %scan3A_288 step %scan3A_289 iter_args(%scan3A_305 = %while3A_223, %scan3A_306 = %while3A_224, %scan3A_307 = %while3A_225) -> (vector<16xf32>, vector<16xf32>, vector<16xf32>)  : i32 {
        %mul3A_308 = arith.constant 2 : i32
        %mul3A_309 = arith.muli %mul3A_308, %scan3A_304 : i32
        %add3A_310 = arith.constant 0 : i32
        %add3A_311 = arith.addi %mul3A_309, %add3A_310 : i32
        %mul3A_312 = arith.constant 16 : i32
        %mul3A_313 = arith.muli %add3A_311, %mul3A_312 : i32
        %get3A = arith.index_cast %mul3A_313 : i32 to index
        %get3A_314 = tpu.vector_load %arg18[%get3A] {strides = array<i32>} : memref<4000xf32, #tpu.memory_space<vmem>>, vector<16xf32>,
        %get3A_315 = vector.shape_cast %get3A_314 : vector<16xf32> to vector<16xf32>
        %get3A_316 = arith.index_cast %mul3A_313 : i32 to index
        %get3A_317 = tpu.vector_load %arg22[%get3A_316] {strides = array<i32>} : memref<4000xf32, #tpu.memory_space<vmem>>, vector<16xf32>,
        %get3A_318 = vector.shape_cast %get3A_317 : vector<16xf32> to vector<16xf32>
        %mul3A_319 = arith.mulf %get3A_315, %get3A_318 : vector<16xf32>
        %add3A_320 = arith.addf %scan3A_305, %mul3A_319 : vector<16xf32>
        %get3A_321 = arith.index_cast %mul3A_313 : i32 to index
        %get3A_322 = tpu.vector_load %arg23[%get3A_321] {strides = array<i32>} : memref<4000xf32, #tpu.memory_space<vmem>>, vector<16xf32>,
        %get3A_323 = vector.shape_cast %get3A_322 : vector<16xf32> to vector<16xf32>
        %mul3A_324 = arith.mulf %get3A_315, %get3A_323 : vector<16xf32>
        %add3A_325 = arith.addf %scan3A_306, %mul3A_324 : vector<16xf32>
        %get3A_326 = arith.index_cast %mul3A_313 : i32 to index
        %get3A_327 = tpu.vector_load %arg24[%get3A_326] {strides = array<i32>} : memref<4000xf32, #tpu.memory_space<vmem>>, vector<16xf32>,
        %get3A_328 = vector.shape_cast %get3A_327 : vector<16xf32> to vector<16xf32>
        %mul3A_329 = arith.mulf %get3A_315, %get3A_328 : vector<16xf32>
        %add3A_330 = arith.addf %scan3A_307, %mul3A_329 : vector<16xf32>
        %mul3A_331 = arith.constant 2 : i32
        %mul3A_332 = arith.muli %mul3A_331, %scan3A_304 : i32
        %add3A_333 = arith.constant 1 : i32
        %add3A_334 = arith.addi %mul3A_332, %add3A_333 : i32
        %mul3A_335 = arith.constant 16 : i32
        %mul3A_336 = arith.muli %add3A_334, %mul3A_335 : i32
        %get3A_337 = arith.index_cast %mul3A_336 : i32 to index
        %get3A_338 = tpu.vector_load %arg18[%get3A_337] {strides = array<i32>} : memref<4000xf32, #tpu.memory_space<vmem>>, vector<16xf32>,
        %get3A_339 = vector.shape_cast %get3A_338 : vector<16xf32> to vector<16xf32>
        %get3A_340 = arith.index_cast %mul3A_336 : i32 to index
        %get3A_341 = tpu.vector_load %arg22[%get3A_340] {strides = array<i32>} : memref<4000xf32, #tpu.memory_space<vmem>>, vector<16xf32>,
        %get3A_342 = vector.shape_cast %get3A_341 : vector<16xf32> to vector<16xf32>
        %mul3A_343 = arith.mulf %get3A_339, %get3A_342 : vector<16xf32>
        %add3A_344 = arith.addf %add3A_320, %mul3A_343 : vector<16xf32>
        %get3A_345 = arith.index_cast %mul3A_336 : i32 to index
        %get3A_346 = tpu.vector_load %arg23[%get3A_345] {strides = array<i32>} : memref<4000xf32, #tpu.memory_space<vmem>>, vector<16xf32>,
        %get3A_347 = vector.shape_cast %get3A_346 : vector<16xf32> to vector<16xf32>
        %mul3A_348 = arith.mulf %get3A_339, %get3A_347 : vector<16xf32>
        %add3A_349 = arith.addf %add3A_325, %mul3A_348 : vector<16xf32>
        %get3A_350 = arith.index_cast %mul3A_336 : i32 to index
        %get3A_351 = tpu.vector_load %arg24[%get3A_350] {strides = array<i32>} : memref<4000xf32, #tpu.memory_space<vmem>>, vector<16xf32>,
        %get3A_352 = vector.shape_cast %get3A_351 : vector<16xf32> to vector<16xf32>
        %mul3A_353 = arith.mulf %get3A_339, %get3A_352 : vector<16xf32>
        %add3A_354 = arith.addf %add3A_330, %mul3A_353 : vector<16xf32>
        scf.yield %add3A_344, %add3A_349, %add3A_354 : vector<16xf32>, vector<16xf32>, vector<16xf32>
      }
      %scan3A_291 = arith.constant 125 : i32
      %dma_wait3A_292 = tpu.memref_slice %arg9[%multiple_of3A_273] : memref<1000000xf32, #tpu.memory_space<hbm>> -> memref<4000xf32, #tpu.memory_space<hbm>>
      %dma_wait3A_293 = tpu.memref_slice %arg9[%multiple_of3A_273] : memref<1000000xf32, #tpu.memory_space<hbm>> -> memref<4000xf32, #tpu.memory_space<hbm>>
      tpu.wait_dma2 semaphore(%arg27 : memref<!tpu.dma_semaphore, #tpu.memory_space<semaphore_mem>>) src(%dma_wait3A_293 : memref<4000xf32, #tpu.memory_space<hbm>>) dst(%arg19 : memref<4000xf32, #tpu.memory_space<vmem>>)
      %dma_wait3A_294 = tpu.memref_slice %arg10[%multiple_of3A_273] : memref<1000000xf32, #tpu.memory_space<hbm>> -> memref<4000xf32, #tpu.memory_space<hbm>>
      %dma_wait3A_295 = tpu.memref_slice %arg10[%multiple_of3A_273] : memref<1000000xf32, #tpu.memory_space<hbm>> -> memref<4000xf32, #tpu.memory_space<hbm>>
      tpu.wait_dma2 semaphore(%arg27 : memref<!tpu.dma_semaphore, #tpu.memory_space<semaphore_mem>>) src(%dma_wait3A_295 : memref<4000xf32, #tpu.memory_space<hbm>>) dst(%arg20 : memref<4000xf32, #tpu.memory_space<vmem>>)
      %dma_wait3A_296 = tpu.memref_slice %arg11[%multiple_of3A_273] : memref<1000000xf32, #tpu.memory_space<hbm>> -> memref<4000xf32, #tpu.memory_space<hbm>>
      %dma_wait3A_297 = tpu.memref_slice %arg11[%multiple_of3A_273] : memref<1000000xf32, #tpu.memory_space<hbm>> -> memref<4000xf32, #tpu.memory_space<hbm>>
      tpu.wait_dma2 semaphore(%arg27 : memref<!tpu.dma_semaphore, #tpu.memory_space<semaphore_mem>>) src(%dma_wait3A_297 : memref<4000xf32, #tpu.memory_space<hbm>>) dst(%arg21 : memref<4000xf32, #tpu.memory_space<vmem>>)
      %scan3A_298 = arith.constant 0 : i32
      %scan3A_299 = arith.constant 125 : i32
      %scan3A_300 = arith.addi %scan3A_298, %scan3A_299 : i32
      %scan3A_301 = arith.constant 1 : i32
      %scan3A_302:3 = scf.for %scan3A_304 = %scan3A_298 to %scan3A_300 step %scan3A_301 iter_args(%scan3A_305 = %while3A_226, %scan3A_306 = %while3A_227, %scan3A_307 = %while3A_228) -> (vector<16xf32>, vector<16xf32>, vector<16xf32>)  : i32 {
        %mul3A_308 = arith.constant 2 : i32
        %mul3A_309 = arith.muli %mul3A_308, %scan3A_304 : i32
        %add3A_310 = arith.constant 0 : i32
        %add3A_311 = arith.addi %mul3A_309, %add3A_310 : i32
        %mul3A_312 = arith.constant 16 : i32
        %mul3A_313 = arith.muli %add3A_311, %mul3A_312 : i32
        %get3A = arith.index_cast %mul3A_313 : i32 to index
        %get3A_314 = tpu.vector_load %arg18[%get3A] {strides = array<i32>} : memref<4000xf32, #tpu.memory_space<vmem>>, vector<16xf32>,
        %get3A_315 = vector.shape_cast %get3A_314 : vector<16xf32> to vector<16xf32>
        %get3A_316 = arith.index_cast %mul3A_313 : i32 to index
        %get3A_317 = tpu.vector_load %arg19[%get3A_316] {strides = array<i32>} : memref<4000xf32, #tpu.memory_space<vmem>>, vector<16xf32>,
        %get3A_318 = vector.shape_cast %get3A_317 : vector<16xf32> to vector<16xf32>
        %mul3A_319 = arith.mulf %get3A_315, %get3A_318 : vector<16xf32>
        %add3A_320 = arith.addf %scan3A_305, %mul3A_319 : vector<16xf32>
        %get3A_321 = arith.index_cast %mul3A_313 : i32 to index
        %get3A_322 = tpu.vector_load %arg20[%get3A_321] {strides = array<i32>} : memref<4000xf32, #tpu.memory_space<vmem>>, vector<16xf32>,
        %get3A_323 = vector.shape_cast %get3A_322 : vector<16xf32> to vector<16xf32>
        %mul3A_324 = arith.mulf %get3A_315, %get3A_323 : vector<16xf32>
        %add3A_325 = arith.addf %scan3A_306, %mul3A_324 : vector<16xf32>
        %get3A_326 = arith.index_cast %mul3A_313 : i32 to index
        %get3A_327 = tpu.vector_load %arg21[%get3A_326] {strides = array<i32>} : memref<4000xf32, #tpu.memory_space<vmem>>, vector<16xf32>,
        %get3A_328 = vector.shape_cast %get3A_327 : vector<16xf32> to vector<16xf32>
        %mul3A_329 = arith.mulf %get3A_315, %get3A_328 : vector<16xf32>
        %add3A_330 = arith.addf %scan3A_307, %mul3A_329 : vector<16xf32>
        %mul3A_331 = arith.constant 2 : i32
        %mul3A_332 = arith.muli %mul3A_331, %scan3A_304 : i32
        %add3A_333 = arith.constant 1 : i32
        %add3A_334 = arith.addi %mul3A_332, %add3A_333 : i32
        %mul3A_335 = arith.constant 16 : i32
        %mul3A_336 = arith.muli %add3A_334, %mul3A_335 : i32
        %get3A_337 = arith.index_cast %mul3A_336 : i32 to index
        %get3A_338 = tpu.vector_load %arg18[%get3A_337] {strides = array<i32>} : memref<4000xf32, #tpu.memory_space<vmem>>, vector<16xf32>,
        %get3A_339 = vector.shape_cast %get3A_338 : vector<16xf32> to vector<16xf32>
        %get3A_340 = arith.index_cast %mul3A_336 : i32 to index
        %get3A_341 = tpu.vector_load %arg19[%get3A_340] {strides = array<i32>} : memref<4000xf32, #tpu.memory_space<vmem>>, vector<16xf32>,
        %get3A_342 = vector.shape_cast %get3A_341 : vector<16xf32> to vector<16xf32>
        %mul3A_343 = arith.mulf %get3A_339, %get3A_342 : vector<16xf32>
        %add3A_344 = arith.addf %add3A_320, %mul3A_343 : vector<16xf32>
        %get3A_345 = arith.index_cast %mul3A_336 : i32 to index
        %get3A_346 = tpu.vector_load %arg20[%get3A_345] {strides = array<i32>} : memref<4000xf32, #tpu.memory_space<vmem>>, vector<16xf32>,
        %get3A_347 = vector.shape_cast %get3A_346 : vector<16xf32> to vector<16xf32>
        %mul3A_348 = arith.mulf %get3A_339, %get3A_347 : vector<16xf32>
        %add3A_349 = arith.addf %add3A_325, %mul3A_348 : vector<16xf32>
        %get3A_350 = arith.index_cast %mul3A_336 : i32 to index
        %get3A_351 = tpu.vector_load %arg21[%get3A_350] {strides = array<i32>} : memref<4000xf32, #tpu.memory_space<vmem>>, vector<16xf32>,
        %get3A_352 = vector.shape_cast %get3A_351 : vector<16xf32> to vector<16xf32>
        %mul3A_353 = arith.mulf %get3A_339, %get3A_352 : vector<16xf32>
        %add3A_354 = arith.addf %add3A_330, %mul3A_353 : vector<16xf32>
        scf.yield %add3A_344, %add3A_349, %add3A_354 : vector<16xf32>, vector<16xf32>, vector<16xf32>
      }
      %scan3A_303 = arith.constant 125 : i32
      scf.yield %scan3A_266#0, %scan3A_266#1, %scan3A_266#2, %scan3A_290#0, %scan3A_290#1, %scan3A_290#2, %scan3A_302#0, %scan3A_302#1, %scan3A_302#2 : vector<16xf32>, vector<16xf32>, vector<16xf32>, vector<16xf32>, vector<16xf32>, vector<16xf32>, vector<16xf32>, vector<16xf32>, vector<16xf32>
    }
    %while3A_137 = arith.constant 1 : i32
    %while3A_138:9 = scf.for %while3A_219 = %while3A_134 to %while3A_130 step %while3A_137 iter_args(%while3A_220 = %while3A_136#0, %while3A_221 = %while3A_136#1, %while3A_222 = %while3A_136#2, %while3A_223 = %while3A_136#3, %while3A_224 = %while3A_136#4, %while3A_225 = %while3A_136#5, %while3A_226 = %while3A_136#6, %while3A_227 = %while3A_136#7, %while3A_228 = %while3A_136#8) -> (vector<16xf32>, vector<16xf32>, vector<16xf32>, vector<16xf32>, vector<16xf32>, vector<16xf32>, vector<16xf32>, vector<16xf32>, vector<16xf32>)  : i32 {
      %mul3A_229 = arith.constant 16 : i32
      %mul3A_230 = arith.muli %mul3A_229, %while3A_219 : i32
      %add3A_231 = arith.addi %arg1, %mul3A_230 : i32
      %mul3A_232 = arith.constant 4000 : i32
      %mul3A_233 = arith.muli %add3A_231, %mul3A_232 : i32
      %multiple_of3A = tpu.assume_multiple %mul3A_233, 8 : i32
      "tpu.region"() ({
        %run_scoped3A_304 = tpu.sem_alloc : memref<!tpu.dma_semaphore, #tpu.memory_space<semaphore_mem>>
        %dma_start3A_305 = tpu.memref_slice %arg26[%multiple_of3A] : memref<1000000xf32, #tpu.memory_space<vmem_shared>> -> memref<4000xf32, #tpu.memory_space<vmem_shared>>
        %dma_start3A_306 = tpu.memref_slice %arg26[%multiple_of3A] : memref<1000000xf32, #tpu.memory_space<vmem_shared>> -> memref<4000xf32, #tpu.memory_space<vmem_shared>>
        tpu.enqueue_dma source(%dma_start3A_306 : memref<4000xf32, #tpu.memory_space<vmem_shared>>) target(%arg18 : memref<4000xf32, #tpu.memory_space<vmem>>) target_semaphore(%run_scoped3A_304 : memref<!tpu.dma_semaphore, #tpu.memory_space<semaphore_mem>>)
        %dma_wait3A_307 = tpu.memref_slice %arg26[%multiple_of3A] : memref<1000000xf32, #tpu.memory_space<vmem_shared>> -> memref<4000xf32, #tpu.memory_space<vmem_shared>>
        %dma_wait3A_308 = tpu.memref_slice %arg26[%multiple_of3A] : memref<1000000xf32, #tpu.memory_space<vmem_shared>> -> memref<4000xf32, #tpu.memory_space<vmem_shared>>
        tpu.wait_dma2 semaphore(%run_scoped3A_304 : memref<!tpu.dma_semaphore, #tpu.memory_space<semaphore_mem>>) src(%dma_wait3A_308 : memref<4000xf32, #tpu.memory_space<vmem_shared>>) dst(%arg18 : memref<4000xf32, #tpu.memory_space<vmem>>)
        tpu.yield
      }) : () -> ()
      %mul3A_234 = arith.constant 16 : i32
      %mul3A_235 = arith.muli %mul3A_234, %while3A_219 : i32
      %add3A_236 = arith.addi %arg1, %mul3A_235 : i32
      %mul3A_237 = arith.constant 4000 : i32
      %mul3A_238 = arith.muli %add3A_236, %mul3A_237 : i32
      %multiple_of3A_239 = tpu.assume_multiple %mul3A_238, 8 : i32
      %dma_start3A = tpu.memref_slice %arg3[%multiple_of3A_239] : memref<1000000xf32, #tpu.memory_space<hbm>> -> memref<4000xf32, #tpu.memory_space<hbm>>
      %dma_start3A_240 = tpu.memref_slice %arg3[%multiple_of3A_239] : memref<1000000xf32, #tpu.memory_space<hbm>> -> memref<4000xf32, #tpu.memory_space<hbm>>
      tpu.enqueue_dma source(%dma_start3A_240 : memref<4000xf32, #tpu.memory_space<hbm>>) target(%arg19 : memref<4000xf32, #tpu.memory_space<vmem>>) target_semaphore(%arg27 : memref<!tpu.dma_semaphore, #tpu.memory_space<semaphore_mem>>)
      %dma_start3A_241 = tpu.memref_slice %arg4[%multiple_of3A_239] : memref<1000000xf32, #tpu.memory_space<hbm>> -> memref<4000xf32, #tpu.memory_space<hbm>>
      %dma_start3A_242 = tpu.memref_slice %arg4[%multiple_of3A_239] : memref<1000000xf32, #tpu.memory_space<hbm>> -> memref<4000xf32, #tpu.memory_space<hbm>>
      tpu.enqueue_dma source(%dma_start3A_242 : memref<4000xf32, #tpu.memory_space<hbm>>) target(%arg20 : memref<4000xf32, #tpu.memory_space<vmem>>) target_semaphore(%arg27 : memref<!tpu.dma_semaphore, #tpu.memory_space<semaphore_mem>>)
      %dma_start3A_243 = tpu.memref_slice %arg5[%multiple_of3A_239] : memref<1000000xf32, #tpu.memory_space<hbm>> -> memref<4000xf32, #tpu.memory_space<hbm>>
      %dma_start3A_244 = tpu.memref_slice %arg5[%multiple_of3A_239] : memref<1000000xf32, #tpu.memory_space<hbm>> -> memref<4000xf32, #tpu.memory_space<hbm>>
      tpu.enqueue_dma source(%dma_start3A_244 : memref<4000xf32, #tpu.memory_space<hbm>>) target(%arg21 : memref<4000xf32, #tpu.memory_space<vmem>>) target_semaphore(%arg27 : memref<!tpu.dma_semaphore, #tpu.memory_space<semaphore_mem>>)
      %mul3A_245 = arith.constant 16 : i32
      %mul3A_246 = arith.muli %mul3A_245, %while3A_219 : i32
      %add3A_247 = arith.addi %arg1, %mul3A_246 : i32
      %mul3A_248 = arith.constant 4000 : i32
      %mul3A_249 = arith.muli %add3A_247, %mul3A_248 : i32
      %multiple_of3A_250 = tpu.assume_multiple %mul3A_249, 8 : i32
      %dma_start3A_251 = tpu.memref_slice %arg6[%multiple_of3A_250] : memref<1000000xf32, #tpu.memory_space<hbm>> -> memref<4000xf32, #tpu.memory_space<hbm>>
      %dma_start3A_252 = tpu.memref_slice %arg6[%multiple_of3A_250] : memref<1000000xf32, #tpu.memory_space<hbm>> -> memref<4000xf32, #tpu.memory_space<hbm>>
      tpu.enqueue_dma source(%dma_start3A_252 : memref<4000xf32, #tpu.memory_space<hbm>>) target(%arg22 : memref<4000xf32, #tpu.memory_space<vmem>>) target_semaphore(%arg28 : memref<!tpu.dma_semaphore, #tpu.memory_space<semaphore_mem>>)
      %dma_start3A_253 = tpu.memref_slice %arg7[%multiple_of3A_250] : memref<1000000xf32, #tpu.memory_space<hbm>> -> memref<4000xf32, #tpu.memory_space<hbm>>
      %dma_start3A_254 = tpu.memref_slice %arg7[%multiple_of3A_250] : memref<1000000xf32, #tpu.memory_space<hbm>> -> memref<4000xf32, #tpu.memory_space<hbm>>
      tpu.enqueue_dma source(%dma_start3A_254 : memref<4000xf32, #tpu.memory_space<hbm>>) target(%arg23 : memref<4000xf32, #tpu.memory_space<vmem>>) target_semaphore(%arg28 : memref<!tpu.dma_semaphore, #tpu.memory_space<semaphore_mem>>)
      %dma_start3A_255 = tpu.memref_slice %arg8[%multiple_of3A_250] : memref<1000000xf32, #tpu.memory_space<hbm>> -> memref<4000xf32, #tpu.memory_space<hbm>>
      %dma_start3A_256 = tpu.memref_slice %arg8[%multiple_of3A_250] : memref<1000000xf32, #tpu.memory_space<hbm>> -> memref<4000xf32, #tpu.memory_space<hbm>>
      tpu.enqueue_dma source(%dma_start3A_256 : memref<4000xf32, #tpu.memory_space<hbm>>) target(%arg24 : memref<4000xf32, #tpu.memory_space<vmem>>) target_semaphore(%arg28 : memref<!tpu.dma_semaphore, #tpu.memory_space<semaphore_mem>>)
      %dma_wait3A = tpu.memref_slice %arg3[%multiple_of3A_239] : memref<1000000xf32, #tpu.memory_space<hbm>> -> memref<4000xf32, #tpu.memory_space<hbm>>
      %dma_wait3A_257 = tpu.memref_slice %arg3[%multiple_of3A_239] : memref<1000000xf32, #tpu.memory_space<hbm>> -> memref<4000xf32, #tpu.memory_space<hbm>>
      tpu.wait_dma2 semaphore(%arg27 : memref<!tpu.dma_semaphore, #tpu.memory_space<semaphore_mem>>) src(%dma_wait3A_257 : memref<4000xf32, #tpu.memory_space<hbm>>) dst(%arg19 : memref<4000xf32, #tpu.memory_space<vmem>>)
      %dma_wait3A_258 = tpu.memref_slice %arg4[%multiple_of3A_239] : memref<1000000xf32, #tpu.memory_space<hbm>> -> memref<4000xf32, #tpu.memory_space<hbm>>
      %dma_wait3A_259 = tpu.memref_slice %arg4[%multiple_of3A_239] : memref<1000000xf32, #tpu.memory_space<hbm>> -> memref<4000xf32, #tpu.memory_space<hbm>>
      tpu.wait_dma2 semaphore(%arg27 : memref<!tpu.dma_semaphore, #tpu.memory_space<semaphore_mem>>) src(%dma_wait3A_259 : memref<4000xf32, #tpu.memory_space<hbm>>) dst(%arg20 : memref<4000xf32, #tpu.memory_space<vmem>>)
      %dma_wait3A_260 = tpu.memref_slice %arg5[%multiple_of3A_239] : memref<1000000xf32, #tpu.memory_space<hbm>> -> memref<4000xf32, #tpu.memory_space<hbm>>
      %dma_wait3A_261 = tpu.memref_slice %arg5[%multiple_of3A_239] : memref<1000000xf32, #tpu.memory_space<hbm>> -> memref<4000xf32, #tpu.memory_space<hbm>>
      tpu.wait_dma2 semaphore(%arg27 : memref<!tpu.dma_semaphore, #tpu.memory_space<semaphore_mem>>) src(%dma_wait3A_261 : memref<4000xf32, #tpu.memory_space<hbm>>) dst(%arg21 : memref<4000xf32, #tpu.memory_space<vmem>>)
      %scan3A_262 = arith.constant 0 : i32
      %scan3A_263 = arith.constant 125 : i32
      %scan3A_264 = arith.addi %scan3A_262, %scan3A_263 : i32
      %scan3A_265 = arith.constant 1 : i32
      %scan3A_266:3 = scf.for %scan3A_304 = %scan3A_262 to %scan3A_264 step %scan3A_265 iter_args(%scan3A_305 = %while3A_220, %scan3A_306 = %while3A_221, %scan3A_307 = %while3A_222) -> (vector<16xf32>, vector<16xf32>, vector<16xf32>)  : i32 {
        %mul3A_308 = arith.constant 2 : i32
        %mul3A_309 = arith.muli %mul3A_308, %scan3A_304 : i32
        %add3A_310 = arith.constant 0 : i32
        %add3A_311 = arith.addi %mul3A_309, %add3A_310 : i32
        %mul3A_312 = arith.constant 16 : i32
        %mul3A_313 = arith.muli %add3A_311, %mul3A_312 : i32
        %get3A = arith.index_cast %mul3A_313 : i32 to index
        %get3A_314 = tpu.vector_load %arg18[%get3A] {strides = array<i32>} : memref<4000xf32, #tpu.memory_space<vmem>>, vector<16xf32>,
        %get3A_315 = vector.shape_cast %get3A_314 : vector<16xf32> to vector<16xf32>
        %get3A_316 = arith.index_cast %mul3A_313 : i32 to index
        %get3A_317 = tpu.vector_load %arg19[%get3A_316] {strides = array<i32>} : memref<4000xf32, #tpu.memory_space<vmem>>, vector<16xf32>,
        %get3A_318 = vector.shape_cast %get3A_317 : vector<16xf32> to vector<16xf32>
        %mul3A_319 = arith.mulf %get3A_315, %get3A_318 : vector<16xf32>
        %add3A_320 = arith.addf %scan3A_305, %mul3A_319 : vector<16xf32>
        %get3A_321 = arith.index_cast %mul3A_313 : i32 to index
        %get3A_322 = tpu.vector_load %arg20[%get3A_321] {strides = array<i32>} : memref<4000xf32, #tpu.memory_space<vmem>>, vector<16xf32>,
        %get3A_323 = vector.shape_cast %get3A_322 : vector<16xf32> to vector<16xf32>
        %mul3A_324 = arith.mulf %get3A_315, %get3A_323 : vector<16xf32>
        %add3A_325 = arith.addf %scan3A_306, %mul3A_324 : vector<16xf32>
        %get3A_326 = arith.index_cast %mul3A_313 : i32 to index
        %get3A_327 = tpu.vector_load %arg21[%get3A_326] {strides = array<i32>} : memref<4000xf32, #tpu.memory_space<vmem>>, vector<16xf32>,
        %get3A_328 = vector.shape_cast %get3A_327 : vector<16xf32> to vector<16xf32>
        %mul3A_329 = arith.mulf %get3A_315, %get3A_328 : vector<16xf32>
        %add3A_330 = arith.addf %scan3A_307, %mul3A_329 : vector<16xf32>
        %mul3A_331 = arith.constant 2 : i32
        %mul3A_332 = arith.muli %mul3A_331, %scan3A_304 : i32
        %add3A_333 = arith.constant 1 : i32
        %add3A_334 = arith.addi %mul3A_332, %add3A_333 : i32
        %mul3A_335 = arith.constant 16 : i32
        %mul3A_336 = arith.muli %add3A_334, %mul3A_335 : i32
        %get3A_337 = arith.index_cast %mul3A_336 : i32 to index
        %get3A_338 = tpu.vector_load %arg18[%get3A_337] {strides = array<i32>} : memref<4000xf32, #tpu.memory_space<vmem>>, vector<16xf32>,
        %get3A_339 = vector.shape_cast %get3A_338 : vector<16xf32> to vector<16xf32>
        %get3A_340 = arith.index_cast %mul3A_336 : i32 to index
        %get3A_341 = tpu.vector_load %arg19[%get3A_340] {strides = array<i32>} : memref<4000xf32, #tpu.memory_space<vmem>>, vector<16xf32>,
        %get3A_342 = vector.shape_cast %get3A_341 : vector<16xf32> to vector<16xf32>
        %mul3A_343 = arith.mulf %get3A_339, %get3A_342 : vector<16xf32>
        %add3A_344 = arith.addf %add3A_320, %mul3A_343 : vector<16xf32>
        %get3A_345 = arith.index_cast %mul3A_336 : i32 to index
        %get3A_346 = tpu.vector_load %arg20[%get3A_345] {strides = array<i32>} : memref<4000xf32, #tpu.memory_space<vmem>>, vector<16xf32>,
        %get3A_347 = vector.shape_cast %get3A_346 : vector<16xf32> to vector<16xf32>
        %mul3A_348 = arith.mulf %get3A_339, %get3A_347 : vector<16xf32>
        %add3A_349 = arith.addf %add3A_325, %mul3A_348 : vector<16xf32>
        %get3A_350 = arith.index_cast %mul3A_336 : i32 to index
        %get3A_351 = tpu.vector_load %arg21[%get3A_350] {strides = array<i32>} : memref<4000xf32, #tpu.memory_space<vmem>>, vector<16xf32>,
        %get3A_352 = vector.shape_cast %get3A_351 : vector<16xf32> to vector<16xf32>
        %mul3A_353 = arith.mulf %get3A_339, %get3A_352 : vector<16xf32>
        %add3A_354 = arith.addf %add3A_330, %mul3A_353 : vector<16xf32>
        scf.yield %add3A_344, %add3A_349, %add3A_354 : vector<16xf32>, vector<16xf32>, vector<16xf32>
      }
      %scan3A_267 = arith.constant 125 : i32
      %mul3A_268 = arith.constant 16 : i32
      %mul3A_269 = arith.muli %mul3A_268, %while3A_219 : i32
      %add3A_270 = arith.addi %arg1, %mul3A_269 : i32
      %mul3A_271 = arith.constant 4000 : i32
      %mul3A_272 = arith.muli %add3A_270, %mul3A_271 : i32
      %multiple_of3A_273 = tpu.assume_multiple %mul3A_272, 8 : i32
      %dma_start3A_274 = tpu.memref_slice %arg9[%multiple_of3A_273] : memref<1000000xf32, #tpu.memory_space<hbm>> -> memref<4000xf32, #tpu.memory_space<hbm>>
      %dma_start3A_275 = tpu.memref_slice %arg9[%multiple_of3A_273] : memref<1000000xf32, #tpu.memory_space<hbm>> -> memref<4000xf32, #tpu.memory_space<hbm>>
      tpu.enqueue_dma source(%dma_start3A_275 : memref<4000xf32, #tpu.memory_space<hbm>>) target(%arg19 : memref<4000xf32, #tpu.memory_space<vmem>>) target_semaphore(%arg27 : memref<!tpu.dma_semaphore, #tpu.memory_space<semaphore_mem>>)
      %dma_start3A_276 = tpu.memref_slice %arg10[%multiple_of3A_273] : memref<1000000xf32, #tpu.memory_space<hbm>> -> memref<4000xf32, #tpu.memory_space<hbm>>
      %dma_start3A_277 = tpu.memref_slice %arg10[%multiple_of3A_273] : memref<1000000xf32, #tpu.memory_space<hbm>> -> memref<4000xf32, #tpu.memory_space<hbm>>
      tpu.enqueue_dma source(%dma_start3A_277 : memref<4000xf32, #tpu.memory_space<hbm>>) target(%arg20 : memref<4000xf32, #tpu.memory_space<vmem>>) target_semaphore(%arg27 : memref<!tpu.dma_semaphore, #tpu.memory_space<semaphore_mem>>)
      %dma_start3A_278 = tpu.memref_slice %arg11[%multiple_of3A_273] : memref<1000000xf32, #tpu.memory_space<hbm>> -> memref<4000xf32, #tpu.memory_space<hbm>>
      %dma_start3A_279 = tpu.memref_slice %arg11[%multiple_of3A_273] : memref<1000000xf32, #tpu.memory_space<hbm>> -> memref<4000xf32, #tpu.memory_space<hbm>>
      tpu.enqueue_dma source(%dma_start3A_279 : memref<4000xf32, #tpu.memory_space<hbm>>) target(%arg21 : memref<4000xf32, #tpu.memory_space<vmem>>) target_semaphore(%arg27 : memref<!tpu.dma_semaphore, #tpu.memory_space<semaphore_mem>>)
      %dma_wait3A_280 = tpu.memref_slice %arg6[%multiple_of3A_250] : memref<1000000xf32, #tpu.memory_space<hbm>> -> memref<4000xf32, #tpu.memory_space<hbm>>
      %dma_wait3A_281 = tpu.memref_slice %arg6[%multiple_of3A_250] : memref<1000000xf32, #tpu.memory_space<hbm>> -> memref<4000xf32, #tpu.memory_space<hbm>>
      tpu.wait_dma2 semaphore(%arg28 : memref<!tpu.dma_semaphore, #tpu.memory_space<semaphore_mem>>) src(%dma_wait3A_281 : memref<4000xf32, #tpu.memory_space<hbm>>) dst(%arg22 : memref<4000xf32, #tpu.memory_space<vmem>>)
      %dma_wait3A_282 = tpu.memref_slice %arg7[%multiple_of3A_250] : memref<1000000xf32, #tpu.memory_space<hbm>> -> memref<4000xf32, #tpu.memory_space<hbm>>
      %dma_wait3A_283 = tpu.memref_slice %arg7[%multiple_of3A_250] : memref<1000000xf32, #tpu.memory_space<hbm>> -> memref<4000xf32, #tpu.memory_space<hbm>>
      tpu.wait_dma2 semaphore(%arg28 : memref<!tpu.dma_semaphore, #tpu.memory_space<semaphore_mem>>) src(%dma_wait3A_283 : memref<4000xf32, #tpu.memory_space<hbm>>) dst(%arg23 : memref<4000xf32, #tpu.memory_space<vmem>>)
      %dma_wait3A_284 = tpu.memref_slice %arg8[%multiple_of3A_250] : memref<1000000xf32, #tpu.memory_space<hbm>> -> memref<4000xf32, #tpu.memory_space<hbm>>
      %dma_wait3A_285 = tpu.memref_slice %arg8[%multiple_of3A_250] : memref<1000000xf32, #tpu.memory_space<hbm>> -> memref<4000xf32, #tpu.memory_space<hbm>>
      tpu.wait_dma2 semaphore(%arg28 : memref<!tpu.dma_semaphore, #tpu.memory_space<semaphore_mem>>) src(%dma_wait3A_285 : memref<4000xf32, #tpu.memory_space<hbm>>) dst(%arg24 : memref<4000xf32, #tpu.memory_space<vmem>>)
      %scan3A_286 = arith.constant 0 : i32
      %scan3A_287 = arith.constant 125 : i32
      %scan3A_288 = arith.addi %scan3A_286, %scan3A_287 : i32
      %scan3A_289 = arith.constant 1 : i32
      %scan3A_290:3 = scf.for %scan3A_304 = %scan3A_286 to %scan3A_288 step %scan3A_289 iter_args(%scan3A_305 = %while3A_223, %scan3A_306 = %while3A_224, %scan3A_307 = %while3A_225) -> (vector<16xf32>, vector<16xf32>, vector<16xf32>)  : i32 {
        %mul3A_308 = arith.constant 2 : i32
        %mul3A_309 = arith.muli %mul3A_308, %scan3A_304 : i32
        %add3A_310 = arith.constant 0 : i32
        %add3A_311 = arith.addi %mul3A_309, %add3A_310 : i32
        %mul3A_312 = arith.constant 16 : i32
        %mul3A_313 = arith.muli %add3A_311, %mul3A_312 : i32
        %get3A = arith.index_cast %mul3A_313 : i32 to index
        %get3A_314 = tpu.vector_load %arg18[%get3A] {strides = array<i32>} : memref<4000xf32, #tpu.memory_space<vmem>>, vector<16xf32>,
        %get3A_315 = vector.shape_cast %get3A_314 : vector<16xf32> to vector<16xf32>
        %get3A_316 = arith.index_cast %mul3A_313 : i32 to index
        %get3A_317 = tpu.vector_load %arg22[%get3A_316] {strides = array<i32>} : memref<4000xf32, #tpu.memory_space<vmem>>, vector<16xf32>,
        %get3A_318 = vector.shape_cast %get3A_317 : vector<16xf32> to vector<16xf32>
        %mul3A_319 = arith.mulf %get3A_315, %get3A_318 : vector<16xf32>
        %add3A_320 = arith.addf %scan3A_305, %mul3A_319 : vector<16xf32>
        %get3A_321 = arith.index_cast %mul3A_313 : i32 to index
        %get3A_322 = tpu.vector_load %arg23[%get3A_321] {strides = array<i32>} : memref<4000xf32, #tpu.memory_space<vmem>>, vector<16xf32>,
        %get3A_323 = vector.shape_cast %get3A_322 : vector<16xf32> to vector<16xf32>
        %mul3A_324 = arith.mulf %get3A_315, %get3A_323 : vector<16xf32>
        %add3A_325 = arith.addf %scan3A_306, %mul3A_324 : vector<16xf32>
        %get3A_326 = arith.index_cast %mul3A_313 : i32 to index
        %get3A_327 = tpu.vector_load %arg24[%get3A_326] {strides = array<i32>} : memref<4000xf32, #tpu.memory_space<vmem>>, vector<16xf32>,
        %get3A_328 = vector.shape_cast %get3A_327 : vector<16xf32> to vector<16xf32>
        %mul3A_329 = arith.mulf %get3A_315, %get3A_328 : vector<16xf32>
        %add3A_330 = arith.addf %scan3A_307, %mul3A_329 : vector<16xf32>
        %mul3A_331 = arith.constant 2 : i32
        %mul3A_332 = arith.muli %mul3A_331, %scan3A_304 : i32
        %add3A_333 = arith.constant 1 : i32
        %add3A_334 = arith.addi %mul3A_332, %add3A_333 : i32
        %mul3A_335 = arith.constant 16 : i32
        %mul3A_336 = arith.muli %add3A_334, %mul3A_335 : i32
        %get3A_337 = arith.index_cast %mul3A_336 : i32 to index
        %get3A_338 = tpu.vector_load %arg18[%get3A_337] {strides = array<i32>} : memref<4000xf32, #tpu.memory_space<vmem>>, vector<16xf32>,
        %get3A_339 = vector.shape_cast %get3A_338 : vector<16xf32> to vector<16xf32>
        %get3A_340 = arith.index_cast %mul3A_336 : i32 to index
        %get3A_341 = tpu.vector_load %arg22[%get3A_340] {strides = array<i32>} : memref<4000xf32, #tpu.memory_space<vmem>>, vector<16xf32>,
        %get3A_342 = vector.shape_cast %get3A_341 : vector<16xf32> to vector<16xf32>
        %mul3A_343 = arith.mulf %get3A_339, %get3A_342 : vector<16xf32>
        %add3A_344 = arith.addf %add3A_320, %mul3A_343 : vector<16xf32>
        %get3A_345 = arith.index_cast %mul3A_336 : i32 to index
        %get3A_346 = tpu.vector_load %arg23[%get3A_345] {strides = array<i32>} : memref<4000xf32, #tpu.memory_space<vmem>>, vector<16xf32>,
        %get3A_347 = vector.shape_cast %get3A_346 : vector<16xf32> to vector<16xf32>
        %mul3A_348 = arith.mulf %get3A_339, %get3A_347 : vector<16xf32>
        %add3A_349 = arith.addf %add3A_325, %mul3A_348 : vector<16xf32>
        %get3A_350 = arith.index_cast %mul3A_336 : i32 to index
        %get3A_351 = tpu.vector_load %arg24[%get3A_350] {strides = array<i32>} : memref<4000xf32, #tpu.memory_space<vmem>>, vector<16xf32>,
        %get3A_352 = vector.shape_cast %get3A_351 : vector<16xf32> to vector<16xf32>
        %mul3A_353 = arith.mulf %get3A_339, %get3A_352 : vector<16xf32>
        %add3A_354 = arith.addf %add3A_330, %mul3A_353 : vector<16xf32>
        scf.yield %add3A_344, %add3A_349, %add3A_354 : vector<16xf32>, vector<16xf32>, vector<16xf32>
      }
      %scan3A_291 = arith.constant 125 : i32
      %dma_wait3A_292 = tpu.memref_slice %arg9[%multiple_of3A_273] : memref<1000000xf32, #tpu.memory_space<hbm>> -> memref<4000xf32, #tpu.memory_space<hbm>>
      %dma_wait3A_293 = tpu.memref_slice %arg9[%multiple_of3A_273] : memref<1000000xf32, #tpu.memory_space<hbm>> -> memref<4000xf32, #tpu.memory_space<hbm>>
      tpu.wait_dma2 semaphore(%arg27 : memref<!tpu.dma_semaphore, #tpu.memory_space<semaphore_mem>>) src(%dma_wait3A_293 : memref<4000xf32, #tpu.memory_space<hbm>>) dst(%arg19 : memref<4000xf32, #tpu.memory_space<vmem>>)
      %dma_wait3A_294 = tpu.memref_slice %arg10[%multiple_of3A_273] : memref<1000000xf32, #tpu.memory_space<hbm>> -> memref<4000xf32, #tpu.memory_space<hbm>>
      %dma_wait3A_295 = tpu.memref_slice %arg10[%multiple_of3A_273] : memref<1000000xf32, #tpu.memory_space<hbm>> -> memref<4000xf32, #tpu.memory_space<hbm>>
      tpu.wait_dma2 semaphore(%arg27 : memref<!tpu.dma_semaphore, #tpu.memory_space<semaphore_mem>>) src(%dma_wait3A_295 : memref<4000xf32, #tpu.memory_space<hbm>>) dst(%arg20 : memref<4000xf32, #tpu.memory_space<vmem>>)
      %dma_wait3A_296 = tpu.memref_slice %arg11[%multiple_of3A_273] : memref<1000000xf32, #tpu.memory_space<hbm>> -> memref<4000xf32, #tpu.memory_space<hbm>>
      %dma_wait3A_297 = tpu.memref_slice %arg11[%multiple_of3A_273] : memref<1000000xf32, #tpu.memory_space<hbm>> -> memref<4000xf32, #tpu.memory_space<hbm>>
      tpu.wait_dma2 semaphore(%arg27 : memref<!tpu.dma_semaphore, #tpu.memory_space<semaphore_mem>>) src(%dma_wait3A_297 : memref<4000xf32, #tpu.memory_space<hbm>>) dst(%arg21 : memref<4000xf32, #tpu.memory_space<vmem>>)
      %scan3A_298 = arith.constant 0 : i32
      %scan3A_299 = arith.constant 125 : i32
      %scan3A_300 = arith.addi %scan3A_298, %scan3A_299 : i32
      %scan3A_301 = arith.constant 1 : i32
      %scan3A_302:3 = scf.for %scan3A_304 = %scan3A_298 to %scan3A_300 step %scan3A_301 iter_args(%scan3A_305 = %while3A_226, %scan3A_306 = %while3A_227, %scan3A_307 = %while3A_228) -> (vector<16xf32>, vector<16xf32>, vector<16xf32>)  : i32 {
        %mul3A_308 = arith.constant 2 : i32
        %mul3A_309 = arith.muli %mul3A_308, %scan3A_304 : i32
        %add3A_310 = arith.constant 0 : i32
        %add3A_311 = arith.addi %mul3A_309, %add3A_310 : i32
        %mul3A_312 = arith.constant 16 : i32
        %mul3A_313 = arith.muli %add3A_311, %mul3A_312 : i32
        %get3A = arith.index_cast %mul3A_313 : i32 to index
        %get3A_314 = tpu.vector_load %arg18[%get3A] {strides = array<i32>} : memref<4000xf32, #tpu.memory_space<vmem>>, vector<16xf32>,
        %get3A_315 = vector.shape_cast %get3A_314 : vector<16xf32> to vector<16xf32>
        %get3A_316 = arith.index_cast %mul3A_313 : i32 to index
        %get3A_317 = tpu.vector_load %arg19[%get3A_316] {strides = array<i32>} : memref<4000xf32, #tpu.memory_space<vmem>>, vector<16xf32>,
        %get3A_318 = vector.shape_cast %get3A_317 : vector<16xf32> to vector<16xf32>
        %mul3A_319 = arith.mulf %get3A_315, %get3A_318 : vector<16xf32>
        %add3A_320 = arith.addf %scan3A_305, %mul3A_319 : vector<16xf32>
        %get3A_321 = arith.index_cast %mul3A_313 : i32 to index
        %get3A_322 = tpu.vector_load %arg20[%get3A_321] {strides = array<i32>} : memref<4000xf32, #tpu.memory_space<vmem>>, vector<16xf32>,
        %get3A_323 = vector.shape_cast %get3A_322 : vector<16xf32> to vector<16xf32>
        %mul3A_324 = arith.mulf %get3A_315, %get3A_323 : vector<16xf32>
        %add3A_325 = arith.addf %scan3A_306, %mul3A_324 : vector<16xf32>
        %get3A_326 = arith.index_cast %mul3A_313 : i32 to index
        %get3A_327 = tpu.vector_load %arg21[%get3A_326] {strides = array<i32>} : memref<4000xf32, #tpu.memory_space<vmem>>, vector<16xf32>,
        %get3A_328 = vector.shape_cast %get3A_327 : vector<16xf32> to vector<16xf32>
        %mul3A_329 = arith.mulf %get3A_315, %get3A_328 : vector<16xf32>
        %add3A_330 = arith.addf %scan3A_307, %mul3A_329 : vector<16xf32>
        %mul3A_331 = arith.constant 2 : i32
        %mul3A_332 = arith.muli %mul3A_331, %scan3A_304 : i32
        %add3A_333 = arith.constant 1 : i32
        %add3A_334 = arith.addi %mul3A_332, %add3A_333 : i32
        %mul3A_335 = arith.constant 16 : i32
        %mul3A_336 = arith.muli %add3A_334, %mul3A_335 : i32
        %get3A_337 = arith.index_cast %mul3A_336 : i32 to index
        %get3A_338 = tpu.vector_load %arg18[%get3A_337] {strides = array<i32>} : memref<4000xf32, #tpu.memory_space<vmem>>, vector<16xf32>,
        %get3A_339 = vector.shape_cast %get3A_338 : vector<16xf32> to vector<16xf32>
        %get3A_340 = arith.index_cast %mul3A_336 : i32 to index
        %get3A_341 = tpu.vector_load %arg19[%get3A_340] {strides = array<i32>} : memref<4000xf32, #tpu.memory_space<vmem>>, vector<16xf32>,
        %get3A_342 = vector.shape_cast %get3A_341 : vector<16xf32> to vector<16xf32>
        %mul3A_343 = arith.mulf %get3A_339, %get3A_342 : vector<16xf32>
        %add3A_344 = arith.addf %add3A_320, %mul3A_343 : vector<16xf32>
        %get3A_345 = arith.index_cast %mul3A_336 : i32 to index
        %get3A_346 = tpu.vector_load %arg20[%get3A_345] {strides = array<i32>} : memref<4000xf32, #tpu.memory_space<vmem>>, vector<16xf32>,
        %get3A_347 = vector.shape_cast %get3A_346 : vector<16xf32> to vector<16xf32>
        %mul3A_348 = arith.mulf %get3A_339, %get3A_347 : vector<16xf32>
        %add3A_349 = arith.addf %add3A_325, %mul3A_348 : vector<16xf32>
        %get3A_350 = arith.index_cast %mul3A_336 : i32 to index
        %get3A_351 = tpu.vector_load %arg21[%get3A_350] {strides = array<i32>} : memref<4000xf32, #tpu.memory_space<vmem>>, vector<16xf32>,
        %get3A_352 = vector.shape_cast %get3A_351 : vector<16xf32> to vector<16xf32>
        %mul3A_353 = arith.mulf %get3A_339, %get3A_352 : vector<16xf32>
        %add3A_354 = arith.addf %add3A_330, %mul3A_353 : vector<16xf32>
        scf.yield %add3A_344, %add3A_349, %add3A_354 : vector<16xf32>, vector<16xf32>, vector<16xf32>
      }
      %scan3A_303 = arith.constant 125 : i32
      scf.yield %scan3A_266#0, %scan3A_266#1, %scan3A_266#2, %scan3A_290#0, %scan3A_290#1, %scan3A_290#2, %scan3A_302#0, %scan3A_302#1, %scan3A_302#2 : vector<16xf32>, vector<16xf32>, vector<16xf32>, vector<16xf32>, vector<16xf32>, vector<16xf32>, vector<16xf32>, vector<16xf32>, vector<16xf32>
    }
    %mul3A_139 = arith.constant 5.000000e+00 : f32
    %mul3A_140 = vector.broadcast %mul3A_139 : f32 to vector<16xf32>
    %mul3A_141 = arith.mulf %while3A_138#0, %mul3A_140 : vector<16xf32>
    %swap3A = arith.constant 0 : i32
    %swap3A_142 = arith.index_cast %swap3A : i32 to index
    %swap3A_143 = arith.constant 0 : index
    %swap3A_144 = tpu.vector_load %arg25[%swap3A_142, %swap3A_143] {strides = array<i32>} : memref<9x16xf32, #tpu.memory_space<vmem>>, vector<1x16xf32>,
    %swap3A_145 = vector.shape_cast %swap3A_144 : vector<1x16xf32> to vector<16xf32>
    %swap3A_146 = vector.shape_cast %mul3A_141 : vector<16xf32> to vector<1x16xf32>
    tpu.vector_store %arg25[%swap3A_142, %swap3A_143], %swap3A_146 {strides = array<i32>} : memref<9x16xf32, #tpu.memory_space<vmem>>, vector<1x16xf32>,
    %mul3A_147 = arith.constant 5.000000e+00 : f32
    %mul3A_148 = vector.broadcast %mul3A_147 : f32 to vector<16xf32>
    %mul3A_149 = arith.mulf %while3A_138#1, %mul3A_148 : vector<16xf32>
    %swap3A_150 = arith.constant 1 : i32
    %swap3A_151 = arith.index_cast %swap3A_150 : i32 to index
    %swap3A_152 = arith.constant 0 : index
    %swap3A_153 = tpu.vector_load %arg25[%swap3A_151, %swap3A_152] {strides = array<i32>} : memref<9x16xf32, #tpu.memory_space<vmem>>, vector<1x16xf32>,
    %swap3A_154 = vector.shape_cast %swap3A_153 : vector<1x16xf32> to vector<16xf32>
    %swap3A_155 = vector.shape_cast %mul3A_149 : vector<16xf32> to vector<1x16xf32>
    tpu.vector_store %arg25[%swap3A_151, %swap3A_152], %swap3A_155 {strides = array<i32>} : memref<9x16xf32, #tpu.memory_space<vmem>>, vector<1x16xf32>,
    %mul3A_156 = arith.constant 5.000000e+00 : f32
    %mul3A_157 = vector.broadcast %mul3A_156 : f32 to vector<16xf32>
    %mul3A_158 = arith.mulf %while3A_138#2, %mul3A_157 : vector<16xf32>
    %swap3A_159 = arith.constant 2 : i32
    %swap3A_160 = arith.index_cast %swap3A_159 : i32 to index
    %swap3A_161 = arith.constant 0 : index
    %swap3A_162 = tpu.vector_load %arg25[%swap3A_160, %swap3A_161] {strides = array<i32>} : memref<9x16xf32, #tpu.memory_space<vmem>>, vector<1x16xf32>,
    %swap3A_163 = vector.shape_cast %swap3A_162 : vector<1x16xf32> to vector<16xf32>
    %swap3A_164 = vector.shape_cast %mul3A_158 : vector<16xf32> to vector<1x16xf32>
    tpu.vector_store %arg25[%swap3A_160, %swap3A_161], %swap3A_164 {strides = array<i32>} : memref<9x16xf32, #tpu.memory_space<vmem>>, vector<1x16xf32>,
    %mul3A_165 = arith.constant 1.000000e+01 : f32
    %mul3A_166 = vector.broadcast %mul3A_165 : f32 to vector<16xf32>
    %mul3A_167 = arith.mulf %while3A_138#3, %mul3A_166 : vector<16xf32>
    %swap3A_168 = arith.constant 3 : i32
    %swap3A_169 = arith.index_cast %swap3A_168 : i32 to index
    %swap3A_170 = arith.constant 0 : index
    %swap3A_171 = tpu.vector_load %arg25[%swap3A_169, %swap3A_170] {strides = array<i32>} : memref<9x16xf32, #tpu.memory_space<vmem>>, vector<1x16xf32>,
    %swap3A_172 = vector.shape_cast %swap3A_171 : vector<1x16xf32> to vector<16xf32>
    %swap3A_173 = vector.shape_cast %mul3A_167 : vector<16xf32> to vector<1x16xf32>
    tpu.vector_store %arg25[%swap3A_169, %swap3A_170], %swap3A_173 {strides = array<i32>} : memref<9x16xf32, #tpu.memory_space<vmem>>, vector<1x16xf32>,
    %mul3A_174 = arith.constant 1.000000e+01 : f32
    %mul3A_175 = vector.broadcast %mul3A_174 : f32 to vector<16xf32>
    %mul3A_176 = arith.mulf %while3A_138#4, %mul3A_175 : vector<16xf32>
    %swap3A_177 = arith.constant 4 : i32
    %swap3A_178 = arith.index_cast %swap3A_177 : i32 to index
    %swap3A_179 = arith.constant 0 : index
    %swap3A_180 = tpu.vector_load %arg25[%swap3A_178, %swap3A_179] {strides = array<i32>} : memref<9x16xf32, #tpu.memory_space<vmem>>, vector<1x16xf32>,
    %swap3A_181 = vector.shape_cast %swap3A_180 : vector<1x16xf32> to vector<16xf32>
    %swap3A_182 = vector.shape_cast %mul3A_176 : vector<16xf32> to vector<1x16xf32>
    tpu.vector_store %arg25[%swap3A_178, %swap3A_179], %swap3A_182 {strides = array<i32>} : memref<9x16xf32, #tpu.memory_space<vmem>>, vector<1x16xf32>,
    %mul3A_183 = arith.constant 1.000000e+01 : f32
    %mul3A_184 = vector.broadcast %mul3A_183 : f32 to vector<16xf32>
    %mul3A_185 = arith.mulf %while3A_138#5, %mul3A_184 : vector<16xf32>
    %swap3A_186 = arith.constant 5 : i32
    %swap3A_187 = arith.index_cast %swap3A_186 : i32 to index
    %swap3A_188 = arith.constant 0 : index
    %swap3A_189 = tpu.vector_load %arg25[%swap3A_187, %swap3A_188] {strides = array<i32>} : memref<9x16xf32, #tpu.memory_space<vmem>>, vector<1x16xf32>,
    %swap3A_190 = vector.shape_cast %swap3A_189 : vector<1x16xf32> to vector<16xf32>
    %swap3A_191 = vector.shape_cast %mul3A_185 : vector<16xf32> to vector<1x16xf32>
    tpu.vector_store %arg25[%swap3A_187, %swap3A_188], %swap3A_191 {strides = array<i32>} : memref<9x16xf32, #tpu.memory_space<vmem>>, vector<1x16xf32>,
    %mul3A_192 = arith.constant 6.000000e+00 : f32
    %mul3A_193 = vector.broadcast %mul3A_192 : f32 to vector<16xf32>
    %mul3A_194 = arith.mulf %while3A_138#6, %mul3A_193 : vector<16xf32>
    %swap3A_195 = arith.constant 6 : i32
    %swap3A_196 = arith.index_cast %swap3A_195 : i32 to index
    %swap3A_197 = arith.constant 0 : index
    %swap3A_198 = tpu.vector_load %arg25[%swap3A_196, %swap3A_197] {strides = array<i32>} : memref<9x16xf32, #tpu.memory_space<vmem>>, vector<1x16xf32>,
    %swap3A_199 = vector.shape_cast %swap3A_198 : vector<1x16xf32> to vector<16xf32>
    %swap3A_200 = vector.shape_cast %mul3A_194 : vector<16xf32> to vector<1x16xf32>
    tpu.vector_store %arg25[%swap3A_196, %swap3A_197], %swap3A_200 {strides = array<i32>} : memref<9x16xf32, #tpu.memory_space<vmem>>, vector<1x16xf32>,
    %mul3A_201 = arith.constant 6.000000e+00 : f32
    %mul3A_202 = vector.broadcast %mul3A_201 : f32 to vector<16xf32>
    %mul3A_203 = arith.mulf %while3A_138#7, %mul3A_202 : vector<16xf32>
    %swap3A_204 = arith.constant 7 : i32
    %swap3A_205 = arith.index_cast %swap3A_204 : i32 to index
    %swap3A_206 = arith.constant 0 : index
    %swap3A_207 = tpu.vector_load %arg25[%swap3A_205, %swap3A_206] {strides = array<i32>} : memref<9x16xf32, #tpu.memory_space<vmem>>, vector<1x16xf32>,
    %swap3A_208 = vector.shape_cast %swap3A_207 : vector<1x16xf32> to vector<16xf32>
    %swap3A_209 = vector.shape_cast %mul3A_203 : vector<16xf32> to vector<1x16xf32>
    tpu.vector_store %arg25[%swap3A_205, %swap3A_206], %swap3A_209 {strides = array<i32>} : memref<9x16xf32, #tpu.memory_space<vmem>>, vector<1x16xf32>,
    %mul3A_210 = arith.constant 6.000000e+00 : f32
    %mul3A_211 = vector.broadcast %mul3A_210 : f32 to vector<16xf32>
    %mul3A_212 = arith.mulf %while3A_138#8, %mul3A_211 : vector<16xf32>
    %swap3A_213 = arith.constant 8 : i32
    %swap3A_214 = arith.index_cast %swap3A_213 : i32 to index
    %swap3A_215 = arith.constant 0 : index
    %swap3A_216 = tpu.vector_load %arg25[%swap3A_214, %swap3A_215] {strides = array<i32>} : memref<9x16xf32, #tpu.memory_space<vmem>>, vector<1x16xf32>,
    %swap3A_217 = vector.shape_cast %swap3A_216 : vector<1x16xf32> to vector<16xf32>
    %swap3A_218 = vector.shape_cast %mul3A_212 : vector<16xf32> to vector<1x16xf32>
    tpu.vector_store %arg25[%swap3A_214, %swap3A_215], %swap3A_218 {strides = array<i32>} : memref<9x16xf32, #tpu.memory_space<vmem>>, vector<1x16xf32>,
    "tpu.region"() ({
      %run_scoped3A_219 = tpu.sem_alloc : memref<!tpu.dma_semaphore, #tpu.memory_space<semaphore_mem>>
      %dma_start3A = arith.constant 0 : i32
      %dma_start3A_220 = arith.constant 0 : i32
      %dma_start3A_221 = tpu.memref_slice %arg12[%add3A, %dma_start3A, %dma_start3A_220] : memref<32x9x16xf32, #tpu.memory_space<hbm>> -> memref<1x9x16xf32, #tpu.memory_space<hbm>>
      %dma_start3A_222 = tpu.memref_squeeze %dma_start3A_221 : memref<1x9x16xf32, #tpu.memory_space<hbm>> -> memref<9x16xf32, #tpu.memory_space<hbm>>
      %dma_start3A_223 = arith.constant 0 : i32
      %dma_start3A_224 = arith.constant 0 : i32
      %dma_start3A_225 = tpu.memref_slice %arg12[%add3A, %dma_start3A_223, %dma_start3A_224] : memref<32x9x16xf32, #tpu.memory_space<hbm>> -> memref<1x9x16xf32, #tpu.memory_space<hbm>>
      %dma_start3A_226 = tpu.memref_squeeze %dma_start3A_225 : memref<1x9x16xf32, #tpu.memory_space<hbm>> -> memref<9x16xf32, #tpu.memory_space<hbm>>
      tpu.enqueue_dma source(%arg25 : memref<9x16xf32, #tpu.memory_space<vmem>>) target(%dma_start3A_226 : memref<9x16xf32, #tpu.memory_space<hbm>>) target_semaphore(%run_scoped3A_219 : memref<!tpu.dma_semaphore, #tpu.memory_space<semaphore_mem>>)
      %dma_wait3A = arith.constant 0 : i32
      %dma_wait3A_227 = arith.constant 0 : i32
      %dma_wait3A_228 = tpu.memref_slice %arg12[%add3A, %dma_wait3A, %dma_wait3A_227] : memref<32x9x16xf32, #tpu.memory_space<hbm>> -> memref<1x9x16xf32, #tpu.memory_space<hbm>>
      %dma_wait3A_229 = tpu.memref_squeeze %dma_wait3A_228 : memref<1x9x16xf32, #tpu.memory_space<hbm>> -> memref<9x16xf32, #tpu.memory_space<hbm>>
      %dma_wait3A_230 = arith.constant 0 : i32
      %dma_wait3A_231 = arith.constant 0 : i32
      %dma_wait3A_232 = tpu.memref_slice %arg12[%add3A, %dma_wait3A_230, %dma_wait3A_231] : memref<32x9x16xf32, #tpu.memory_space<hbm>> -> memref<1x9x16xf32, #tpu.memory_space<hbm>>
      %dma_wait3A_233 = tpu.memref_squeeze %dma_wait3A_232 : memref<1x9x16xf32, #tpu.memory_space<hbm>> -> memref<9x16xf32, #tpu.memory_space<hbm>>
      tpu.wait_dma2 semaphore(%run_scoped3A_219 : memref<!tpu.dma_semaphore, #tpu.memory_space<semaphore_mem>>) src(%arg25 : memref<9x16xf32, #tpu.memory_space<vmem>>) dst(%dma_wait3A_233 : memref<9x16xf32, #tpu.memory_space<hbm>>)
      tpu.yield
    }) : () -> ()
    return
  }
}

</mosaic_0001>

<sc_bundles>
// kernel: kernel.3.cloned.1.call-start
scs
__scs_entry_jumppad:
0x0: {  	(pc) =	sbr.rel $0x88, $3  }
0x1: {  	(tag) =	ssettag $0x0;
	lr =	simm.s32 $0x1  }
0x2: {  	[smem:$0x3F9D] =	sst lr;
	_ =	strace $0xD0000000  }
0x3: {  	_ = 	snop  }
0x4: {  	_ = 	snop  }
0x5: {  	_ = 	snop  }
0x6: {  	_ = 	snop  }
0x7: {  	_ = 	snop  }
__scs_overlays_trampoline_lowered:
0x8: {  	[smem:$0x3FAC] =	sst s0  }
0x9: {  	[smem:$0x3FAD] =	sst s1  }
0xa: {  	[smem:$0x3FAE] =	sst s2  }
0xb: {  	[smem:$0x3FAF] =	sst s3  }
0xc: {  	[smem:$0x3FB0] =	sst s4  }
0xd: {  	[smem:$0x3FB1] =	sst s5  }
0xe: {  	[smem:$0x3FB2] =	sst s6  }
0xf: {  	[smem:$0x3FB3] =	sst s7  }
0x10: {  	[smem:$0x3FB4] =	sst s8  }
0x11: {  	[smem:$0x3FB5] =	sst s9;
	s0 =	simm.s32 @!p0 $0x0  }
0x12: {  	s1 =	sld [smem:$0x3F9B];
	s0 =	simm.s32 @p0 $0x1  }
0x13: {  	[smem:$0x3FB6] =	sst s0;
	s0 =	simm.s32 @!p1 $0x0  }
0x14: {  	s2 =	sld [smem:$0x3F9A];
	s0 =	simm.s32 @p1 $0x1  }
0x15: {  	[smem:$0x3FB7] =	sst s0;
	s0 =	simm.s32 @!p2 $0x0  }
0x16: {  	s3 =	sld [smem:$0x3FDB];
	s0 =	simm.s32 @p2 $0x1  }
0x17: {  	s4 =	simm.s32 $0x1BF5;
	[smem:$0x3FB9] =	sst s0  }
0x18: {  	s0 =	sld [smem:$0x3F9C];
	_ =	swait.ge [sflag:s4], $0x0  }
0x19: {  	s7 =	sld [smem:$0x3F9D]  }
0x1a: {  	s8 =	sadd.s32 $0xFFFFE003, lr  }
0x1b: {  	s9 =	sadd.s32 $0xFFFFFEF7, lr;
	s5 =	simm.s32 $0xFFFFFFFF;
	p2 =	slt.u32 s8, $0xFFFFF086  }
0x1c: {  	p1 =	slt.u32 s9, $0xF7A;
	s5 =	simm.s32 @!p2 $0x0  }
0x1d: {  	s5 =	simm.s32 @p1 $0x1;
	p0 =	seq.s32 s7, s2  }
0x1e: {  	s7 =	smul.u32 @!p0 $0xF7A, s2;
	p2 =	seq.s32 @!p0 s5, $0x0  }
0x1f: {  	s9 =	smul.u32 $0xF7A, s1;
	s8 =	simm.s32 @!p0 $0x1BF5;
	p2 =	por !p2, p0  }
0x20: {  	[sflag:s8] =	ssyncset.s32 @!p0 $0xFFFFF086;
	s6 =	sadd.s32 @!p0 s3, s7;
	s7 =	simm.s32 @!p0 $0x108  }
0x21: {  	s3 =	sadd.s32 s3, s9;
	s6 =	sadd.s32 @!p0 $0x88, s6;
	s7 =	simm.s32 @p2 $0x1082  }
0x22: {  	[simem:s7], [sflag:s8] =	dma.local @!p0 [hbm:s6], $0xF7A  }
0x23: {  	s9 =	sor.u32 $0xD0000000, s2;
	s6 =	simm.s32 $0x108;
	_ =	swait.ge @!p0 [sflag:s8], $0x0  }
0x24: {  	s3 =	sadd.s32 $0x88, s3;
	s6 =	simm.s32 @!p1 $0x1082;
	[sflag:s4] =	ssyncset.s32 $0xFFFFF086  }
0x25: {  	[simem:s6], [sflag:s4] =	dma.local [hbm:s3], $0xF7A  }
0x26: {  	[smem:$0x3F9D] =	sst s1;
	(tag) =	ssettag s2;
	_ =	strace s9  }
0x27: {  	s1 =	sld [smem:$0x3FAD]  }
0x28: {  	s2 =	sld [smem:$0x3FAE]  }
0x29: {  	s4 =	sld [smem:$0x3FB0]  }
0x2a: {  	p0 =	seq.s32 s5, $0x0;
	s5 =	sld [smem:$0x3FB1]  }
0x2b: {  	s6 =	sld [smem:$0x3FB2]  }
0x2c: {  	s7 =	sld [smem:$0x3FB3]  }
0x2d: {  	s3 =	simm.s32 $0x108;
	s8 =	sld [smem:$0x3FB4]  }
0x2e: {  	s3 =	simm.s32 @!p0 $0x1082;
	s9 =	sld [smem:$0x3FB5]  }
0x2f: {  	lr =	sadd.s32 s0, s3;
	s0 =	sld [smem:$0x3FAC]  }
0x30: {  	s3 =	sld [smem:$0x3FAF]  }
0x31: {  	[smem:$0x3FB8] =	sst s10  }
0x32: {  	s10 =	sld [smem:$0x3FB6];
	_ =	sdelay $0x3  }
0x33: {  	p0 =	seq.s32 s10, $0x1;
	s10 =	sld [smem:$0x3FB8];
	_ =	sdelay $0x3  }
0x34: {  	[smem:$0x3FB8] =	sst s10  }
0x35: {  	s10 =	sld [smem:$0x3FB7];
	_ =	sdelay $0x3  }
0x36: {  	p1 =	seq.s32 s10, $0x1;
	s10 =	sld [smem:$0x3FB8];
	_ =	sdelay $0x3  }
0x37: {  	[smem:$0x3FB8] =	sst s10  }
0x38: {  	s10 =	sld [smem:$0x3FB9]  }
0x39: {  	_ = 	snop;
	(pc) =	sbr.ind lr, $3  }
0x3a: {  	_ = 	snop  }
0x3b: {  	_ = 	snop  }
0x3c: {  	p2 =	seq.s32 s10, $0x1;
	s10 =	sld [smem:$0x3FB8]  }
0x3d: {  	_ =	shalt  }
0x3e: {  	_ =	shalt  }
0x3f: {  	_ =	shalt  }
0x40: {  	_ =	shalt  }
0x41: {  	_ =	shalt  }
0x42: {  	_ =	shalt  }
0x43: {  	_ =	shalt  }
0x44: {  	_ =	shalt  }
0x45: {  	_ =	shalt  }
0x46: {  	_ =	shalt  }
0x47: {  	_ =	shalt  }
0x48: {  	_ =	shalt  }
0x49: {  	_ =	shalt  }
0x4a: {  	_ =	shalt  }
0x4b: {  	_ =	shalt  }
0x4c: {  	_ =	shalt  }
0x4d: {  	_ =	shalt  }
0x4e: {  	_ =	shalt  }
0x4f: {  	_ =	shalt  }
0x50: {  	_ =	shalt  }
0x51: {  	_ =	shalt  }
0x52: {  	_ =	shalt  }
0x53: {  	_ =	shalt  }
0x54: {  	_ =	shalt  }
0x55: {  	_ =	shalt  }
0x56: {  	_ =	shalt  }
0x57: {  	_ =	shalt  }
0x58: {  	_ =	shalt  }
0x59: {  	_ =	shalt  }
0x5a: {  	_ =	shalt  }
0x5b: {  	_ =	shalt  }
0x5c: {  	_ =	shalt  }
0x5d: {  	_ =	shalt  }
0x5e: {  	_ =	shalt  }
0x5f: {  	_ =	shalt  }
0x60: {  	_ =	shalt  }
0x61: {  	_ =	shalt  }
0x62: {  	_ =	shalt  }
0x63: {  	_ =	shalt  }
0x64: {  	_ =	shalt  }
0x65: {  	_ =	shalt  }
0x66: {  	_ =	shalt  }
0x67: {  	_ =	shalt  }
0x68: {  	_ =	shalt  }
0x69: {  	_ =	shalt  }
0x6a: {  	_ =	shalt  }
0x6b: {  	_ =	shalt  }
0x6c: {  	_ =	shalt  }
0x6d: {  	_ =	shalt  }
0x6e: {  	_ =	shalt  }
0x6f: {  	_ =	shalt  }
0x70: {  	_ =	shalt  }
0x71: {  	_ =	shalt  }
0x72: {  	_ =	shalt  }
0x73: {  	_ =	shalt  }
0x74: {  	_ =	shalt  }
0x75: {  	_ =	shalt  }
0x76: {  	_ =	shalt  }
0x77: {  	_ =	shalt  }
0x78: {  	_ =	shalt  }
0x79: {  	_ =	shalt  }
0x7a: {  	_ =	shalt  }
0x7b: {  	_ =	shalt  }
0x7c: {  	_ =	shalt  }
0x7d: {  	_ =	shalt  }
0x7e: {  	_ =	shalt  }
0x7f: {  	_ =	shalt  }
0x80: {  	_ =	shalt  }
0x81: {  	_ =	shalt  }
0x82: {  	_ =	shalt  }
0x83: {  	_ =	shalt  }
0x84: {  	_ =	shalt  }
0x85: {  	_ =	shalt  }
0x86: {  	_ =	shalt  }
0x87: {  	_ =	shalt  }
.Lfunc_end0:
.L_simem_size_0:
called_computation_lowered:
.L_overlay_start_0:
0x88: {  	s2 =	sld [smem:$0x3FD9]  }
0x89: {  	s3 =	sld [smem:$0x3FFE];
	_ =	sdelay $0x1  }
0x8a: {  	s1 =	srdreg.scid  }
0x8b: {  	s0 =	sand.u32 $0x1, s1  }
0x8c: {  	s16 =	sshll.u32 s0, $0xA;
	s2 =	sadd.s32 s3, s2  }
0x8d: {  	s2 =	sadd.s32 s2, s16  }
0x8e: {  	[smem:$0x3FC4] =	sst s2  }
0x8f: {  	_ = 	snop  }
0x90: {  	(tm) =	ssettm $0x1  }
0x91: {  	s17 =	sld [smem:$0x3FFB];
	_ =	sdelay $0x3  }
0x92: {  	_ =	strace s17  }
0x93: {  	s2 =	sld [smem:$0x3FFC];
	_ =	sdelay $0x3  }
0x94: {  	_ =	strace s2  }
0x95: {  	s2 =	sld [smem:$0x3FFD];
	_ =	sdelay $0x3  }
0x96: {  	_ =	strace s2  }
0x97: {  	_ =	strace $0x8FFFFFFF  }
0x98: {  	s18 =	sld [smem:$0x3FDB];
	_ =	sdelay $0x1  }
0x99: {  	s19 =	simm.s32 $_scs_section_size  }
0x9a: {  	s4 =	simm.s32 $_size__tile_overlayer_lowered;
	s5 =	simm.s32 $_tile_overlayer_lowered  }
0x9b: {  	s22 =	simm.s32 $0x1BFF;
	s21 =	sshll.u32 s5, $0x1;
	s2 =	sadd.s32 s19, s18  }
0x9c: {  	s6 =	simm.s32 $0x0;
	s20 =	sshll.u32 s4, $0x1;
	s4 =	sadd.s32 s21, s2  }
0x9d: {  	[timem:s6], [sflag:s22] =	dma.local [hbm:s4], s20  }
0x9e: {  	_ =	swait.ge [sflag:s22], s20  }
0x9f: {  	s3 =	ssub.s32 $0x0, s20;
	[sflag:s22] =	ssyncset.done $0x0  }
0xa0: {  	[sflag:s22] =	ssyncadd.s32 s3;
	_ =	sdelay $0x1  }
0xa1: {  	s23 =	simm.s32 $0x1B8B  }
0xa2: {  	_ =	swait.ge [sflag:s23], $0x1  }
0xa3: {  	[sflag:s23] =	ssyncset.done $0x0  }
0xa4: {  	s25 =	simm.s32 $0x1B8E;
	s24 =	sld [smem:$0x3FFE];
	[sflag:s23] =	ssyncadd.s32 $0xFFFFFFFF  }
0xa5: {  	s26 =	simm.s32 $execute0_lowered;
	[smem:$0x3FD2] =	sst s25  }
0xa6: {  	s4 =	sshll.u32 s26, $0x1;
	_ =	strace $0x80000046;
	[dreg:$0x1] =	wrdreg $0xFFFFFFFF  }
0xa7: {  	s28 =	simm.s32 $_size_execute0_lowered;
	s2 =	sadd.s32 s2, s4;
	[dreg:$0x0] =	wrdreg $0x0  }
0xa8: {  	s4 =	sshll.u32 s28, $0x1;
	[dreg:$0x2] =	wrdreg s2  }
0xa9: {  	[dreg:$0x3] =	wrdreg s4  }
0xaa: {  	[dreg:$0x4] =	wrdreg $0xC0  }
0xab: {  	_ =	task [dreg:s6], $0x5FFFF  }
0xac: {  	[dreg:$0x1] =	wrdreg $0xFFFFFFFF  }
0xad: {  	[dreg:$0x0] =	wrdreg $0x60  }
0xae: {  	[dreg:$0x2] =	wrdreg s24  }
0xaf: {  	[dreg:$0x3] =	wrdreg $0xF5000  }
0xb0: {  	[dreg:$0x4] =	wrdreg $0x9  }
0xb1: {  	_ =	task.clear_ibuf [dreg:s6], $0x5FFFF;
	_ =	strace $0x90000046  }
0xb2: {  	s29 =	simm.s32 $0x9;
	_ =	strace $0x80000048  }
0xb3: {  	_ =	swait.ge [sflag:s29], $0x1  }
0xb4: {  	[sflag:s29] =	ssyncadd.s32 $0xFFFFFFFF  }
0xb5: {  	_ =	strace $0x90000048  }
0xb6: {  	_ =	sfence  }
0xb7: {  	s30 =	sld [smem:$0x0];
	_ =	sdelay $0x2  }
0xb8: {  	s31 =	sshll.u32 s1, $0xD;
	s1 =	sshrl.u32 s1, $0x2  }
0xb9: {  	s3 =	sand.u32 $0x4000, s31;
	s1 =	sadd.s32 s1, s30  }
0xba: {  	s0 =	sor.u32 s3, s0;
	s1 =	sshll.u32 s1, $0x11  }
0xbb: {  	s0 =	sor.u32 s1, s0  }
0xbc: {  	s0 =	sadd.s32 $0x8F2B, s0  }
0xbd: {  	[sflag:s0] =	ssyncadd.remote.s32 $0x1  }
0xbe: {  	_ =	sfence.sel $0xFFFF  }
0xbf: {  	[dreg:$0x0] =	wrdreg $0xFFFFFFFF;
	(pc) =	sbr.abs _section_cstart, $3  }
0xc0: {  	[dreg:$0x1] =	wrdreg $0xFFFFFFFF  }
0xc1: {  	_ =	task.clear_ibuf [dreg:s6], $0x2FFFF;
	_ =	strace $0x9FFFFFFF  }
0xc2: {  	(tm) =	ssettm $0x7FFFFFFF  }
0xc3: {  	_ =	shalt  }
tec
execute0_lowered:
.L_overlay_start_1:
0x0: {  	(tag) =	ssettag $0x1  }
0x1: {  	s0 =	rddreg [dreg:$0x0]  }
0x2: {  	s1 =	rddreg [dreg:$0x1];
	s23 =	simm.s32 $0x0;
	s2 =	srdreg.scid  }
0x3: {  	s8 =	stileid.u32;
	s21 =	simm.s32 $0x7D00;
	s22 =	simm.s32 $0x3  }
0x4: {  	s28 =	simm.s32 $0x3200;
	s29 =	simm.s32 $0x6400;
	s30 =	simm.s32 $0x8D00  }
0x5: {  	s31 =	simm.s32 $0x9D00;
	s17 =	simm.s32 $0xDD00;
	s18 =	simm.s32 $0x1  }
0x6: {  	s19 =	simm.s32 $0x2;
	s20 =	simm.s32 $0x4B00;
	[smem:$0x7FF] =	sst s23  }
0x7: {  	s3 =	sadd.s32 $0x56400, s0;
	s4 =	sadd.s32 $0x37A00, s0;
	s5 =	sadd.s32 $0x19000, s0  }
0x8: {  	s6 =	sadd.s32 $0xD0C00, s0;
	s7 =	sadd.s32 $0xEF600, s0;
	s9 =	sadd.s32 $0x10E000, s0  }
0x9: {  	s2 =	sand.u32 $0x1, s2;
	s12 =	sshll.u32 s8, $0x1;
	s10 =	sadd.s32 $0xB2200, s0  }
0xa: {  	s11 =	sadd.s32 $0x93800, s0;
	p0 =	slt.u32 s8, $0xA;
	s25 =	smul.u32 $0x3E80, s8  }
0xb: {  	p1 =	sne.s32 s8, $0x1;
	p2 =	sne.s32 s8, $0xE;
	s13 =	sor.u32 s2, s12  }
0xc: {  	p3 =	sne.s32 s8, $0x2;
	p4 =	sne.s32 s8, $0x3;
	s16 =	smul.u32 $0xC80, s13  }
0xd: {  	s12 =	sadd.s32 $0x74E00, s0;
	p6 =	sne.s32 @p2 s8, $0xF;
	s14 =	sshll.u32 s13, $0x8  }
0xe: {  	s14 =	sadd.s32 s14, s0;
	s24 =	sadd.s32 s0, s16;
	s0 =	sshrl.u32 s25, $0x2  }
0xf: {  	p5 =	sne.s32 s8, $0x4;
	p6 =	por p6, !p2;
	s0 =	sadd.s32 s0, s1  }
0x10: {  	_ =	strace $0x80000047;
	[dreg:$0x9] =	wrdreg s0;
	s0 =	simm.s32 @!p6 $0x0  }
0x11: {  	s2 =	ssub.s32 $0x2, s2;
	s0 =	simm.s32 @p6 $0x1;
	p6 =	sne.s32 s8, $0x5  }
0x12: {  	s15 =	sshrl.u32 s2, $0x1;
	[smem:$0x7F4] =	sst s0;
	s0 =	simm.s32 @!p6 $0x0  }
0x13: {  	s13 =	simm.s32 $0x10;
	s0 =	simm.s32 @p6 $0x1;
	p6 =	sne.s32 s8, $0x6  }
0x14: {  	s2 =	ssub.s32 s2, s15;
	[smem:$0x7F5] =	sst s0;
	s0 =	simm.s32 @!p6 $0x0  }
0x15: {  	s13 =	simm.s32 @!p0 $0xF;
	s0 =	simm.s32 @p6 $0x1;
	p6 =	sne.s32 s8, $0x7  }
0x16: {  	p0 =	sne.s32 s8, $0x0;
	[smem:$0x7F6] =	sst s0;
	s0 =	simm.s32 @!p6 $0x0  }
0x17: {  	[dreg:$0x3] =	wrdreg s24;
	s0 =	simm.s32 @p6 $0x1;
	p6 =	sne.s32 s8, $0x8  }
0x18: {  	s14 =	sadd.s32 $0x12CA00, s14;
	[smem:$0x7F7] =	sst s0;
	s0 =	simm.s32 @!p6 $0x0  }
0x19: {  	[dreg:$0x7] =	wrdreg s14;
	s0 =	simm.s32 @p6 $0x1;
	p6 =	sne.s32 s8, $0x9  }
0x1a: {  	s2 =	smax.u32 s2, $0x1;
	[smem:$0x7F8] =	sst s0;
	s0 =	simm.s32 @!p6 $0x0  }
0x1b: {  	[dreg:$0x8] =	wrdreg s2;
	s0 =	simm.s32 @p6 $0x1;
	p6 =	sne.s32 s8, $0xA  }
0x1c: {  	s16 =	sadd.s32 $0x10, s24;
	[smem:$0x7F9] =	sst s0;
	s0 =	simm.s32 @!p6 $0x0  }
0x1d: {  	[dreg:$0x4] =	wrdreg s16;
	s0 =	simm.s32 @p6 $0x1;
	p6 =	sne.s32 s8, $0xB  }
0x1e: {  	s26 =	sadd.s32 $0x20, s24;
	[smem:$0x7FA] =	sst s0;
	s0 =	simm.s32 @!p6 $0x0  }
0x1f: {  	[dreg:$0x5] =	wrdreg s26;
	s0 =	simm.s32 @p6 $0x1;
	p6 =	sne.s32 s8, $0xC  }
0x20: {  	s15 =	sadd.s32 $0x30, s24;
	[smem:$0x7FB] =	sst s0;
	s0 =	simm.s32 @!p6 $0x0  }
0x21: {  	[dreg:$0x6] =	wrdreg s15;
	s0 =	simm.s32 @p6 $0x1;
	p6 =	sne.s32 s8, $0xD  }
0x22: {  	s25 =	simm.s32 $0x1900;
	[smem:$0x7FC] =	sst s0;
	s0 =	simm.s32 @!p6 $0x0  }
0x23: {  	s15 =	simm.s32 $0xBD00;
	s16 =	simm.s32 $0xCD00;
	s0 =	simm.s32 @p6 $0x1  }
0x24: {  	v0 =	vimm.f32 $1.000000000e+00;
	v1 =	vimm.f32 $0.0e+00;
	s26 =	simm.s32 $0x0;
	[smem:$0x7FD] =	sst s0;
	s0 =	simm.s32 $0xAD00  }
.LBB2_1:
0x25: {  	s2 =	simm.s32 $0x0  }
.LBB2_2:
0x26: {  	p6 =	sne.s32 s2, $0x63C0  }
.Ltmp0:
0x27: {  	_ = 	snop;
	(pc) =	sbr.rel @p6 .LBB2_2-.Ltmp0, $3  }
0x28: {  	_ =	sdelay $0x1  }
0x29: {  	s14 =	sshra.s32 s2, $0x2  }
0x2a: {  	s2 =	sadd.s32 $0x40, s2;
	[tilespmem:s14+$0x6400] =	vst v0  }
0x2b: {  	s2 =	simm.s32 $0x40;
	s14 =	simm.s32 $0x0  }
.LBB2_4:
0x2c: {  	p6 =	sne.s32 s2, $0x3E40;
	[tilespmem:s14+$0x7D00] =	vst v1;
	s14 =	smov.u32 s2;
	s2 =	sadd.s32 $0x40, s2  }
.Ltmp1:
0x2d: {  	(pc) =	sbr.rel @p6 .LBB2_4-.Ltmp1, $2  }
0x2e: {  	_ =	sdelay $0x2  }
0x2f: {  	s14 =	sshra.s32 s14, $0x2  }
0x30: {  	p6 =	sne.s32 s13, $0x1  }
.Ltmp2:
0x31: {  	_ = 	snop;
	(pc) =	sbr.rel @!p6 .LBB2_7-.Ltmp2, $4  }
0x32: {  	[tilespmem:s14+$0x7D00] =	vst v1;
	s14 =	rddreg [dreg:$0x9]  }
0x33: {  	[spmem:s14] =	stream.linear.scatter [tilespmem:s21], [sflag:$0x3], $0xFA0, $0x38;
	[tilespmem:$0x1E928] =	vst v63  }
0x34: {  	_ =	swait.ge [sflag:s22], $0xFA0  }
0x35: {  	s2 =	sadd.s32 $0xFFFFFFFF, s13;
	[sflag:s22] =	ssyncset.done $0x0  }
.LBB2_6:
0x36: {  	p6 =	sne.s32 s2, $0x1;
	[sflag:s22] =	ssyncadd.s32 $0xFFFFF060;
	s14 =	sadd.s32 $0xFA00, s14  }
.Ltmp3:
0x37: {  	s2 =	sadd.s32 $0xFFFFFFFF, s2;
	(pc) =	sbr.rel @p6 .LBB2_6-.Ltmp3, $4  }
0x38: {  	_ = 	snop  }
0x39: {  	[spmem:s14] =	stream.linear.scatter [tilespmem:s21], [sflag:$0x3], $0xFA0, $0x38;
	[tilespmem:$0x1E928] =	vst v63  }
0x3a: {  	_ =	swait.ge [sflag:s22], $0xFA0  }
0x3b: {  	[sflag:s22] =	ssyncset.done $0x0  }
.LBB2_7:
0x3c: {  	[sflag:s22] =	ssyncadd.s32 $0xFFFFF060  }
0x3d: {  	[bflag:$0x0] =	sbarrier.arrive $0xFFFF  }
0x3e: {  	s14 =	simm.s32 $0x80;
	s24 =	simm.s32 $0x200;
	s2 =	rddreg [dreg:$0x3]  }
0x3f: {  	[tilespmem:s23], [sflag:$0x3] =	stream.strided.gather [hbm4b:s2+s14], $0x1900, s24, s14, $0x38;
	[tilespmem:$0x1E928] =	vst v63  }
0x40: {  	_ =	swait.ge [sflag:s22], $0x1900  }
0x41: {  	[sflag:s22] =	ssyncset.done $0x0  }
0x42: {  	s2 =	rddreg [dreg:$0x4];
	[sflag:s22] =	ssyncadd.s32 $0xFFFFE700  }
0x43: {  	[tilespmem:s25], [sflag:$0x3] =	stream.strided.gather [hbm4b:s2+s14], $0x1900, s24, s14, $0x38;
	[tilespmem:$0x1E928] =	vst v63  }
0x44: {  	_ =	swait.ge [sflag:s22], $0x1900  }
0x45: {  	[sflag:s22] =	ssyncset.done $0x0  }
0x46: {  	s2 =	rddreg [dreg:$0x5];
	[sflag:s22] =	ssyncadd.s32 $0xFFFFE700  }
0x47: {  	[tilespmem:s28], [sflag:$0x3] =	stream.strided.gather [hbm4b:s2+s14], $0x1900, s24, s14, $0x38;
	[tilespmem:$0x1E928] =	vst v63  }
0x48: {  	_ =	swait.ge [sflag:s22], $0x1900  }
0x49: {  	[sflag:s22] =	ssyncset.done $0x0  }
0x4a: {  	s2 =	rddreg [dreg:$0x6];
	[sflag:s22] =	ssyncadd.s32 $0xFFFFE700  }
0x4b: {  	[tilespmem:s20], [sflag:$0x3] =	stream.strided.gather [hbm4b:s2+s14], $0x1900, s24, s14, $0x38;
	[tilespmem:$0x1E928] =	vst v63  }
.Ltmp4:
0x4c: {  	_ =	swait.ge [sflag:s22], $0x1900;
	(pc) =	sbr.rel @!p0 .LBB2_8-.Ltmp4, $4  }
0x4d: {  	[sflag:s22] =	ssyncset.done $0x0  }
0x4e: {  	[sflag:s22] =	ssyncadd.s32 $0xFFFFE700  }
0x4f: {  	[bflag:$0x0] =	sbarrier.arrive $0xFFFF  }
0x50: {  	s2 =	simm.s32 $0x4B00  }
.Ltmp5:
0x51: {  	(pc) =	sbr.rel @p1 .LBB2_11-.Ltmp5, $2  }
0x52: {  	_ =	sdelay $0x1  }
0x53: {  	[bflag:$0x0] =	sbarrier.arrive $0xFFFF;
	_ =	sdelay $0x1  }
0x54: {  	[spmem:s1] =	stream.indirect.scatter.add.f32 [tilespmem:s29], [sflag:$0x3], $0x1, s23, s25, $0xb8;
	[tilespmem:$0x1E928] =	vst v63  }
0x55: {  	_ =	swait.ge [sflag:s22], $0x1900  }
0x56: {  	[sflag:s22] =	ssyncset.done $0x0  }
0x57: {  	[sflag:s22] =	ssyncadd.s32 $0xFFFFE700  }
0x58: {  	[spmem:s1] =	stream.indirect.scatter.add.f32 [tilespmem:s29], [sflag:$0x3], $0x1, s25, s25, $0xb8;
	[tilespmem:$0x1E928] =	vst v63  }
0x59: {  	_ =	swait.ge [sflag:s22], $0x1900  }
0x5a: {  	[sflag:s22] =	ssyncset.done $0x0  }
0x5b: {  	[sflag:s22] =	ssyncadd.s32 $0xFFFFE700  }
0x5c: {  	[spmem:s1] =	stream.indirect.scatter.add.f32 [tilespmem:s29], [sflag:$0x3], $0x1, s28, s25, $0xb8;
	[tilespmem:$0x1E928] =	vst v63  }
0x5d: {  	_ =	swait.ge [sflag:s22], $0x1900  }
0x5e: {  	[sflag:s22] =	ssyncset.done $0x0  }
0x5f: {  	[sflag:s22] =	ssyncadd.s32 $0xFFFFE700  }
0x60: {  	[spmem:s1] =	stream.indirect.scatter.add.f32 [tilespmem:s29], [sflag:$0x3], $0x1, s2, s25, $0xb8;
	[tilespmem:$0x1E928] =	vst v63  }
0x61: {  	_ =	swait.ge [sflag:s22], $0x1900  }
0x62: {  	[sflag:s22] =	ssyncset.done $0x0  }
0x63: {  	[sflag:s22] =	ssyncadd.s32 $0xFFFFE700  }
0x64: {  	[bflag:$0x0] =	sbarrier.arrive $0xFFFF  }
0x65: {  	[bflag:$0x0] =	sbarrier.arrive $0xFFFF  }
0x66: {  	[bflag:$0x0] =	sbarrier.arrive $0xFFFF  }
0x67: {  	[bflag:$0x0] =	sbarrier.arrive $0xFFFF  }
0x68: {  	[bflag:$0x0] =	sbarrier.arrive $0xFFFF  }
0x69: {  	[bflag:$0x0] =	sbarrier.arrive $0xFFFF  }
0x6a: {  	[bflag:$0x0] =	sbarrier.arrive $0xFFFF  }
0x6b: {  	[bflag:$0x0] =	sbarrier.arrive $0xFFFF  }
0x6c: {  	[bflag:$0x0] =	sbarrier.arrive $0xFFFF  }
0x6d: {  	[bflag:$0x0] =	sbarrier.arrive $0xFFFF  }
.Ltmp6:
0x6e: {  	[bflag:$0x0] =	sbarrier.arrive $0xFFFF;
	(pc) =	sbr.rel .LBB2_36-.Ltmp6, $3  }
0x6f: {  	[bflag:$0x0] =	sbarrier.arrive $0xFFFF  }
0x70: {  	[bflag:$0x0] =	sbarrier.arrive $0xFFFF  }
0x71: {  	[bflag:$0x0] =	sbarrier.arrive $0xFFFF;
	_ =	sdelay $0x1  }
.LBB2_8:
0x72: {  	[spmem:s1] =	stream.indirect.scatter.add.f32 [tilespmem:s29], [sflag:$0x3], $0x1, s23, s25, $0xb8;
	[tilespmem:$0x1E928] =	vst v63  }
0x73: {  	_ =	swait.ge [sflag:s22], $0x1900  }
0x74: {  	[sflag:s22] =	ssyncset.done $0x0  }
0x75: {  	[sflag:s22] =	ssyncadd.s32 $0xFFFFE700  }
0x76: {  	[spmem:s1] =	stream.indirect.scatter.add.f32 [tilespmem:s29], [sflag:$0x3], $0x1, s25, s25, $0xb8;
	[tilespmem:$0x1E928] =	vst v63  }
0x77: {  	_ =	swait.ge [sflag:s22], $0x1900  }
0x78: {  	[sflag:s22] =	ssyncset.done $0x0  }
0x79: {  	[sflag:s22] =	ssyncadd.s32 $0xFFFFE700  }
0x7a: {  	[spmem:s1] =	stream.indirect.scatter.add.f32 [tilespmem:s29], [sflag:$0x3], $0x1, s28, s25, $0xb8;
	[tilespmem:$0x1E928] =	vst v63  }
0x7b: {  	_ =	swait.ge [sflag:s22], $0x1900  }
0x7c: {  	[sflag:s22] =	ssyncset.done $0x0  }
0x7d: {  	[sflag:s22] =	ssyncadd.s32 $0xFFFFE700  }
0x7e: {  	[spmem:s1] =	stream.indirect.scatter.add.f32 [tilespmem:s29], [sflag:$0x3], $0x1, s2, s25, $0xb8;
	[tilespmem:$0x1E928] =	vst v63  }
0x7f: {  	_ =	swait.ge [sflag:s22], $0x1900  }
0x80: {  	[sflag:s22] =	ssyncset.done $0x0  }
0x81: {  	[sflag:s22] =	ssyncadd.s32 $0xFFFFE700  }
0x82: {  	[bflag:$0x0] =	sbarrier.arrive $0xFFFF  }
0x83: {  	[bflag:$0x0] =	sbarrier.arrive $0xFFFF  }
0x84: {  	[bflag:$0x0] =	sbarrier.arrive $0xFFFF  }
0x85: {  	[bflag:$0x0] =	sbarrier.arrive $0xFFFF  }
0x86: {  	[bflag:$0x0] =	sbarrier.arrive $0xFFFF  }
0x87: {  	[bflag:$0x0] =	sbarrier.arrive $0xFFFF  }
0x88: {  	[bflag:$0x0] =	sbarrier.arrive $0xFFFF  }
0x89: {  	[bflag:$0x0] =	sbarrier.arrive $0xFFFF  }
0x8a: {  	[bflag:$0x0] =	sbarrier.arrive $0xFFFF  }
0x8b: {  	[bflag:$0x0] =	sbarrier.arrive $0xFFFF  }
0x8c: {  	[bflag:$0x0] =	sbarrier.arrive $0xFFFF  }
.Ltmp7:
0x8d: {  	[bflag:$0x0] =	sbarrier.arrive $0xFFFF;
	(pc) =	sbr.rel .LBB2_36-.Ltmp7, $3  }
0x8e: {  	[bflag:$0x0] =	sbarrier.arrive $0xFFFF  }
0x8f: {  	[bflag:$0x0] =	sbarrier.arrive $0xFFFF  }
0x90: {  	[bflag:$0x0] =	sbarrier.arrive $0xFFFF;
	_ =	sdelay $0x1  }
.LBB2_11:
.Ltmp8:
0x91: {  	(pc) =	sbr.rel @p3 .LBB2_13-.Ltmp8, $2  }
0x92: {  	_ =	sdelay $0x1  }
0x93: {  	[bflag:$0x0] =	sbarrier.arrive $0xFFFF;
	_ =	sdelay $0x1  }
0x94: {  	[spmem:s1] =	stream.indirect.scatter.add.f32 [tilespmem:s29], [sflag:$0x3], $0x1, s23, s25, $0xb8;
	[tilespmem:$0x1E928] =	vst v63  }
0x95: {  	_ =	swait.ge [sflag:s22], $0x1900  }
0x96: {  	[sflag:s22] =	ssyncset.done $0x0  }
0x97: {  	[sflag:s22] =	ssyncadd.s32 $0xFFFFE700  }
0x98: {  	[spmem:s1] =	stream.indirect.scatter.add.f32 [tilespmem:s29], [sflag:$0x3], $0x1, s25, s25, $0xb8;
	[tilespmem:$0x1E928] =	vst v63  }
0x99: {  	_ =	swait.ge [sflag:s22], $0x1900  }
0x9a: {  	[sflag:s22] =	ssyncset.done $0x0  }
0x9b: {  	[sflag:s22] =	ssyncadd.s32 $0xFFFFE700  }
0x9c: {  	[spmem:s1] =	stream.indirect.scatter.add.f32 [tilespmem:s29], [sflag:$0x3], $0x1, s28, s25, $0xb8;
	[tilespmem:$0x1E928] =	vst v63  }
0x9d: {  	_ =	swait.ge [sflag:s22], $0x1900  }
0x9e: {  	[sflag:s22] =	ssyncset.done $0x0  }
0x9f: {  	[sflag:s22] =	ssyncadd.s32 $0xFFFFE700  }
0xa0: {  	[spmem:s1] =	stream.indirect.scatter.add.f32 [tilespmem:s29], [sflag:$0x3], $0x1, s2, s25, $0xb8;
	[tilespmem:$0x1E928] =	vst v63  }
0xa1: {  	_ =	swait.ge [sflag:s22], $0x1900  }
0xa2: {  	[sflag:s22] =	ssyncset.done $0x0  }
0xa3: {  	[sflag:s22] =	ssyncadd.s32 $0xFFFFE700  }
0xa4: {  	[bflag:$0x0] =	sbarrier.arrive $0xFFFF  }
0xa5: {  	[bflag:$0x0] =	sbarrier.arrive $0xFFFF  }
0xa6: {  	[bflag:$0x0] =	sbarrier.arrive $0xFFFF  }
0xa7: {  	[bflag:$0x0] =	sbarrier.arrive $0xFFFF  }
0xa8: {  	[bflag:$0x0] =	sbarrier.arrive $0xFFFF  }
0xa9: {  	[bflag:$0x0] =	sbarrier.arrive $0xFFFF  }
0xaa: {  	[bflag:$0x0] =	sbarrier.arrive $0xFFFF  }
0xab: {  	[bflag:$0x0] =	sbarrier.arrive $0xFFFF  }
0xac: {  	[bflag:$0x0] =	sbarrier.arrive $0xFFFF  }
.Ltmp9:
0xad: {  	[bflag:$0x0] =	sbarrier.arrive $0xFFFF;
	(pc) =	sbr.rel .LBB2_36-.Ltmp9, $3  }
0xae: {  	[bflag:$0x0] =	sbarrier.arrive $0xFFFF  }
0xaf: {  	[bflag:$0x0] =	sbarrier.arrive $0xFFFF  }
0xb0: {  	[bflag:$0x0] =	sbarrier.arrive $0xFFFF;
	_ =	sdelay $0x1  }
.LBB2_13:
.Ltmp10:
0xb1: {  	(pc) =	sbr.rel @p4 .LBB2_15-.Ltmp10, $2  }
0xb2: {  	_ =	sdelay $0x1  }
0xb3: {  	[bflag:$0x0] =	sbarrier.arrive $0xFFFF;
	_ =	sdelay $0x1  }
0xb4: {  	[spmem:s1] =	stream.indirect.scatter.add.f32 [tilespmem:s29], [sflag:$0x3], $0x1, s23, s25, $0xb8;
	[tilespmem:$0x1E928] =	vst v63  }
0xb5: {  	_ =	swait.ge [sflag:s22], $0x1900  }
0xb6: {  	[sflag:s22] =	ssyncset.done $0x0  }
0xb7: {  	[sflag:s22] =	ssyncadd.s32 $0xFFFFE700  }
0xb8: {  	[spmem:s1] =	stream.indirect.scatter.add.f32 [tilespmem:s29], [sflag:$0x3], $0x1, s25, s25, $0xb8;
	[tilespmem:$0x1E928] =	vst v63  }
0xb9: {  	_ =	swait.ge [sflag:s22], $0x1900  }
0xba: {  	[sflag:s22] =	ssyncset.done $0x0  }
0xbb: {  	[sflag:s22] =	ssyncadd.s32 $0xFFFFE700  }
0xbc: {  	[spmem:s1] =	stream.indirect.scatter.add.f32 [tilespmem:s29], [sflag:$0x3], $0x1, s28, s25, $0xb8;
	[tilespmem:$0x1E928] =	vst v63  }
0xbd: {  	_ =	swait.ge [sflag:s22], $0x1900  }
0xbe: {  	[sflag:s22] =	ssyncset.done $0x0  }
0xbf: {  	[sflag:s22] =	ssyncadd.s32 $0xFFFFE700  }
0xc0: {  	[spmem:s1] =	stream.indirect.scatter.add.f32 [tilespmem:s29], [sflag:$0x3], $0x1, s2, s25, $0xb8;
	[tilespmem:$0x1E928] =	vst v63  }
0xc1: {  	_ =	swait.ge [sflag:s22], $0x1900  }
0xc2: {  	[sflag:s22] =	ssyncset.done $0x0  }
0xc3: {  	[sflag:s22] =	ssyncadd.s32 $0xFFFFE700  }
0xc4: {  	[bflag:$0x0] =	sbarrier.arrive $0xFFFF  }
0xc5: {  	[bflag:$0x0] =	sbarrier.arrive $0xFFFF  }
0xc6: {  	[bflag:$0x0] =	sbarrier.arrive $0xFFFF  }
0xc7: {  	[bflag:$0x0] =	sbarrier.arrive $0xFFFF  }
0xc8: {  	[bflag:$0x0] =	sbarrier.arrive $0xFFFF  }
0xc9: {  	[bflag:$0x0] =	sbarrier.arrive $0xFFFF  }
0xca: {  	[bflag:$0x0] =	sbarrier.arrive $0xFFFF  }
0xcb: {  	[bflag:$0x0] =	sbarrier.arrive $0xFFFF  }
.Ltmp11:
0xcc: {  	[bflag:$0x0] =	sbarrier.arrive $0xFFFF;
	(pc) =	sbr.rel .LBB2_36-.Ltmp11, $3  }
0xcd: {  	[bflag:$0x0] =	sbarrier.arrive $0xFFFF  }
0xce: {  	[bflag:$0x0] =	sbarrier.arrive $0xFFFF  }
0xcf: {  	[bflag:$0x0] =	sbarrier.arrive $0xFFFF;
	_ =	sdelay $0x1  }
.LBB2_15:
.Ltmp12:
0xd0: {  	(pc) =	sbr.rel @p5 .LBB2_17-.Ltmp12, $2  }
0xd1: {  	_ =	sdelay $0x1  }
0xd2: {  	[bflag:$0x0] =	sbarrier.arrive $0xFFFF;
	_ =	sdelay $0x1  }
0xd3: {  	[spmem:s1] =	stream.indirect.scatter.add.f32 [tilespmem:s29], [sflag:$0x3], $0x1, s23, s25, $0xb8;
	[tilespmem:$0x1E928] =	vst v63  }
0xd4: {  	_ =	swait.ge [sflag:s22], $0x1900  }
0xd5: {  	[sflag:s22] =	ssyncset.done $0x0  }
0xd6: {  	[sflag:s22] =	ssyncadd.s32 $0xFFFFE700  }
0xd7: {  	[spmem:s1] =	stream.indirect.scatter.add.f32 [tilespmem:s29], [sflag:$0x3], $0x1, s25, s25, $0xb8;
	[tilespmem:$0x1E928] =	vst v63  }
0xd8: {  	_ =	swait.ge [sflag:s22], $0x1900  }
0xd9: {  	[sflag:s22] =	ssyncset.done $0x0  }
0xda: {  	[sflag:s22] =	ssyncadd.s32 $0xFFFFE700  }
0xdb: {  	[spmem:s1] =	stream.indirect.scatter.add.f32 [tilespmem:s29], [sflag:$0x3], $0x1, s28, s25, $0xb8;
	[tilespmem:$0x1E928] =	vst v63  }
0xdc: {  	_ =	swait.ge [sflag:s22], $0x1900  }
0xdd: {  	[sflag:s22] =	ssyncset.done $0x0  }
0xde: {  	[sflag:s22] =	ssyncadd.s32 $0xFFFFE700  }
0xdf: {  	[spmem:s1] =	stream.indirect.scatter.add.f32 [tilespmem:s29], [sflag:$0x3], $0x1, s2, s25, $0xb8;
	[tilespmem:$0x1E928] =	vst v63  }
0xe0: {  	_ =	swait.ge [sflag:s22], $0x1900  }
0xe1: {  	[sflag:s22] =	ssyncset.done $0x0  }
0xe2: {  	[sflag:s22] =	ssyncadd.s32 $0xFFFFE700  }
0xe3: {  	[bflag:$0x0] =	sbarrier.arrive $0xFFFF  }
0xe4: {  	[bflag:$0x0] =	sbarrier.arrive $0xFFFF  }
0xe5: {  	[bflag:$0x0] =	sbarrier.arrive $0xFFFF  }
0xe6: {  	[bflag:$0x0] =	sbarrier.arrive $0xFFFF  }
0xe7: {  	[bflag:$0x0] =	sbarrier.arrive $0xFFFF  }
0xe8: {  	[bflag:$0x0] =	sbarrier.arrive $0xFFFF  }
0xe9: {  	[bflag:$0x0] =	sbarrier.arrive $0xFFFF  }
.Ltmp13:
0xea: {  	[bflag:$0x0] =	sbarrier.arrive $0xFFFF;
	(pc) =	sbr.rel .LBB2_36-.Ltmp13, $3  }
0xeb: {  	[bflag:$0x0] =	sbarrier.arrive $0xFFFF  }
0xec: {  	[bflag:$0x0] =	sbarrier.arrive $0xFFFF  }
0xed: {  	[bflag:$0x0] =	sbarrier.arrive $0xFFFF;
	_ =	sdelay $0x1  }
.LBB2_17:
0xee: {  	[bflag:$0x0] =	sbarrier.arrive $0xFFFF  }
0xef: {  	s14 =	sld [smem:$0x7F5];
	_ =	sdelay $0x2  }
0xf0: {  	p6 =	seq.s32 s14, $0x1  }
.Ltmp14:
0xf1: {  	_ = 	snop;
	(pc) =	sbr.rel @p6 .LBB2_19-.Ltmp14, $1  }
0xf2: {  	_ =	sdelay $0x3  }
0xf3: {  	[spmem:s1] =	stream.indirect.scatter.add.f32 [tilespmem:s29], [sflag:$0x3], $0x1, s23, s25, $0xb8;
	[tilespmem:$0x1E928] =	vst v63  }
0xf4: {  	_ =	swait.ge [sflag:s22], $0x1900  }
0xf5: {  	[sflag:s22] =	ssyncset.done $0x0  }
0xf6: {  	[sflag:s22] =	ssyncadd.s32 $0xFFFFE700  }
0xf7: {  	[spmem:s1] =	stream.indirect.scatter.add.f32 [tilespmem:s29], [sflag:$0x3], $0x1, s25, s25, $0xb8;
	[tilespmem:$0x1E928] =	vst v63  }
0xf8: {  	_ =	swait.ge [sflag:s22], $0x1900  }
0xf9: {  	[sflag:s22] =	ssyncset.done $0x0  }
0xfa: {  	[sflag:s22] =	ssyncadd.s32 $0xFFFFE700  }
0xfb: {  	[spmem:s1] =	stream.indirect.scatter.add.f32 [tilespmem:s29], [sflag:$0x3], $0x1, s28, s25, $0xb8;
	[tilespmem:$0x1E928] =	vst v63  }
0xfc: {  	_ =	swait.ge [sflag:s22], $0x1900  }
0xfd: {  	[sflag:s22] =	ssyncset.done $0x0  }
0xfe: {  	[sflag:s22] =	ssyncadd.s32 $0xFFFFE700  }
0xff: {  	[spmem:s1] =	stream.indirect.scatter.add.f32 [tilespmem:s29], [sflag:$0x3], $0x1, s2, s25, $0xb8;
	[tilespmem:$0x1E928] =	vst v63  }
0x100: {  	_ =	swait.ge [sflag:s22], $0x1900  }
0x101: {  	[sflag:s22] =	ssyncset.done $0x0  }
0x102: {  	[sflag:s22] =	ssyncadd.s32 $0xFFFFE700  }
0x103: {  	[bflag:$0x0] =	sbarrier.arrive $0xFFFF  }
0x104: {  	[bflag:$0x0] =	sbarrier.arrive $0xFFFF  }
0x105: {  	[bflag:$0x0] =	sbarrier.arrive $0xFFFF  }
0x106: {  	[bflag:$0x0] =	sbarrier.arrive $0xFFFF  }
0x107: {  	[bflag:$0x0] =	sbarrier.arrive $0xFFFF  }
0x108: {  	[bflag:$0x0] =	sbarrier.arrive $0xFFFF  }
.Ltmp15:
0x109: {  	[bflag:$0x0] =	sbarrier.arrive $0xFFFF;
	(pc) =	sbr.rel .LBB2_36-.Ltmp15, $3  }
0x10a: {  	[bflag:$0x0] =	sbarrier.arrive $0xFFFF  }
0x10b: {  	[bflag:$0x0] =	sbarrier.arrive $0xFFFF  }
0x10c: {  	[bflag:$0x0] =	sbarrier.arrive $0xFFFF;
	_ =	sdelay $0x1  }
.LBB2_19:
0x10d: {  	[bflag:$0x0] =	sbarrier.arrive $0xFFFF  }
0x10e: {  	s14 =	sld [smem:$0x7F6];
	_ =	sdelay $0x2  }
0x10f: {  	p6 =	seq.s32 s14, $0x1  }
.Ltmp16:
0x110: {  	_ = 	snop;
	(pc) =	sbr.rel @p6 .LBB2_21-.Ltmp16, $1  }
0x111: {  	_ =	sdelay $0x3  }
0x112: {  	[spmem:s1] =	stream.indirect.scatter.add.f32 [tilespmem:s29], [sflag:$0x3], $0x1, s23, s25, $0xb8;
	[tilespmem:$0x1E928] =	vst v63  }
0x113: {  	_ =	swait.ge [sflag:s22], $0x1900  }
0x114: {  	[sflag:s22] =	ssyncset.done $0x0  }
0x115: {  	[sflag:s22] =	ssyncadd.s32 $0xFFFFE700  }
0x116: {  	[spmem:s1] =	stream.indirect.scatter.add.f32 [tilespmem:s29], [sflag:$0x3], $0x1, s25, s25, $0xb8;
	[tilespmem:$0x1E928] =	vst v63  }
0x117: {  	_ =	swait.ge [sflag:s22], $0x1900  }
0x118: {  	[sflag:s22] =	ssyncset.done $0x0  }
0x119: {  	[sflag:s22] =	ssyncadd.s32 $0xFFFFE700  }
0x11a: {  	[spmem:s1] =	stream.indirect.scatter.add.f32 [tilespmem:s29], [sflag:$0x3], $0x1, s28, s25, $0xb8;
	[tilespmem:$0x1E928] =	vst v63  }
0x11b: {  	_ =	swait.ge [sflag:s22], $0x1900  }
0x11c: {  	[sflag:s22] =	ssyncset.done $0x0  }
0x11d: {  	[sflag:s22] =	ssyncadd.s32 $0xFFFFE700  }
0x11e: {  	[spmem:s1] =	stream.indirect.scatter.add.f32 [tilespmem:s29], [sflag:$0x3], $0x1, s2, s25, $0xb8;
	[tilespmem:$0x1E928] =	vst v63  }
0x11f: {  	_ =	swait.ge [sflag:s22], $0x1900  }
0x120: {  	[sflag:s22] =	ssyncset.done $0x0  }
0x121: {  	[sflag:s22] =	ssyncadd.s32 $0xFFFFE700  }
0x122: {  	[bflag:$0x0] =	sbarrier.arrive $0xFFFF  }
0x123: {  	[bflag:$0x0] =	sbarrier.arrive $0xFFFF  }
0x124: {  	[bflag:$0x0] =	sbarrier.arrive $0xFFFF  }
0x125: {  	[bflag:$0x0] =	sbarrier.arrive $0xFFFF  }
0x126: {  	[bflag:$0x0] =	sbarrier.arrive $0xFFFF  }
.Ltmp17:
0x127: {  	[bflag:$0x0] =	sbarrier.arrive $0xFFFF;
	(pc) =	sbr.rel .LBB2_36-.Ltmp17, $3  }
0x128: {  	[bflag:$0x0] =	sbarrier.arrive $0xFFFF  }
0x129: {  	[bflag:$0x0] =	sbarrier.arrive $0xFFFF  }
0x12a: {  	[bflag:$0x0] =	sbarrier.arrive $0xFFFF;
	_ =	sdelay $0x1  }
.LBB2_21:
0x12b: {  	[bflag:$0x0] =	sbarrier.arrive $0xFFFF  }
0x12c: {  	s14 =	sld [smem:$0x7F7];
	_ =	sdelay $0x2  }
0x12d: {  	p6 =	seq.s32 s14, $0x1  }
.Ltmp18:
0x12e: {  	_ = 	snop;
	(pc) =	sbr.rel @p6 .LBB2_23-.Ltmp18, $1  }
0x12f: {  	_ =	sdelay $0x3  }
0x130: {  	[spmem:s1] =	stream.indirect.scatter.add.f32 [tilespmem:s29], [sflag:$0x3], $0x1, s23, s25, $0xb8;
	[tilespmem:$0x1E928] =	vst v63  }
0x131: {  	_ =	swait.ge [sflag:s22], $0x1900  }
0x132: {  	[sflag:s22] =	ssyncset.done $0x0  }
0x133: {  	[sflag:s22] =	ssyncadd.s32 $0xFFFFE700  }
0x134: {  	[spmem:s1] =	stream.indirect.scatter.add.f32 [tilespmem:s29], [sflag:$0x3], $0x1, s25, s25, $0xb8;
	[tilespmem:$0x1E928] =	vst v63  }
0x135: {  	_ =	swait.ge [sflag:s22], $0x1900  }
0x136: {  	[sflag:s22] =	ssyncset.done $0x0  }
0x137: {  	[sflag:s22] =	ssyncadd.s32 $0xFFFFE700  }
0x138: {  	[spmem:s1] =	stream.indirect.scatter.add.f32 [tilespmem:s29], [sflag:$0x3], $0x1, s28, s25, $0xb8;
	[tilespmem:$0x1E928] =	vst v63  }
0x139: {  	_ =	swait.ge [sflag:s22], $0x1900  }
0x13a: {  	[sflag:s22] =	ssyncset.done $0x0  }
0x13b: {  	[sflag:s22] =	ssyncadd.s32 $0xFFFFE700  }
0x13c: {  	[spmem:s1] =	stream.indirect.scatter.add.f32 [tilespmem:s29], [sflag:$0x3], $0x1, s2, s25, $0xb8;
	[tilespmem:$0x1E928] =	vst v63  }
0x13d: {  	_ =	swait.ge [sflag:s22], $0x1900  }
0x13e: {  	[sflag:s22] =	ssyncset.done $0x0  }
0x13f: {  	[sflag:s22] =	ssyncadd.s32 $0xFFFFE700  }
0x140: {  	[bflag:$0x0] =	sbarrier.arrive $0xFFFF  }
0x141: {  	[bflag:$0x0] =	sbarrier.arrive $0xFFFF  }
0x142: {  	[bflag:$0x0] =	sbarrier.arrive $0xFFFF  }
0x143: {  	[bflag:$0x0] =	sbarrier.arrive $0xFFFF  }
.Ltmp19:
0x144: {  	[bflag:$0x0] =	sbarrier.arrive $0xFFFF;
	(pc) =	sbr.rel .LBB2_36-.Ltmp19, $3  }
0x145: {  	[bflag:$0x0] =	sbarrier.arrive $0xFFFF  }
0x146: {  	[bflag:$0x0] =	sbarrier.arrive $0xFFFF  }
0x147: {  	[bflag:$0x0] =	sbarrier.arrive $0xFFFF;
	_ =	sdelay $0x1  }
.LBB2_23:
0x148: {  	[bflag:$0x0] =	sbarrier.arrive $0xFFFF  }
0x149: {  	s14 =	sld [smem:$0x7F8];
	_ =	sdelay $0x2  }
0x14a: {  	p6 =	seq.s32 s14, $0x1  }
.Ltmp20:
0x14b: {  	_ = 	snop;
	(pc) =	sbr.rel @p6 .LBB2_25-.Ltmp20, $1  }
0x14c: {  	_ =	sdelay $0x3  }
0x14d: {  	[spmem:s1] =	stream.indirect.scatter.add.f32 [tilespmem:s29], [sflag:$0x3], $0x1, s23, s25, $0xb8;
	[tilespmem:$0x1E928] =	vst v63  }
0x14e: {  	_ =	swait.ge [sflag:s22], $0x1900  }
0x14f: {  	[sflag:s22] =	ssyncset.done $0x0  }
0x150: {  	[sflag:s22] =	ssyncadd.s32 $0xFFFFE700  }
0x151: {  	[spmem:s1] =	stream.indirect.scatter.add.f32 [tilespmem:s29], [sflag:$0x3], $0x1, s25, s25, $0xb8;
	[tilespmem:$0x1E928] =	vst v63  }
0x152: {  	_ =	swait.ge [sflag:s22], $0x1900  }
0x153: {  	[sflag:s22] =	ssyncset.done $0x0  }
0x154: {  	[sflag:s22] =	ssyncadd.s32 $0xFFFFE700  }
0x155: {  	[spmem:s1] =	stream.indirect.scatter.add.f32 [tilespmem:s29], [sflag:$0x3], $0x1, s28, s25, $0xb8;
	[tilespmem:$0x1E928] =	vst v63  }
0x156: {  	_ =	swait.ge [sflag:s22], $0x1900  }
0x157: {  	[sflag:s22] =	ssyncset.done $0x0  }
0x158: {  	[sflag:s22] =	ssyncadd.s32 $0xFFFFE700  }
0x159: {  	[spmem:s1] =	stream.indirect.scatter.add.f32 [tilespmem:s29], [sflag:$0x3], $0x1, s2, s25, $0xb8;
	[tilespmem:$0x1E928] =	vst v63  }
0x15a: {  	_ =	swait.ge [sflag:s22], $0x1900  }
0x15b: {  	[sflag:s22] =	ssyncset.done $0x0  }
0x15c: {  	[sflag:s22] =	ssyncadd.s32 $0xFFFFE700  }
0x15d: {  	[bflag:$0x0] =	sbarrier.arrive $0xFFFF  }
0x15e: {  	[bflag:$0x0] =	sbarrier.arrive $0xFFFF  }
0x15f: {  	[bflag:$0x0] =	sbarrier.arrive $0xFFFF  }
.Ltmp21:
0x160: {  	[bflag:$0x0] =	sbarrier.arrive $0xFFFF;
	(pc) =	sbr.rel .LBB2_36-.Ltmp21, $3  }
0x161: {  	[bflag:$0x0] =	sbarrier.arrive $0xFFFF  }
0x162: {  	[bflag:$0x0] =	sbarrier.arrive $0xFFFF  }
0x163: {  	[bflag:$0x0] =	sbarrier.arrive $0xFFFF;
	_ =	sdelay $0x1  }
.LBB2_25:
0x164: {  	[bflag:$0x0] =	sbarrier.arrive $0xFFFF  }
0x165: {  	s14 =	sld [smem:$0x7F9];
	_ =	sdelay $0x2  }
0x166: {  	p6 =	seq.s32 s14, $0x1  }
.Ltmp22:
0x167: {  	_ = 	snop;
	(pc) =	sbr.rel @p6 .LBB2_27-.Ltmp22, $1  }
0x168: {  	_ =	sdelay $0x3  }
0x169: {  	[spmem:s1] =	stream.indirect.scatter.add.f32 [tilespmem:s29], [sflag:$0x3], $0x1, s23, s25, $0xb8;
	[tilespmem:$0x1E928] =	vst v63  }
0x16a: {  	_ =	swait.ge [sflag:s22], $0x1900  }
0x16b: {  	[sflag:s22] =	ssyncset.done $0x0  }
0x16c: {  	[sflag:s22] =	ssyncadd.s32 $0xFFFFE700  }
0x16d: {  	[spmem:s1] =	stream.indirect.scatter.add.f32 [tilespmem:s29], [sflag:$0x3], $0x1, s25, s25, $0xb8;
	[tilespmem:$0x1E928] =	vst v63  }
0x16e: {  	_ =	swait.ge [sflag:s22], $0x1900  }
0x16f: {  	[sflag:s22] =	ssyncset.done $0x0  }
0x170: {  	[sflag:s22] =	ssyncadd.s32 $0xFFFFE700  }
0x171: {  	[spmem:s1] =	stream.indirect.scatter.add.f32 [tilespmem:s29], [sflag:$0x3], $0x1, s28, s25, $0xb8;
	[tilespmem:$0x1E928] =	vst v63  }
0x172: {  	_ =	swait.ge [sflag:s22], $0x1900  }
0x173: {  	[sflag:s22] =	ssyncset.done $0x0  }
0x174: {  	[sflag:s22] =	ssyncadd.s32 $0xFFFFE700  }
0x175: {  	[spmem:s1] =	stream.indirect.scatter.add.f32 [tilespmem:s29], [sflag:$0x3], $0x1, s2, s25, $0xb8;
	[tilespmem:$0x1E928] =	vst v63  }
0x176: {  	_ =	swait.ge [sflag:s22], $0x1900  }
0x177: {  	[sflag:s22] =	ssyncset.done $0x0  }
0x178: {  	[sflag:s22] =	ssyncadd.s32 $0xFFFFE700  }
0x179: {  	[bflag:$0x0] =	sbarrier.arrive $0xFFFF  }
0x17a: {  	[bflag:$0x0] =	sbarrier.arrive $0xFFFF  }
.Ltmp23:
0x17b: {  	[bflag:$0x0] =	sbarrier.arrive $0xFFFF;
	(pc) =	sbr.rel .LBB2_36-.Ltmp23, $3  }
0x17c: {  	[bflag:$0x0] =	sbarrier.arrive $0xFFFF  }
0x17d: {  	[bflag:$0x0] =	sbarrier.arrive $0xFFFF  }
0x17e: {  	[bflag:$0x0] =	sbarrier.arrive $0xFFFF;
	_ =	sdelay $0x1  }
.LBB2_27:
0x17f: {  	[bflag:$0x0] =	sbarrier.arrive $0xFFFF  }
0x180: {  	s14 =	sld [smem:$0x7FA];
	_ =	sdelay $0x2  }
0x181: {  	p6 =	seq.s32 s14, $0x1  }
.Ltmp24:
0x182: {  	_ = 	snop;
	(pc) =	sbr.rel @p6 .LBB2_29-.Ltmp24, $1  }
0x183: {  	_ =	sdelay $0x3  }
0x184: {  	[spmem:s1] =	stream.indirect.scatter.add.f32 [tilespmem:s29], [sflag:$0x3], $0x1, s23, s25, $0xb8;
	[tilespmem:$0x1E928] =	vst v63  }
0x185: {  	_ =	swait.ge [sflag:s22], $0x1900  }
0x186: {  	[sflag:s22] =	ssyncset.done $0x0  }
0x187: {  	[sflag:s22] =	ssyncadd.s32 $0xFFFFE700  }
0x188: {  	[spmem:s1] =	stream.indirect.scatter.add.f32 [tilespmem:s29], [sflag:$0x3], $0x1, s25, s25, $0xb8;
	[tilespmem:$0x1E928] =	vst v63  }
0x189: {  	_ =	swait.ge [sflag:s22], $0x1900  }
0x18a: {  	[sflag:s22] =	ssyncset.done $0x0  }
0x18b: {  	[sflag:s22] =	ssyncadd.s32 $0xFFFFE700  }
0x18c: {  	[spmem:s1] =	stream.indirect.scatter.add.f32 [tilespmem:s29], [sflag:$0x3], $0x1, s28, s25, $0xb8;
	[tilespmem:$0x1E928] =	vst v63  }
0x18d: {  	_ =	swait.ge [sflag:s22], $0x1900  }
0x18e: {  	[sflag:s22] =	ssyncset.done $0x0  }
0x18f: {  	[sflag:s22] =	ssyncadd.s32 $0xFFFFE700  }
0x190: {  	[spmem:s1] =	stream.indirect.scatter.add.f32 [tilespmem:s29], [sflag:$0x3], $0x1, s2, s25, $0xb8;
	[tilespmem:$0x1E928] =	vst v63  }
0x191: {  	_ =	swait.ge [sflag:s22], $0x1900  }
0x192: {  	[sflag:s22] =	ssyncset.done $0x0  }
0x193: {  	[sflag:s22] =	ssyncadd.s32 $0xFFFFE700  }
0x194: {  	[bflag:$0x0] =	sbarrier.arrive $0xFFFF  }
.Ltmp25:
0x195: {  	[bflag:$0x0] =	sbarrier.arrive $0xFFFF;
	(pc) =	sbr.rel .LBB2_36-.Ltmp25, $3  }
0x196: {  	[bflag:$0x0] =	sbarrier.arrive $0xFFFF  }
0x197: {  	[bflag:$0x0] =	sbarrier.arrive $0xFFFF  }
0x198: {  	[bflag:$0x0] =	sbarrier.arrive $0xFFFF;
	_ =	sdelay $0x1  }
.LBB2_29:
0x199: {  	[bflag:$0x0] =	sbarrier.arrive $0xFFFF  }
0x19a: {  	s14 =	sld [smem:$0x7FB];
	_ =	sdelay $0x2  }
0x19b: {  	p6 =	seq.s32 s14, $0x1  }
.Ltmp26:
0x19c: {  	_ = 	snop;
	(pc) =	sbr.rel @p6 .LBB2_31-.Ltmp26, $1  }
0x19d: {  	_ =	sdelay $0x3  }
0x19e: {  	[spmem:s1] =	stream.indirect.scatter.add.f32 [tilespmem:s29], [sflag:$0x3], $0x1, s23, s25, $0xb8;
	[tilespmem:$0x1E928] =	vst v63  }
0x19f: {  	_ =	swait.ge [sflag:s22], $0x1900  }
0x1a0: {  	[sflag:s22] =	ssyncset.done $0x0  }
0x1a1: {  	[sflag:s22] =	ssyncadd.s32 $0xFFFFE700  }
0x1a2: {  	[spmem:s1] =	stream.indirect.scatter.add.f32 [tilespmem:s29], [sflag:$0x3], $0x1, s25, s25, $0xb8;
	[tilespmem:$0x1E928] =	vst v63  }
0x1a3: {  	_ =	swait.ge [sflag:s22], $0x1900  }
0x1a4: {  	[sflag:s22] =	ssyncset.done $0x0  }
0x1a5: {  	[sflag:s22] =	ssyncadd.s32 $0xFFFFE700  }
0x1a6: {  	[spmem:s1] =	stream.indirect.scatter.add.f32 [tilespmem:s29], [sflag:$0x3], $0x1, s28, s25, $0xb8;
	[tilespmem:$0x1E928] =	vst v63  }
0x1a7: {  	_ =	swait.ge [sflag:s22], $0x1900  }
0x1a8: {  	[sflag:s22] =	ssyncset.done $0x0  }
0x1a9: {  	[sflag:s22] =	ssyncadd.s32 $0xFFFFE700  }
0x1aa: {  	[spmem:s1] =	stream.indirect.scatter.add.f32 [tilespmem:s29], [sflag:$0x3], $0x1, s2, s25, $0xb8;
	[tilespmem:$0x1E928] =	vst v63  }
0x1ab: {  	_ =	swait.ge [sflag:s22], $0x1900  }
0x1ac: {  	[sflag:s22] =	ssyncset.done $0x0  }
0x1ad: {  	[sflag:s22] =	ssyncadd.s32 $0xFFFFE700  }
.Ltmp27:
0x1ae: {  	[bflag:$0x0] =	sbarrier.arrive $0xFFFF;
	(pc) =	sbr.rel .LBB2_36-.Ltmp27, $3  }
0x1af: {  	[bflag:$0x0] =	sbarrier.arrive $0xFFFF  }
0x1b0: {  	[bflag:$0x0] =	sbarrier.arrive $0xFFFF  }
0x1b1: {  	[bflag:$0x0] =	sbarrier.arrive $0xFFFF;
	_ =	sdelay $0x1  }
.LBB2_31:
0x1b2: {  	[bflag:$0x0] =	sbarrier.arrive $0xFFFF  }
0x1b3: {  	s14 =	sld [smem:$0x7FC];
	_ =	sdelay $0x2  }
0x1b4: {  	p6 =	seq.s32 s14, $0x1  }
.Ltmp28:
0x1b5: {  	_ = 	snop;
	(pc) =	sbr.rel @p6 .LBB2_33-.Ltmp28, $1  }
0x1b6: {  	_ =	sdelay $0x3  }
0x1b7: {  	[spmem:s1] =	stream.indirect.scatter.add.f32 [tilespmem:s29], [sflag:$0x3], $0x1, s23, s25, $0xb8;
	[tilespmem:$0x1E928] =	vst v63  }
0x1b8: {  	_ =	swait.ge [sflag:s22], $0x1900  }
0x1b9: {  	[sflag:s22] =	ssyncset.done $0x0  }
0x1ba: {  	[sflag:s22] =	ssyncadd.s32 $0xFFFFE700  }
0x1bb: {  	[spmem:s1] =	stream.indirect.scatter.add.f32 [tilespmem:s29], [sflag:$0x3], $0x1, s25, s25, $0xb8;
	[tilespmem:$0x1E928] =	vst v63  }
0x1bc: {  	_ =	swait.ge [sflag:s22], $0x1900  }
0x1bd: {  	[sflag:s22] =	ssyncset.done $0x0  }
0x1be: {  	[sflag:s22] =	ssyncadd.s32 $0xFFFFE700  }
0x1bf: {  	[spmem:s1] =	stream.indirect.scatter.add.f32 [tilespmem:s29], [sflag:$0x3], $0x1, s28, s25, $0xb8;
	[tilespmem:$0x1E928] =	vst v63  }
0x1c0: {  	_ =	swait.ge [sflag:s22], $0x1900  }
0x1c1: {  	[sflag:s22] =	ssyncset.done $0x0  }
0x1c2: {  	[sflag:s22] =	ssyncadd.s32 $0xFFFFE700  }
0x1c3: {  	[spmem:s1] =	stream.indirect.scatter.add.f32 [tilespmem:s29], [sflag:$0x3], $0x1, s2, s25, $0xb8;
	[tilespmem:$0x1E928] =	vst v63  }
0x1c4: {  	_ =	swait.ge [sflag:s22], $0x1900  }
0x1c5: {  	[sflag:s22] =	ssyncset.done $0x0  }
.Ltmp29:
0x1c6: {  	[sflag:s22] =	ssyncadd.s32 $0xFFFFE700;
	(pc) =	sbr.rel .LBB2_36-.Ltmp29, $3  }
0x1c7: {  	[bflag:$0x0] =	sbarrier.arrive $0xFFFF  }
0x1c8: {  	[bflag:$0x0] =	sbarrier.arrive $0xFFFF  }
0x1c9: {  	[bflag:$0x0] =	sbarrier.arrive $0xFFFF;
	_ =	sdelay $0x1  }
.LBB2_33:
0x1ca: {  	[bflag:$0x0] =	sbarrier.arrive $0xFFFF  }
0x1cb: {  	s14 =	sld [smem:$0x7FD];
	_ =	sdelay $0x2  }
0x1cc: {  	p6 =	seq.s32 s14, $0x1  }
.Ltmp30:
0x1cd: {  	_ = 	snop;
	(pc) =	sbr.rel @p6 .LBB2_35-.Ltmp30, $1  }
0x1ce: {  	_ =	sdelay $0x3  }
0x1cf: {  	[spmem:s1] =	stream.indirect.scatter.add.f32 [tilespmem:s29], [sflag:$0x3], $0x1, s23, s25, $0xb8;
	[tilespmem:$0x1E928] =	vst v63  }
0x1d0: {  	_ =	swait.ge [sflag:s22], $0x1900  }
0x1d1: {  	[sflag:s22] =	ssyncset.done $0x0  }
0x1d2: {  	[sflag:s22] =	ssyncadd.s32 $0xFFFFE700  }
0x1d3: {  	[spmem:s1] =	stream.indirect.scatter.add.f32 [tilespmem:s29], [sflag:$0x3], $0x1, s25, s25, $0xb8;
	[tilespmem:$0x1E928] =	vst v63  }
0x1d4: {  	_ =	swait.ge [sflag:s22], $0x1900  }
0x1d5: {  	[sflag:s22] =	ssyncset.done $0x0  }
0x1d6: {  	[sflag:s22] =	ssyncadd.s32 $0xFFFFE700  }
0x1d7: {  	[spmem:s1] =	stream.indirect.scatter.add.f32 [tilespmem:s29], [sflag:$0x3], $0x1, s28, s25, $0xb8;
	[tilespmem:$0x1E928] =	vst v63  }
0x1d8: {  	_ =	swait.ge [sflag:s22], $0x1900  }
0x1d9: {  	[sflag:s22] =	ssyncset.done $0x0  }
0x1da: {  	[sflag:s22] =	ssyncadd.s32 $0xFFFFE700  }
0x1db: {  	[spmem:s1] =	stream.indirect.scatter.add.f32 [tilespmem:s29], [sflag:$0x3], $0x1, s2, s25, $0xb8;
	[tilespmem:$0x1E928] =	vst v63  }
0x1dc: {  	_ =	swait.ge [sflag:s22], $0x1900  }
.Ltmp31:
0x1dd: {  	[sflag:s22] =	ssyncset.done $0x0;
	(pc) =	sbr.rel .LBB2_36-.Ltmp31, $3  }
0x1de: {  	[sflag:s22] =	ssyncadd.s32 $0xFFFFE700  }
0x1df: {  	[bflag:$0x0] =	sbarrier.arrive $0xFFFF  }
0x1e0: {  	[bflag:$0x0] =	sbarrier.arrive $0xFFFF;
	_ =	sdelay $0x1  }
.LBB2_35:
0x1e1: {  	[bflag:$0x0] =	sbarrier.arrive $0xFFFF  }
0x1e2: {  	[bflag:$0x0] =	sbarrier.arrive @p2 $0xFFFF  }
0x1e3: {  	s2 =	sld [smem:$0x7F4];
	_ =	sdelay $0x2  }
0x1e4: {  	p6 =	seq.s32 s2, $0x1  }
0x1e5: {  	s2 =	simm.s32 @!p6 $0x1900;
	s14 =	simm.s32 @!p6 $0x0;
	s23 =	simm.s32 @!p6 $0x6400  }
0x1e6: {  	[spmem:s1] =	stream.indirect.scatter.add.f32 @!p6 [tilespmem:s23], [sflag:$0x3], $0x1, s14, s2, $0xb8;
	[tilespmem:$0x1E928] =	vst v63  }
0x1e7: {  	s14 =	simm.s32 @!p6 $0x3  }
0x1e8: {  	_ =	swait.ge @!p6 [sflag:s14], $0x1900  }
0x1e9: {  	[sflag:s14] =	ssyncset.done @!p6 $0x0  }
0x1ea: {  	[sflag:s14] =	ssyncadd.s32 @!p6 $0xFFFFE700  }
0x1eb: {  	[spmem:s1] =	stream.indirect.scatter.add.f32 @!p6 [tilespmem:s23], [sflag:$0x3], $0x1, s2, s2, $0xb8;
	[tilespmem:$0x1E928] =	vst v63  }
0x1ec: {  	_ =	swait.ge @!p6 [sflag:s14], $0x1900  }
0x1ed: {  	[sflag:s14] =	ssyncset.done @!p6 $0x0  }
0x1ee: {  	s24 =	simm.s32 @!p6 $0x3200;
	[sflag:s14] =	ssyncadd.s32 @!p6 $0xFFFFE700  }
0x1ef: {  	[spmem:s1] =	stream.indirect.scatter.add.f32 @!p6 [tilespmem:s23], [sflag:$0x3], $0x1, s24, s2, $0xb8;
	[tilespmem:$0x1E928] =	vst v63  }
0x1f0: {  	_ =	swait.ge @!p6 [sflag:s14], $0x1900  }
0x1f1: {  	[sflag:s14] =	ssyncset.done @!p6 $0x0  }
0x1f2: {  	s24 =	simm.s32 @!p6 $0x4B00;
	[sflag:s14] =	ssyncadd.s32 @!p6 $0xFFFFE700  }
0x1f3: {  	[spmem:s1] =	stream.indirect.scatter.add.f32 @!p6 [tilespmem:s23], [sflag:$0x3], $0x1, s24, s2, $0xb8;
	[tilespmem:$0x1E928] =	vst v63  }
0x1f4: {  	_ =	swait.ge @!p6 [sflag:s14], $0x1900  }
0x1f5: {  	s2 =	simm.s32 @!p2 $0x1900;
	[sflag:s14] =	ssyncset.done @!p6 $0x0  }
0x1f6: {  	s23 =	simm.s32 @!p2 $0x6400;
	[sflag:s14] =	ssyncadd.s32 @!p6 $0xFFFFE700;
	s14 =	simm.s32 @!p2 $0x0  }
0x1f7: {  	[spmem:s1] =	stream.indirect.scatter.add.f32 @!p2 [tilespmem:s23], [sflag:$0x3], $0x1, s14, s2, $0xb8;
	[tilespmem:$0x1E928] =	vst v63  }
0x1f8: {  	s14 =	simm.s32 @!p2 $0x3  }
0x1f9: {  	_ =	swait.ge @!p2 [sflag:s14], $0x1900  }
0x1fa: {  	[sflag:s14] =	ssyncset.done @!p2 $0x0  }
0x1fb: {  	[sflag:s14] =	ssyncadd.s32 @!p2 $0xFFFFE700  }
0x1fc: {  	[spmem:s1] =	stream.indirect.scatter.add.f32 @!p2 [tilespmem:s23], [sflag:$0x3], $0x1, s2, s2, $0xb8;
	[tilespmem:$0x1E928] =	vst v63  }
0x1fd: {  	_ =	swait.ge @!p2 [sflag:s14], $0x1900  }
0x1fe: {  	[sflag:s14] =	ssyncset.done @!p2 $0x0  }
0x1ff: {  	s24 =	simm.s32 @!p2 $0x3200;
	[sflag:s14] =	ssyncadd.s32 @!p2 $0xFFFFE700  }
0x200: {  	[spmem:s1] =	stream.indirect.scatter.add.f32 @!p2 [tilespmem:s23], [sflag:$0x3], $0x1, s24, s2, $0xb8;
	[tilespmem:$0x1E928] =	vst v63  }
0x201: {  	_ =	swait.ge @!p2 [sflag:s14], $0x1900  }
0x202: {  	[sflag:s14] =	ssyncset.done @!p2 $0x0  }
0x203: {  	s24 =	simm.s32 @!p2 $0x4B00;
	[sflag:s14] =	ssyncadd.s32 @!p2 $0xFFFFE700  }
0x204: {  	[spmem:s1] =	stream.indirect.scatter.add.f32 @!p2 [tilespmem:s23], [sflag:$0x3], $0x1, s24, s2, $0xb8;
	[tilespmem:$0x1E928] =	vst v63  }
0x205: {  	_ =	swait.ge @!p2 [sflag:s14], $0x1900  }
0x206: {  	[sflag:s14] =	ssyncset.done @!p2 $0x0  }
0x207: {  	[sflag:s14] =	ssyncadd.s32 @!p2 $0xFFFFE700  }
0x208: {  	[bflag:$0x0] =	sbarrier.arrive @!p2 $0xFFFF  }
.LBB2_36:
0x209: {  	v2 =	vimm.f32 $0.0e+00;
	v3 =	vimm.f32 $0.0e+00;
	v4 =	vimm.f32 $0.0e+00  }
0x20a: {  	v5 =	vimm.f32 $0.0e+00;
	v6 =	vimm.f32 $0.0e+00;
	v7 =	vimm.f32 $0.0e+00  }
0x20b: {  	[bflag:$0x0] =	sbarrier.arrive $0xFFFF;
	s28 =	simm.s32 $0x0;
	v8 =	vimm.f32 $0.0e+00;
	v9 =	vimm.f32 $0.0e+00;
	v10 =	vimm.f32 $0.0e+00;
	s14 =	simm.s32 $0x0  }
.LBB2_37:
0x20c: {  	s2 =	sshll.u32 s14, $0x4  }
0x20d: {  	s2 =	sor.u32 s8, s2  }
0x20e: {  	s2 =	smul.u32 $0xFA0, s2;
	_ =	sdelay $0x1  }
0x20f: {  	s23 =	sadd.s32 s2, s1  }
0x210: {  	[tilespmem:s21], [sflag:$0x3] =	stream.linear.gather [spmem:s23], $0xFA0, $0x38;
	[tilespmem:$0x1E928] =	vst v63  }
0x211: {  	_ =	swait.ge [sflag:s22], $0xFA0  }
0x212: {  	s2 =	sshrl.u32 s2, $0x3;
	[sflag:s22] =	ssyncset.done $0x0  }
0x213: {  	s24 =	sadd.s32 s3, s2;
	[sflag:s22] =	ssyncadd.s32 $0xFFFFF060  }
0x214: {  	[tilespmem:s30], [sflag:$0x1] =	stream.linear.gather [hbm4b:s24+s28], $0xFA0, $0x38;
	[tilespmem:$0x1E928] =	vst v63  }
0x215: {  	s24 =	sadd.s32 s4, s2  }
0x216: {  	[tilespmem:s31], [sflag:$0x1] =	stream.linear.gather [hbm4b:s24+s28], $0xFA0, $0x38;
	[tilespmem:$0x1E928] =	vst v63  }
0x217: {  	s24 =	sadd.s32 s5, s2  }
0x218: {  	[tilespmem:s0], [sflag:$0x1] =	stream.linear.gather [hbm4b:s24+s28], $0xFA0, $0x38;
	[tilespmem:$0x1E928] =	vst v63  }
0x219: {  	s24 =	sadd.s32 s6, s2  }
0x21a: {  	[tilespmem:s15], [sflag:$0x2] =	stream.linear.gather [hbm4b:s24+s28], $0xFA0, $0x38;
	[tilespmem:$0x1E928] =	vst v63  }
0x21b: {  	s24 =	sadd.s32 s7, s2  }
0x21c: {  	[tilespmem:s16], [sflag:$0x2] =	stream.linear.gather [hbm4b:s24+s28], $0xFA0, $0x38;
	[tilespmem:$0x1E928] =	vst v63  }
0x21d: {  	s24 =	sadd.s32 s9, s2  }
0x21e: {  	[tilespmem:s17], [sflag:$0x2] =	stream.linear.gather [hbm4b:s24+s28], $0xFA0, $0x38;
	[tilespmem:$0x1E928] =	vst v63  }
0x21f: {  	_ =	swait.ge [sflag:s18], $0xFA0  }
0x220: {  	[sflag:s18] =	ssyncset.done $0x0  }
0x221: {  	[sflag:s18] =	ssyncadd.s32 $0xFFFFF060  }
0x222: {  	_ =	swait.ge [sflag:s18], $0xFA0  }
0x223: {  	[sflag:s18] =	ssyncset.done $0x0  }
0x224: {  	[sflag:s18] =	ssyncadd.s32 $0xFFFFF060  }
0x225: {  	_ =	swait.ge [sflag:s18], $0xFA0  }
0x226: {  	[sflag:s18] =	ssyncset.done $0x0  }
0x227: {  	s24 =	simm.s32 $0x0;
	[sflag:s18] =	ssyncadd.s32 $0xFFFFF060  }
0x228: {  	v18 =	vld [tilespmem:s24+$0x7D10]  }
0x229: {  	v15 =	vld [tilespmem:s24+$0x8D10]  }
0x22a: {  	v14 =	vld [tilespmem:s24+$0x7D00]  }
0x22b: {  	v12 =	vld [tilespmem:s24+$0x8D00]  }
0x22c: {  	v16 =	vld [tilespmem:s24+$0x9D00]  }
0x22d: {  	v17 =	vld [tilespmem:s24+$0xAD00]  }
0x22e: {  	v19 =	vld [tilespmem:s24+$0x9D10]  }
0x22f: {  	s23 =	simm.s32 $0x20;
	v20 =	vld [tilespmem:s24+$0xAD10]  }
0x230: {  	v11 =	vld [tilespmem:s23+$0x7D10]  }
0x231: {  	v13 =	vld [tilespmem:s23+$0x8D10];
	v21 =	vmul.f32 v12, v14  }
0x232: {  	v12 =	vld [tilespmem:s23+$0x7D00];
	v22 =	vmul.f32 v16, v14;
	v23 =	vmul.f32 v17, v14  }
0x233: {  	v14 =	vld [tilespmem:s23+$0x8D00];
	v17 =	vmul.f32 v15, v18;
	v15 =	vmul.f32 v19, v18;
	v16 =	vadd.f32 v21, v10  }
0x234: {  	s24 =	simm.s32 $0x100;
	v18 =	vmul.f32 v20, v18;
	v10 =	vld [tilespmem:s23+$0x9D00];
	v9 =	vadd.f32 v22, v9;
	v8 =	vadd.f32 v23, v8  }
.LBB2_38:
0x235: {  	p6 =	sne.s32 s24, $0x3E00;
	v19 =	vld [tilespmem:s23+$0xAD00];
	v16 =	vadd.f32 v17, v16;
	v20 =	vmov v11  }
0x236: {  	v21 =	vld [tilespmem:s23+$0x9D10];
	v9 =	vadd.f32 v15, v9;
	v8 =	vadd.f32 v18, v8;
	v15 =	vmov v13  }
0x237: {  	v18 =	vld [tilespmem:s23+$0xAD10];
	s23 =	sshra.s32 s24, $0x2  }
.Ltmp32:
0x238: {  	v11 =	vld [tilespmem:s23+$0x7D10];
	(pc) =	sbr.rel @p6 .LBB2_38-.Ltmp32, $4  }
0x239: {  	v17 =	vmul.f32 v14, v12;
	v13 =	vld [tilespmem:s23+$0x8D10]  }
0x23a: {  	v22 =	vmul.f32 v10, v12;
	v19 =	vmul.f32 v19, v12;
	v12 =	vld [tilespmem:s23+$0x7D00]  }
0x23b: {  	v16 =	vadd.f32 v17, v16;
	v17 =	vmul.f32 v15, v20;
	v14 =	vld [tilespmem:s23+$0x8D00];
	v15 =	vmul.f32 v21, v20  }
0x23c: {  	s24 =	sadd.s32 $0x80, s24;
	v9 =	vadd.f32 v22, v9;
	v10 =	vld [tilespmem:s23+$0x9D00];
	v8 =	vadd.f32 v19, v8;
	v18 =	vmul.f32 v18, v20  }
0x23d: {  	v19 =	vld [tilespmem:s23+$0xAD00]  }
0x23e: {  	v20 =	vld [tilespmem:s23+$0x9D10]  }
0x23f: {  	v21 =	vld [tilespmem:s23+$0xAD10];
	s23 =	sadd.s32 s10, s2;
	s24 =	simm.s32 $0x0  }
0x240: {  	[tilespmem:s30], [sflag:$0x1] =	stream.linear.gather [hbm4b:s23+s24], $0xFA0, $0x38;
	[tilespmem:$0x1E928] =	vst v63  }
0x241: {  	s23 =	sadd.s32 s11, s2  }
0x242: {  	[tilespmem:s31], [sflag:$0x1] =	stream.linear.gather [hbm4b:s23+s24], $0xFA0, $0x38;
	[tilespmem:$0x1E928] =	vst v63  }
0x243: {  	s23 =	sadd.s32 s12, s2  }
0x244: {  	[tilespmem:s0], [sflag:$0x1] =	stream.linear.gather [hbm4b:s23+s24], $0xFA0, $0x38;
	[tilespmem:$0x1E928] =	vst v63  }
0x245: {  	_ =	swait.ge [sflag:s19], $0xFA0  }
0x246: {  	[sflag:s19] =	ssyncset.done $0x0  }
0x247: {  	[sflag:s19] =	ssyncadd.s32 $0xFFFFF060  }
0x248: {  	_ =	swait.ge [sflag:s19], $0xFA0  }
0x249: {  	[sflag:s19] =	ssyncset.done $0x0  }
0x24a: {  	[sflag:s19] =	ssyncadd.s32 $0xFFFFF060  }
0x24b: {  	_ =	swait.ge [sflag:s19], $0xFA0  }
0x24c: {  	[sflag:s19] =	ssyncset.done $0x0  }
0x24d: {  	s24 =	simm.s32 $0x0;
	[sflag:s19] =	ssyncadd.s32 $0xFFFFF060  }
0x24e: {  	v22 =	vld [tilespmem:s24+$0x7D10]  }
0x24f: {  	v23 =	vld [tilespmem:s24+$0xBD10]  }
0x250: {  	v24 =	vld [tilespmem:s24+$0x7D00]  }
0x251: {  	v25 =	vld [tilespmem:s24+$0xBD00]  }
0x252: {  	v16 =	vadd.f32 v17, v16;
	v17 =	vld [tilespmem:s24+$0xCD00]  }
0x253: {  	v9 =	vadd.f32 v15, v9;
	v14 =	vmul.f32 v14, v12;
	v10 =	vmul.f32 v10, v12;
	v15 =	vld [tilespmem:s24+$0xDD00]  }
0x254: {  	v8 =	vadd.f32 v18, v8;
	v13 =	vmul.f32 v13, v11;
	v12 =	vmul.f32 v19, v12;
	v18 =	vld [tilespmem:s24+$0xCD10]  }
0x255: {  	s2 =	simm.s32 $0x20;
	v14 =	vadd.f32 v14, v16;
	v16 =	vmul.f32 v20, v11;
	v9 =	vadd.f32 v10, v9;
	v19 =	vld [tilespmem:s24+$0xDD10]  }
0x256: {  	v20 =	vmul.f32 v21, v11;
	v8 =	vadd.f32 v12, v8;
	v11 =	vld [tilespmem:s2+$0x7D10]  }
0x257: {  	v10 =	vadd.f32 v13, v14;
	v9 =	vadd.f32 v16, v9;
	v12 =	vld [tilespmem:s2+$0xBD10];
	v16 =	vmul.f32 v25, v24  }
0x258: {  	v8 =	vadd.f32 v20, v8;
	v13 =	vld [tilespmem:s2+$0x7D00];
	v20 =	vmul.f32 v17, v24;
	v63 =	vmul.f32 v15, v24  }
0x259: {  	v14 =	vld [tilespmem:s2+$0xBD00];
	v17 =	vmul.f32 v23, v22;
	v15 =	vmul.f32 v18, v22;
	v16 =	vadd.f32 v16, v7  }
0x25a: {  	s23 =	simm.s32 $0x100;
	v18 =	vmul.f32 v19, v22;
	v7 =	vld [tilespmem:s2+$0xCD00];
	v6 =	vadd.f32 v20, v6;
	v5 =	vadd.f32 v63, v5  }
.LBB2_40:
0x25b: {  	p6 =	sne.s32 s23, $0x3E00;
	v19 =	vld [tilespmem:s2+$0xDD00];
	v16 =	vadd.f32 v17, v16;
	v20 =	vmov v11  }
0x25c: {  	v21 =	vld [tilespmem:s2+$0xCD10];
	v6 =	vadd.f32 v15, v6;
	v5 =	vadd.f32 v18, v5;
	v15 =	vmov v12  }
0x25d: {  	v18 =	vld [tilespmem:s2+$0xDD10];
	s2 =	sshra.s32 s23, $0x2  }
.Ltmp33:
0x25e: {  	v11 =	vld [tilespmem:s2+$0x7D10];
	(pc) =	sbr.rel @p6 .LBB2_40-.Ltmp33, $4  }
0x25f: {  	v17 =	vmul.f32 v14, v13;
	v12 =	vld [tilespmem:s2+$0xBD10]  }
0x260: {  	v22 =	vmul.f32 v7, v13;
	v19 =	vmul.f32 v19, v13;
	v13 =	vld [tilespmem:s2+$0x7D00]  }
0x261: {  	v16 =	vadd.f32 v17, v16;
	v17 =	vmul.f32 v15, v20;
	v14 =	vld [tilespmem:s2+$0xBD00];
	v15 =	vmul.f32 v21, v20  }
0x262: {  	s23 =	sadd.s32 $0x80, s23;
	v6 =	vadd.f32 v22, v6;
	v7 =	vld [tilespmem:s2+$0xCD00];
	v5 =	vadd.f32 v19, v5;
	v18 =	vmul.f32 v18, v20  }
0x263: {  	v19 =	vld [tilespmem:s2+$0xDD00]  }
0x264: {  	v20 =	vld [tilespmem:s2+$0xCD10]  }
0x265: {  	v21 =	vld [tilespmem:s2+$0xDD10];
	_ =	swait.ge [sflag:s18], $0xFA0  }
0x266: {  	[sflag:s18] =	ssyncset.done $0x0  }
0x267: {  	[sflag:s18] =	ssyncadd.s32 $0xFFFFF060  }
0x268: {  	_ =	swait.ge [sflag:s18], $0xFA0  }
0x269: {  	[sflag:s18] =	ssyncset.done $0x0  }
0x26a: {  	[sflag:s18] =	ssyncadd.s32 $0xFFFFF060  }
0x26b: {  	_ =	swait.ge [sflag:s18], $0xFA0  }
0x26c: {  	[sflag:s18] =	ssyncset.done $0x0  }
0x26d: {  	s23 =	simm.s32 $0x0;
	[sflag:s18] =	ssyncadd.s32 $0xFFFFF060  }
0x26e: {  	v22 =	vld [tilespmem:s23+$0x7D10]  }
0x26f: {  	v23 =	vld [tilespmem:s23+$0x8D10]  }
0x270: {  	v24 =	vld [tilespmem:s23+$0x7D00]  }
0x271: {  	v25 =	vld [tilespmem:s23+$0x8D00]  }
0x272: {  	v16 =	vadd.f32 v17, v16;
	v17 =	vld [tilespmem:s23+$0x9D00]  }
0x273: {  	v6 =	vadd.f32 v15, v6;
	v14 =	vmul.f32 v14, v13;
	v7 =	vmul.f32 v7, v13;
	v15 =	vld [tilespmem:s23+$0xAD00]  }
0x274: {  	v5 =	vadd.f32 v18, v5;
	v12 =	vmul.f32 v12, v11;
	v13 =	vmul.f32 v19, v13;
	v18 =	vld [tilespmem:s23+$0x9D10]  }
0x275: {  	s2 =	simm.s32 $0x20;
	v14 =	vadd.f32 v14, v16;
	v16 =	vmul.f32 v20, v11;
	v6 =	vadd.f32 v7, v6;
	v19 =	vld [tilespmem:s23+$0xAD10]  }
0x276: {  	v20 =	vmul.f32 v21, v11;
	v5 =	vadd.f32 v13, v5;
	v11 =	vld [tilespmem:s2+$0x7D10]  }
0x277: {  	v7 =	vadd.f32 v12, v14;
	v6 =	vadd.f32 v16, v6;
	v13 =	vld [tilespmem:s2+$0x8D10];
	v16 =	vmul.f32 v25, v24  }
0x278: {  	v5 =	vadd.f32 v20, v5;
	v12 =	vld [tilespmem:s2+$0x7D00];
	v20 =	vmul.f32 v17, v24;
	v63 =	vmul.f32 v15, v24  }
0x279: {  	v14 =	vld [tilespmem:s2+$0x8D00];
	v17 =	vmul.f32 v23, v22;
	v15 =	vmul.f32 v18, v22;
	v16 =	vadd.f32 v16, v4  }
0x27a: {  	s23 =	simm.s32 $0x100;
	v18 =	vmul.f32 v19, v22;
	v4 =	vld [tilespmem:s2+$0x9D00];
	v3 =	vadd.f32 v20, v3;
	v2 =	vadd.f32 v63, v2  }
.LBB2_42:
0x27b: {  	p6 =	sne.s32 s23, $0x3E00;
	v19 =	vld [tilespmem:s2+$0xAD00];
	v16 =	vadd.f32 v17, v16;
	v20 =	vmov v11  }
0x27c: {  	v21 =	vld [tilespmem:s2+$0x9D10];
	v3 =	vadd.f32 v15, v3;
	v2 =	vadd.f32 v18, v2;
	v15 =	vmov v13  }
0x27d: {  	v18 =	vld [tilespmem:s2+$0xAD10];
	s2 =	sshra.s32 s23, $0x2  }
.Ltmp34:
0x27e: {  	v11 =	vld [tilespmem:s2+$0x7D10];
	(pc) =	sbr.rel @p6 .LBB2_42-.Ltmp34, $4  }
0x27f: {  	v17 =	vmul.f32 v14, v12;
	v13 =	vld [tilespmem:s2+$0x8D10]  }
0x280: {  	v22 =	vmul.f32 v4, v12;
	v19 =	vmul.f32 v19, v12;
	v12 =	vld [tilespmem:s2+$0x7D00]  }
0x281: {  	v16 =	vadd.f32 v17, v16;
	v17 =	vmul.f32 v15, v20;
	v14 =	vld [tilespmem:s2+$0x8D00];
	v15 =	vmul.f32 v21, v20  }
0x282: {  	s23 =	sadd.s32 $0x80, s23;
	v3 =	vadd.f32 v22, v3;
	v4 =	vld [tilespmem:s2+$0x9D00];
	v2 =	vadd.f32 v19, v2;
	v18 =	vmul.f32 v18, v20  }
0x283: {  	v19 =	vld [tilespmem:s2+$0xAD00]  }
0x284: {  	v20 =	vld [tilespmem:s2+$0x9D10]  }
0x285: {  	v21 =	vld [tilespmem:s2+$0xAD10]  }
0x286: {  	s14 =	sadd.s32 $0x1, s14  }
0x287: {  	v16 =	vadd.f32 v17, v16;
	v3 =	vadd.f32 v15, v3;
	p6 =	sne.s32 s14, s13;
	v14 =	vmul.f32 v14, v12  }
.Ltmp35:
0x288: {  	v2 =	vadd.f32 v18, v2;
	v4 =	vmul.f32 v4, v12;
	v62 =	vmul.f32 v19, v12;
	(pc) =	sbr.rel @p6 .LBB2_37-.Ltmp35, $4  }
0x289: {  	v13 =	vmul.f32 v13, v11;
	v14 =	vadd.f32 v14, v16;
	v63 =	vmul.f32 v20, v11  }
0x28a: {  	v11 =	vmul.f32 v21, v11;
	v3 =	vadd.f32 v4, v3;
	v2 =	vadd.f32 v62, v2  }
0x28b: {  	v4 =	vadd.f32 v13, v14  }
0x28c: {  	v3 =	vadd.f32 v63, v3;
	v2 =	vadd.f32 v11, v2  }
0x28d: {  	v10 =	vmul.f32 $5.000000000e+00, v10  }
0x28e: {  	v9 =	vmul.f32 $5.000000000e+00, v9  }
0x28f: {  	v8 =	vmul.f32 $5.000000000e+00, v8;
	[tilespmem:$0xED00] =	vst v10  }
0x290: {  	v7 =	vmul.f32 $1.000000000e+01, v7;
	[tilespmem:$0xED80] =	vst v9  }
0x291: {  	v6 =	vmul.f32 $1.000000000e+01, v6;
	[tilespmem:$0xEE00] =	vst v8  }
0x292: {  	v5 =	vmul.f32 $1.000000000e+01, v5;
	[tilespmem:$0xEE80] =	vst v7  }
0x293: {  	v4 =	vmul.f32 $6.000000000e+00, v4;
	[tilespmem:$0xEF00] =	vst v6  }
0x294: {  	v3 =	vmul.f32 $6.000000000e+00, v3;
	[tilespmem:$0xEF80] =	vst v5  }
0x295: {  	v2 =	vmul.f32 $6.000000000e+00, v2;
	[tilespmem:$0xF000] =	vst v4  }
0x296: {  	[tilespmem:$0xF080] =	vst v3  }
0x297: {  	s23 =	simm.s32 $0x0;
	s2 =	rddreg [dreg:$0x7];
	s14 =	simm.s32 $0xED00;
	[tilespmem:$0xF100] =	vst v2  }
0x298: {  	[hbm4b:s2+s23] =	stream.linear.scatter [tilespmem:s14], [sflag:$0x3], $0x480, $0x38;
	[tilespmem:$0x1E928] =	vst v63  }
0x299: {  	_ =	swait.ge [sflag:s22], $0x480  }
0x29a: {  	s26 =	sadd.s32 $0x1, s26;
	s24 =	rddreg [dreg:$0x8]  }
0x29b: {  	p6 =	sne.s32 s26, s24  }
.Ltmp36:
0x29c: {  	_ = 	snop;
	(pc) =	sbr.rel @p6 .LBB2_1-.Ltmp36, $3  }
0x29d: {  	_ =	sdelay $0x1  }
0x29e: {  	[sflag:s22] =	ssyncset.done $0x0  }
0x29f: {  	s28 =	simm.s32 $0x3200;
	[sflag:s22] =	ssyncadd.s32 $0xFFFFFB80  }
0x2a0: {  	_ =	sfence.sel $0x180000  }
0x2a1: {  	[bflag:$0x0] =	sbarrier.arrive $0xFFFF  }
0x2a2: {  	_ =	strace $0x90000047  }
0x2a3: {  	[bflag:$0x2] =	sbarrier.arrive $0xFFFF  }
0x2a4: {  	s0 =	rddreg [dreg:$0x2]  }
0x2a5: {  	s0 =	sadd.s32 @!p0 $0x100000, s0  }
0x2a6: {  	[sflag:s0] =	ssyncadd.tile.s32 @!p0 $0x1;
	_ =	shalt  }
.Lfunc_end2:
_tile_overlayer_lowered:
.L_overlay_start_2:
0x2a7: {  	(tag) =	ssettag $0x2  }
0x2a8: {  	s0 =	rddreg [dreg:$0x0];
	s2 =	stileid.u32  }
0x2a9: {  	s1 =	rddreg [dreg:$0x1];
	p0 =	sne.s32 s2, $0x0  }
0x2aa: {  	s3 =	rddreg [dreg:$0x2];
	[bflag:$0x3] =	sbarrier.arrive $0xFFFF;
	s2 =	simm.s32 @!p0 $0x1C03  }
0x2ab: {  	[timem:s3], [sflag:s2] =	dma.local @!p0 [hbm:s0], s1  }
0x2ac: {  	s0 =	simm.s32 @!p0 $0x3  }
0x2ad: {  	_ =	swait.ge @!p0 [sflag:s0], s1  }
0x2ae: {  	s1 =	ssub.s32 @!p0 $0x0, s1;
	[sflag:s0] =	ssyncset.done @!p0 $0x0  }
0x2af: {  	[sflag:s0] =	ssyncadd.s32 @!p0 s1  }
0x2b0: {  	[bflag:$0x3] =	sbarrier.arrive $0xFFFF  }
0x2b1: {  	_ =	shalt  }

</sc_bundles>
